<compile_context>
chip_gen: v7x
topology: tpu7x:2x2x1
jax: 0.10.2.dev20260603
libtpu: 0.0.44.dev20260713+nightly
codegen_flags: <defaults>
</compile_context>

<pallas_src>
import functools

import jax
import jax.numpy as jnp
from jax import lax
from jax.experimental import pallas as pl
from jax.experimental.pallas import tpu as pltpu
from jax.experimental.pallas import tpu_sc as plsc

N_NODES = 10000
D_FEAT = 128
NC, NS = 2, 16
NW = NC * NS
EB = 128
ACC_ROWS = 10112
STRIPE = ACC_ROWS // NS
DUMMY = N_NODES

_MESH = plsc.VectorSubcoreMesh(core_axis_name="c", subcore_axis_name="s",
                               num_cores=NC, num_subcores=NS)


def _degree_body(rows_hbm, ones_hbm, zeros_hbm, out_hbm, ridx, ones_v, acc):
    nb = ridx.shape[0]
    cid = lax.axis_index("c")
    sid = lax.axis_index("s")
    wid = sid * NC + cid
    pltpu.sync_copy(zeros_hbm, acc.at[pl.ds(sid * STRIPE, STRIPE)])
    pltpu.sync_copy(rows_hbm.at[wid], ridx)
    pltpu.sync_copy(ones_hbm, ones_v)
    plsc.subcore_barrier()

    def step(b, carry):
        pltpu.sync_copy(ones_v, acc.at[ridx.at[b]], add=True)
        return carry

    lax.fori_loop(0, nb, step, 0)
    plsc.subcore_barrier()
    pltpu.sync_copy(acc.at[pl.ds(sid * STRIPE, STRIPE)],
                    out_hbm.at[cid, pl.ds(sid * STRIPE, STRIPE)])


def _make_degree(nb):
    return pl.kernel(
        _degree_body,
        out_type=jax.ShapeDtypeStruct((NC, ACC_ROWS, D_FEAT), jnp.float32),
        mesh=_MESH,
        scratch_types=[
            pltpu.VMEM((nb, EB), jnp.int32),
            pltpu.VMEM((EB, D_FEAT), jnp.float32),
            pltpu.VMEM_SHARED((ACC_ROWS, D_FEAT), jnp.float32),
        ],
    )


NBUF = 2
SB = 8


def _spmm_body(nb0, nb1, g_hbm, rows_hbm, cols_hbm, zeros_hbm, out_hbm,
               rring, cring, bufs, acc, gsems, isem):
    cid = lax.axis_index("c")
    sid = lax.axis_index("s")
    wid = sid * NC + cid
    nb = jnp.where(cid == 0, nb0, nb1)
    ng = jnp.where(cid == 0, nb0 // SB, nb1 // SB)
    pltpu.sync_copy(zeros_hbm, acc.at[pl.ds(sid * STRIPE, STRIPE)])

    def stage(grp, slot, sem):
        off = pl.multiple_of(grp * SB, SB)
        roff = pl.multiple_of(slot * SB, SB)
        pltpu.async_copy(rows_hbm.at[wid, pl.ds(off, SB)],
                         rring.at[pl.ds(roff, SB)], sem)
        pltpu.async_copy(cols_hbm.at[wid, pl.ds(off, SB)],
                         cring.at[pl.ds(roff, SB)], sem)

    def stage_wait(grp, slot, sem):
        off = pl.multiple_of(grp * SB, SB)
        roff = pl.multiple_of(slot * SB, SB)
        pltpu.make_async_copy(rows_hbm.at[wid, pl.ds(off, SB)],
                              rring.at[pl.ds(roff, SB)], sem).wait()
        pltpu.make_async_copy(cols_hbm.at[wid, pl.ds(off, SB)],
                              cring.at[pl.ds(roff, SB)], sem).wait()

    stage(0, 0, isem)
    stage_wait(0, 0, isem)
    plsc.subcore_barrier()

    @pl.when(ng > 1)
    def _():
        stage(1, 1, isem)

    for j in range(NBUF):
        pltpu.async_copy(g_hbm.at[cring.at[j]], bufs[j], gsems[j])

    def group(i, carry):
        s = lax.rem(i, 2) * SB
        w = lax.rem(i + 1, 2) * SB

        @pl.when(i + 1 < ng)
        def _():
            stage_wait(i + 1, lax.rem(i + 1, 2), isem)

        for j in range(SB):
            b = SB * i + j
            k = j % NBUF
            nbase = s if j + NBUF < SB else w
            nj = (j + NBUF) % SB
            pltpu.make_async_copy(g_hbm.at[cring.at[s + j]], bufs[k],
                                  gsems[k]).wait()
            pltpu.sync_copy(bufs[k], acc.at[rring.at[s + j]], add=True)

            @pl.when(b + NBUF < nb)
            def _():
                pltpu.async_copy(g_hbm.at[cring.at[nbase + nj]], bufs[k],
                                 gsems[k])

        @pl.when(i + 2 < ng)
        def _():
            stage(i + 2, lax.rem(i, 2), isem)

        return carry

    lax.fori_loop(0, ng, group, 0)
    plsc.subcore_barrier()
    pltpu.sync_copy(acc.at[pl.ds(sid * STRIPE, STRIPE)],
                    out_hbm.at[cid, pl.ds(sid * STRIPE, STRIPE)])


def _make_spmm(nb0, nb1):
    return pl.kernel(
        functools.partial(_spmm_body, nb0, nb1),
        out_type=jax.ShapeDtypeStruct((NC, ACC_ROWS, D_FEAT), jnp.float32),
        mesh=_MESH,
        scratch_types=[
            pltpu.VMEM((2 * SB, EB), jnp.int32),
            pltpu.VMEM((2 * SB, EB), jnp.int32),
            [pltpu.VMEM((EB, D_FEAT), jnp.float32) for _ in range(NBUF)],
            pltpu.VMEM_SHARED((ACC_ROWS, D_FEAT), jnp.float32),
            [pltpu.SemaphoreType.DMA for _ in range(NBUF)],
            pltpu.SemaphoreType.DMA,
        ],
    )


def _prep_body(x_ref, degp_ref, g0_ref):
    x = x_ref[...]
    n = x.shape[0]
    mean = jnp.mean(x, axis=0, keepdims=True)
    xc = x - mean
    var = jnp.sum(xc * xc, axis=0, keepdims=True) / (n - 1)
    rstd = jnp.where(var > 0.0, lax.rsqrt(var), 1.0)
    deg = degp_ref[0, :N_NODES, 0:1] + degp_ref[1, :N_NODES, 0:1] + 1.0
    s = lax.rsqrt(deg)
    g0_ref[...] = xc * rstd * s


def _combine_body(zp_ref, g_ref, degp_ref, out_ref, *, last_hop):
    deg = degp_ref[0, :N_NODES, 0:1] + degp_ref[1, :N_NODES, 0:1] + 1.0
    scale = lax.rsqrt(deg) if last_hop else 1.0 / deg
    z = zp_ref[0, :N_NODES, :] + zp_ref[1, :N_NODES, :] + g_ref[...]
    out_ref[...] = z * scale


SHARE0 = 0.5


def _pack(arr, fill, nb_c, nb_max):
    pad = NS * nb_c * EB - arr.shape[0]
    if fill is None:
        filler = jnp.arange(pad, dtype=jnp.int32) % EB
    else:
        filler = jnp.full((pad,), fill, jnp.int32)
    p = jnp.concatenate([arr, filler])
    p = p.reshape(NS, nb_c, EB)
    if nb_max > nb_c:
        p = jnp.pad(p, ((0, 0), (0, nb_max - nb_c), (0, 0)))
    return p


def kernel(x, edge_index):
    e = edge_index.shape[1]
    row = edge_index[0].astype(jnp.int32)
    col = edge_index[1].astype(jnp.int32)
    onesd = jnp.ones((EB, D_FEAT), jnp.float32)
    zerosd = jnp.zeros((STRIPE, D_FEAT), jnp.float32)

    nbd = -(-e // (NW * EB))
    padd = NW * nbd * EB - e
    rows_d = jnp.concatenate(
        [row, jnp.full((padd,), DUMMY, jnp.int32)]).reshape(NW, nbd, EB)
    degp = _make_degree(nbd)(rows_d, onesd, zerosd)

    tb = -(-e // EB)
    nb0 = max(SB, ((int(tb * SHARE0 / NS) + SB // 2) // SB) * SB)
    e0 = min(NS * nb0 * EB, e)
    nb1 = -(-(e - e0) // (NS * EB)) if e > e0 else SB
    nb1 = max(SB, -(-nb1 // SB) * SB)
    nb_max = max(nb0, nb1)
    rows_p = jnp.stack(
        [_pack(row[:e0], DUMMY, nb0, nb_max),
         _pack(row[e0:], DUMMY, nb1, nb_max)],
        axis=1).reshape(NW, nb_max, EB)
    cols_p = jnp.stack(
        [_pack(col[:e0], None, nb0, nb_max),
         _pack(col[e0:], None, nb1, nb_max)],
        axis=1).reshape(NW, nb_max, EB)

    prep = pl.pallas_call(
        _prep_body,
        out_shape=jax.ShapeDtypeStruct((N_NODES, D_FEAT), jnp.float32),
    )
    g0 = prep(x, degp)

    spmm = _make_spmm(nb0, nb1)
    combine1 = pl.pallas_call(
        functools.partial(_combine_body, last_hop=False),
        out_shape=jax.ShapeDtypeStruct((N_NODES, D_FEAT), jnp.float32),
    )
    combine2 = pl.pallas_call(
        functools.partial(_combine_body, last_hop=True),
        out_shape=jax.ShapeDtypeStruct((N_NODES, D_FEAT), jnp.float32),
    )

    zp1 = spmm(g0, rows_p, cols_p, zerosd)
    g1 = combine1(zp1, g0, degp)
    zp2 = spmm(g1, rows_p, cols_p, zerosd)
    return combine2(zp2, g1, degp)

# --- scband reference (transcript-rebuilt; emitter-appended) ---
"""Pipeline reference for scband-flickr-data-loader-61847529062996 (READ-ONLY COPY).

The authoritative reference and input builder live on the scoring server;
editing this copy changes nothing except your own understanding.
"""

import jax, jax.numpy as jnp
import numpy as np

K_HOPS = 2  # init kwarg k=2, number of GCF propagation hops


def setup_inputs(seed: int = 0) -> dict:
    key = jax.random.key(seed)
    k1, k2 = jax.random.split(key)
    n_nodes, d_feat, n_edges = 10000, 128, 320000
    x = jax.random.normal(k1, (n_nodes, d_feat), dtype=jnp.float32)
    edge_index = jax.random.randint(k2, (2, n_edges), 0, n_nodes, dtype=jnp.int32)
    return {"x": x, "edge_index": edge_index}


def reference(x, edge_index):
    n = x.shape[0]
    # normalize_data: per-feature standardization (torch std is unbiased, ddof=1)
    mean = x.mean(axis=0)
    std = jnp.std(x, axis=0, ddof=1)
    std = jnp.where(std == 0, jnp.ones_like(std), std)
    x = (x - mean) / std
    # edge_ind_to_sparse_adj(..., self_loop=True): append self loops
    loops = jnp.arange(n, dtype=edge_index.dtype)
    row = jnp.concatenate([edge_index[0], loops])
    col = jnp.concatenate([edge_index[1], loops])
    # GCF: filter = D^{-1/2} A D^{-1/2}, applied K_HOPS times
    deg = jax.ops.segment_sum(jnp.ones(row.shape[0], dtype=x.dtype), row, num_segments=n)
    d_inv_sqrt = jnp.power(deg, -0.5)
    w = d_inv_sqrt[row] * d_inv_sqrt[col]
    for _ in range(K_HOPS):
        x = jax.ops.segment_sum(w[:, None] * jnp.take(x, col, axis=0), row, num_segments=n)
    return x

if __name__ == "__main__":
    import jax
    _d = setup_inputs()
    print(jax.jit(kernel)(*tuple(_d.values())))

</pallas_src>

<mosaic_0001>
#map = affine_map<(d0, d1) -> (0, 0)>
#map1 = affine_map<(d0, d1) -> (0, 0, 0)>
module attributes {stable_mosaic.version = 14 : i64} {
  func.func @_spmm_body(%arg0: i32, %arg1: i32, %arg2: memref<10000x128xf32, #tpu.memory_space<hbm>>, %arg3: memref<32x80x128xi32, #tpu.memory_space<hbm>>, %arg4: memref<32x80x128xi32, #tpu.memory_space<hbm>>, %arg5: memref<632x128xf32, #tpu.memory_space<hbm>>, %arg6: memref<2x10112x128xf32, #tpu.memory_space<hbm>>, %arg7: memref<16x128xi32, #tpu.memory_space<vmem>>, %arg8: memref<16x128xi32, #tpu.memory_space<vmem>>, %arg9: memref<128x128xf32, #tpu.memory_space<vmem>>, %arg10: memref<128x128xf32, #tpu.memory_space<vmem>>, %arg11: memref<10112x128xf32, #tpu.memory_space<vmem_shared>>, %arg12: memref<!tpu.dma_semaphore, #tpu.memory_space<semaphore_mem>>, %arg13: memref<!tpu.dma_semaphore, #tpu.memory_space<semaphore_mem>>, %arg14: memref<!tpu.dma_semaphore, #tpu.memory_space<semaphore_mem>>) attributes {dimension_semantics = [#tpu.dimension_semantics<core_parallel>, #tpu.dimension_semantics<subcore_parallel>], iteration_bounds = array<i64: 2, 16>, scalar_prefetch = 0 : i64, scratch_operands = 8 : i64, tpu.core_type = #tpu.core_type<sc_vector_subcore>, window_params = [{transform_indices = #map}, {transform_indices = #map1}, {transform_indices = #map1}, {transform_indices = #map}, {transform_indices = #map1}]} {
    %mul3A = arith.constant 2 : i32
    %mul3A_0 = arith.muli %arg1, %mul3A : i32
    %add3A = arith.addi %mul3A_0, %arg0 : i32
    %eq3A = arith.constant 0 : i32
    %eq3A_1 = arith.cmpi eq, %arg0, %eq3A : i32
    %jit3A = arith.constant 80 : i32
    %jit3A_2 = arith.constant 80 : i32
    %select_n3A = arith.select %eq3A_1, %jit3A, %jit3A_2 : i32
    %eq3A_3 = arith.constant 0 : i32
    %eq3A_4 = arith.cmpi eq, %arg0, %eq3A_3 : i32
    %jit3A_5 = arith.constant 10 : i32
    %jit3A_6 = arith.constant 10 : i32
    %select_n3A_7 = arith.select %eq3A_4, %jit3A_5, %jit3A_6 : i32
    %mul3A_8 = arith.constant 632 : i32
    %mul3A_9 = arith.muli %arg1, %mul3A_8 : i32
    "tpu.region"() ({
      %run_scoped3A = tpu.sem_alloc : memref<!tpu.dma_semaphore, #tpu.memory_space<semaphore_mem>>
      %dma_start3A_85 = arith.constant 0 : i32
      %dma_start3A_86 = tpu.memref_slice %arg11[%mul3A_9, %dma_start3A_85] : memref<10112x128xf32, #tpu.memory_space<vmem_shared>> -> memref<632x128xf32, #tpu.memory_space<vmem_shared>>
      tpu.enqueue_dma source(%arg5 : memref<632x128xf32, #tpu.memory_space<hbm>>) target(%dma_start3A_86 : memref<632x128xf32, #tpu.memory_space<vmem_shared>>) target_semaphore(%run_scoped3A : memref<!tpu.dma_semaphore, #tpu.memory_space<semaphore_mem>>)
      %dma_wait3A_87 = arith.constant 0 : i32
      %dma_wait3A_88 = tpu.memref_slice %arg11[%mul3A_9, %dma_wait3A_87] : memref<10112x128xf32, #tpu.memory_space<vmem_shared>> -> memref<632x128xf32, #tpu.memory_space<vmem_shared>>
      tpu.wait_dma2 semaphore(%run_scoped3A : memref<!tpu.dma_semaphore, #tpu.memory_space<semaphore_mem>>) src(%arg5 : memref<632x128xf32, #tpu.memory_space<hbm>>) dst(%dma_wait3A_88 : memref<632x128xf32, #tpu.memory_space<vmem_shared>>)
      tpu.yield
    }) : () -> ()
    %multiple_of3A = arith.constant 0 : i32
    %multiple_of3A_10 = tpu.assume_multiple %multiple_of3A, 8 : i32
    %multiple_of3A_11 = arith.constant 0 : i32
    %multiple_of3A_12 = tpu.assume_multiple %multiple_of3A_11, 8 : i32
    %dma_start3A = arith.constant 0 : i32
    %dma_start3A_13 = tpu.memref_slice %arg7[%multiple_of3A_12, %dma_start3A] : memref<16x128xi32, #tpu.memory_space<vmem>> -> memref<8x128xi32, #tpu.memory_space<vmem>>
    %dma_start3A_14 = arith.constant 0 : i32
    %dma_start3A_15 = tpu.memref_slice %arg3[%add3A, %multiple_of3A_10, %dma_start3A_14] : memref<32x80x128xi32, #tpu.memory_space<hbm>> -> memref<1x8x128xi32, #tpu.memory_space<hbm>>
    %dma_start3A_16 = tpu.memref_squeeze %dma_start3A_15 : memref<1x8x128xi32, #tpu.memory_space<hbm>> -> memref<8x128xi32, #tpu.memory_space<hbm>>
    %dma_start3A_17 = arith.constant 0 : i32
    %dma_start3A_18 = tpu.memref_slice %arg7[%multiple_of3A_12, %dma_start3A_17] : memref<16x128xi32, #tpu.memory_space<vmem>> -> memref<8x128xi32, #tpu.memory_space<vmem>>
    %dma_start3A_19 = arith.constant 0 : i32
    %dma_start3A_20 = tpu.memref_slice %arg3[%add3A, %multiple_of3A_10, %dma_start3A_19] : memref<32x80x128xi32, #tpu.memory_space<hbm>> -> memref<1x8x128xi32, #tpu.memory_space<hbm>>
    %dma_start3A_21 = tpu.memref_squeeze %dma_start3A_20 : memref<1x8x128xi32, #tpu.memory_space<hbm>> -> memref<8x128xi32, #tpu.memory_space<hbm>>
    tpu.enqueue_dma source(%dma_start3A_21 : memref<8x128xi32, #tpu.memory_space<hbm>>) target(%dma_start3A_18 : memref<8x128xi32, #tpu.memory_space<vmem>>) target_semaphore(%arg14 : memref<!tpu.dma_semaphore, #tpu.memory_space<semaphore_mem>>)
    %dma_start3A_22 = arith.constant 0 : i32
    %dma_start3A_23 = tpu.memref_slice %arg8[%multiple_of3A_12, %dma_start3A_22] : memref<16x128xi32, #tpu.memory_space<vmem>> -> memref<8x128xi32, #tpu.memory_space<vmem>>
    %dma_start3A_24 = arith.constant 0 : i32
    %dma_start3A_25 = tpu.memref_slice %arg4[%add3A, %multiple_of3A_10, %dma_start3A_24] : memref<32x80x128xi32, #tpu.memory_space<hbm>> -> memref<1x8x128xi32, #tpu.memory_space<hbm>>
    %dma_start3A_26 = tpu.memref_squeeze %dma_start3A_25 : memref<1x8x128xi32, #tpu.memory_space<hbm>> -> memref<8x128xi32, #tpu.memory_space<hbm>>
    %dma_start3A_27 = arith.constant 0 : i32
    %dma_start3A_28 = tpu.memref_slice %arg8[%multiple_of3A_12, %dma_start3A_27] : memref<16x128xi32, #tpu.memory_space<vmem>> -> memref<8x128xi32, #tpu.memory_space<vmem>>
    %dma_start3A_29 = arith.constant 0 : i32
    %dma_start3A_30 = tpu.memref_slice %arg4[%add3A, %multiple_of3A_10, %dma_start3A_29] : memref<32x80x128xi32, #tpu.memory_space<hbm>> -> memref<1x8x128xi32, #tpu.memory_space<hbm>>
    %dma_start3A_31 = tpu.memref_squeeze %dma_start3A_30 : memref<1x8x128xi32, #tpu.memory_space<hbm>> -> memref<8x128xi32, #tpu.memory_space<hbm>>
    tpu.enqueue_dma source(%dma_start3A_31 : memref<8x128xi32, #tpu.memory_space<hbm>>) target(%dma_start3A_28 : memref<8x128xi32, #tpu.memory_space<vmem>>) target_semaphore(%arg14 : memref<!tpu.dma_semaphore, #tpu.memory_space<semaphore_mem>>)
    %multiple_of3A_32 = arith.constant 0 : i32
    %multiple_of3A_33 = tpu.assume_multiple %multiple_of3A_32, 8 : i32
    %multiple_of3A_34 = arith.constant 0 : i32
    %multiple_of3A_35 = tpu.assume_multiple %multiple_of3A_34, 8 : i32
    %dma_wait3A = arith.constant 0 : i32
    %dma_wait3A_36 = tpu.memref_slice %arg7[%multiple_of3A_35, %dma_wait3A] : memref<16x128xi32, #tpu.memory_space<vmem>> -> memref<8x128xi32, #tpu.memory_space<vmem>>
    %dma_wait3A_37 = arith.constant 0 : i32
    %dma_wait3A_38 = tpu.memref_slice %arg3[%add3A, %multiple_of3A_33, %dma_wait3A_37] : memref<32x80x128xi32, #tpu.memory_space<hbm>> -> memref<1x8x128xi32, #tpu.memory_space<hbm>>
    %dma_wait3A_39 = tpu.memref_squeeze %dma_wait3A_38 : memref<1x8x128xi32, #tpu.memory_space<hbm>> -> memref<8x128xi32, #tpu.memory_space<hbm>>
    %dma_wait3A_40 = arith.constant 0 : i32
    %dma_wait3A_41 = tpu.memref_slice %arg7[%multiple_of3A_35, %dma_wait3A_40] : memref<16x128xi32, #tpu.memory_space<vmem>> -> memref<8x128xi32, #tpu.memory_space<vmem>>
    %dma_wait3A_42 = arith.constant 0 : i32
    %dma_wait3A_43 = tpu.memref_slice %arg3[%add3A, %multiple_of3A_33, %dma_wait3A_42] : memref<32x80x128xi32, #tpu.memory_space<hbm>> -> memref<1x8x128xi32, #tpu.memory_space<hbm>>
    %dma_wait3A_44 = tpu.memref_squeeze %dma_wait3A_43 : memref<1x8x128xi32, #tpu.memory_space<hbm>> -> memref<8x128xi32, #tpu.memory_space<hbm>>
    tpu.wait_dma2 semaphore(%arg14 : memref<!tpu.dma_semaphore, #tpu.memory_space<semaphore_mem>>) src(%dma_wait3A_44 : memref<8x128xi32, #tpu.memory_space<hbm>>) dst(%dma_wait3A_41 : memref<8x128xi32, #tpu.memory_space<vmem>>)
    %dma_wait3A_45 = arith.constant 0 : i32
    %dma_wait3A_46 = tpu.memref_slice %arg8[%multiple_of3A_35, %dma_wait3A_45] : memref<16x128xi32, #tpu.memory_space<vmem>> -> memref<8x128xi32, #tpu.memory_space<vmem>>
    %dma_wait3A_47 = arith.constant 0 : i32
    %dma_wait3A_48 = tpu.memref_slice %arg4[%add3A, %multiple_of3A_33, %dma_wait3A_47] : memref<32x80x128xi32, #tpu.memory_space<hbm>> -> memref<1x8x128xi32, #tpu.memory_space<hbm>>
    %dma_wait3A_49 = tpu.memref_squeeze %dma_wait3A_48 : memref<1x8x128xi32, #tpu.memory_space<hbm>> -> memref<8x128xi32, #tpu.memory_space<hbm>>
    %dma_wait3A_50 = arith.constant 0 : i32
    %dma_wait3A_51 = tpu.memref_slice %arg8[%multiple_of3A_35, %dma_wait3A_50] : memref<16x128xi32, #tpu.memory_space<vmem>> -> memref<8x128xi32, #tpu.memory_space<vmem>>
    %dma_wait3A_52 = arith.constant 0 : i32
    %dma_wait3A_53 = tpu.memref_slice %arg4[%add3A, %multiple_of3A_33, %dma_wait3A_52] : memref<32x80x128xi32, #tpu.memory_space<hbm>> -> memref<1x8x128xi32, #tpu.memory_space<hbm>>
    %dma_wait3A_54 = tpu.memref_squeeze %dma_wait3A_53 : memref<1x8x128xi32, #tpu.memory_space<hbm>> -> memref<8x128xi32, #tpu.memory_space<hbm>>
    tpu.wait_dma2 semaphore(%arg14 : memref<!tpu.dma_semaphore, #tpu.memory_space<semaphore_mem>>) src(%dma_wait3A_54 : memref<8x128xi32, #tpu.memory_space<hbm>>) dst(%dma_wait3A_51 : memref<8x128xi32, #tpu.memory_space<vmem>>)
    %barrier3A = arith.constant 0 : index
    tpu.barrier barrier_id(%barrier3A)
    %gt3A = arith.constant 1 : i32
    %gt3A_55 = arith.cmpi sgt, %select_n3A_7, %gt3A : i32
    %convert_element_type3A = arith.extui %gt3A_55 : i1 to i32
    %cond3A = arith.constant 0 : i32
    %cond3A_56 = arith.cmpi ne, %convert_element_type3A, %cond3A : i32
    scf.if %cond3A_56 {
      %multiple_of3A_85 = arith.constant 8 : i32
      %multiple_of3A_86 = tpu.assume_multiple %multiple_of3A_85, 8 : i32
      %multiple_of3A_87 = arith.constant 8 : i32
      %multiple_of3A_88 = tpu.assume_multiple %multiple_of3A_87, 8 : i32
      %dma_start3A_89 = arith.constant 0 : i32
      %dma_start3A_90 = tpu.memref_slice %arg7[%multiple_of3A_88, %dma_start3A_89] : memref<16x128xi32, #tpu.memory_space<vmem>> -> memref<8x128xi32, #tpu.memory_space<vmem>>
      %dma_start3A_91 = arith.constant 0 : i32
      %dma_start3A_92 = tpu.memref_slice %arg3[%add3A, %multiple_of3A_86, %dma_start3A_91] : memref<32x80x128xi32, #tpu.memory_space<hbm>> -> memref<1x8x128xi32, #tpu.memory_space<hbm>>
      %dma_start3A_93 = tpu.memref_squeeze %dma_start3A_92 : memref<1x8x128xi32, #tpu.memory_space<hbm>> -> memref<8x128xi32, #tpu.memory_space<hbm>>
      %dma_start3A_94 = arith.constant 0 : i32
      %dma_start3A_95 = tpu.memref_slice %arg7[%multiple_of3A_88, %dma_start3A_94] : memref<16x128xi32, #tpu.memory_space<vmem>> -> memref<8x128xi32, #tpu.memory_space<vmem>>
      %dma_start3A_96 = arith.constant 0 : i32
      %dma_start3A_97 = tpu.memref_slice %arg3[%add3A, %multiple_of3A_86, %dma_start3A_96] : memref<32x80x128xi32, #tpu.memory_space<hbm>> -> memref<1x8x128xi32, #tpu.memory_space<hbm>>
      %dma_start3A_98 = tpu.memref_squeeze %dma_start3A_97 : memref<1x8x128xi32, #tpu.memory_space<hbm>> -> memref<8x128xi32, #tpu.memory_space<hbm>>
      tpu.enqueue_dma source(%dma_start3A_98 : memref<8x128xi32, #tpu.memory_space<hbm>>) target(%dma_start3A_95 : memref<8x128xi32, #tpu.memory_space<vmem>>) target_semaphore(%arg14 : memref<!tpu.dma_semaphore, #tpu.memory_space<semaphore_mem>>)
      %dma_start3A_99 = arith.constant 0 : i32
      %dma_start3A_100 = tpu.memref_slice %arg8[%multiple_of3A_88, %dma_start3A_99] : memref<16x128xi32, #tpu.memory_space<vmem>> -> memref<8x128xi32, #tpu.memory_space<vmem>>
      %dma_start3A_101 = arith.constant 0 : i32
      %dma_start3A_102 = tpu.memref_slice %arg4[%add3A, %multiple_of3A_86, %dma_start3A_101] : memref<32x80x128xi32, #tpu.memory_space<hbm>> -> memref<1x8x128xi32, #tpu.memory_space<hbm>>
      %dma_start3A_103 = tpu.memref_squeeze %dma_start3A_102 : memref<1x8x128xi32, #tpu.memory_space<hbm>> -> memref<8x128xi32, #tpu.memory_space<hbm>>
      %dma_start3A_104 = arith.constant 0 : i32
      %dma_start3A_105 = tpu.memref_slice %arg8[%multiple_of3A_88, %dma_start3A_104] : memref<16x128xi32, #tpu.memory_space<vmem>> -> memref<8x128xi32, #tpu.memory_space<vmem>>
      %dma_start3A_106 = arith.constant 0 : i32
      %dma_start3A_107 = tpu.memref_slice %arg4[%add3A, %multiple_of3A_86, %dma_start3A_106] : memref<32x80x128xi32, #tpu.memory_space<hbm>> -> memref<1x8x128xi32, #tpu.memory_space<hbm>>
      %dma_start3A_108 = tpu.memref_squeeze %dma_start3A_107 : memref<1x8x128xi32, #tpu.memory_space<hbm>> -> memref<8x128xi32, #tpu.memory_space<hbm>>
      tpu.enqueue_dma source(%dma_start3A_108 : memref<8x128xi32, #tpu.memory_space<hbm>>) target(%dma_start3A_105 : memref<8x128xi32, #tpu.memory_space<vmem>>) target_semaphore(%arg14 : memref<!tpu.dma_semaphore, #tpu.memory_space<semaphore_mem>>)
    } else {
    }
    %dma_start3A_57 = arith.constant 0 : i32
    %dma_start3A_58 = arith.constant 0 : i32
    %dma_start3A_59 = tpu.memref_slice %arg8[%dma_start3A_57, %dma_start3A_58] : memref<16x128xi32, #tpu.memory_space<vmem>> -> memref<1x128xi32, #tpu.memory_space<vmem>>
    %dma_start3A_60 = tpu.memref_squeeze %dma_start3A_59 : memref<1x128xi32, #tpu.memory_space<vmem>> -> memref<128xi32, #tpu.memory_space<vmem>>
    %dma_start3A_61 = arith.constant 0 : i32
    %dma_start3A_62 = arith.constant 0 : i32
    %dma_start3A_63 = tpu.memref_slice %arg2[%dma_start3A_61, %dma_start3A_62] : memref<10000x128xf32, #tpu.memory_space<hbm>> -> memref<10000x128xf32, #tpu.memory_space<hbm>>
    tpu.enqueue_indirect_dma source(%dma_start3A_63 : memref<10000x128xf32, #tpu.memory_space<hbm>>) target(%arg9 : memref<128x128xf32, #tpu.memory_space<vmem>>) offsets(%dma_start3A_60 : memref<128xi32, #tpu.memory_space<vmem>>) semaphore(%arg12 : memref<!tpu.dma_semaphore, #tpu.memory_space<semaphore_mem>>)
    %dma_start3A_64 = arith.constant 1 : i32
    %dma_start3A_65 = arith.constant 0 : i32
    %dma_start3A_66 = tpu.memref_slice %arg8[%dma_start3A_64, %dma_start3A_65] : memref<16x128xi32, #tpu.memory_space<vmem>> -> memref<1x128xi32, #tpu.memory_space<vmem>>
    %dma_start3A_67 = tpu.memref_squeeze %dma_start3A_66 : memref<1x128xi32, #tpu.memory_space<vmem>> -> memref<128xi32, #tpu.memory_space<vmem>>
    %dma_start3A_68 = arith.constant 0 : i32
    %dma_start3A_69 = arith.constant 0 : i32
    %dma_start3A_70 = tpu.memref_slice %arg2[%dma_start3A_68, %dma_start3A_69] : memref<10000x128xf32, #tpu.memory_space<hbm>> -> memref<10000x128xf32, #tpu.memory_space<hbm>>
    tpu.enqueue_indirect_dma source(%dma_start3A_70 : memref<10000x128xf32, #tpu.memory_space<hbm>>) target(%arg10 : memref<128x128xf32, #tpu.memory_space<vmem>>) offsets(%dma_start3A_67 : memref<128xi32, #tpu.memory_space<vmem>>) semaphore(%arg13 : memref<!tpu.dma_semaphore, #tpu.memory_space<semaphore_mem>>)
    %while3A = arith.constant 0 : i32
    %while3A_71 = arith.constant 0 : i32
    %while3A_72 = arith.subi %select_n3A_7, %while3A_71 : i32
    %while3A_73 = arith.addi %while3A_71, %while3A_72 : i32
    %while3A_74 = arith.constant 1 : i32
    %while3A_75 = arith.divsi %while3A_72, %while3A_74 : i32
    %while3A_76 = arith.muli %while3A_75, %while3A_74 : i32
    %while3A_77 = arith.addi %while3A_71, %while3A_76 : i32
    %while3A_78 = arith.constant 1 : i32
    scf.for %while3A_85 = %while3A_71 to %while3A_77 step %while3A_78  : i32 {
      %rem3A = arith.constant 2 : i32
      %rem3A_86 = arith.remsi %while3A_85, %rem3A : i32
      %mul3A_87 = arith.constant 8 : i32
      %mul3A_88 = arith.muli %rem3A_86, %mul3A_87 : i32
      %add3A_89 = arith.constant 1 : i32
      %add3A_90 = arith.addi %while3A_85, %add3A_89 : i32
      %rem3A_91 = arith.constant 2 : i32
      %rem3A_92 = arith.remsi %add3A_90, %rem3A_91 : i32
      %mul3A_93 = arith.constant 8 : i32
      %mul3A_94 = arith.muli %rem3A_92, %mul3A_93 : i32
      %add3A_95 = arith.constant 1 : i32
      %add3A_96 = arith.addi %while3A_85, %add3A_95 : i32
      %lt3A = arith.cmpi slt, %add3A_96, %select_n3A_7 : i32
      %convert_element_type3A_97 = arith.extui %lt3A : i1 to i32
      %cond3A_98 = arith.constant 0 : i32
      %cond3A_99 = arith.cmpi ne, %convert_element_type3A_97, %cond3A_98 : i32
      scf.if %cond3A_99 {
        %add3A_266 = arith.constant 1 : i32
        %add3A_267 = arith.addi %while3A_85, %add3A_266 : i32
        %add3A_268 = arith.constant 1 : i32
        %add3A_269 = arith.addi %while3A_85, %add3A_268 : i32
        %rem3A_270 = arith.constant 2 : i32
        %rem3A_271 = arith.remsi %add3A_269, %rem3A_270 : i32
        %mul3A_272 = arith.constant 8 : i32
        %mul3A_273 = arith.muli %add3A_267, %mul3A_272 : i32
        %multiple_of3A_274 = tpu.assume_multiple %mul3A_273, 8 : i32
        %mul3A_275 = arith.constant 8 : i32
        %mul3A_276 = arith.muli %rem3A_271, %mul3A_275 : i32
        %multiple_of3A_277 = tpu.assume_multiple %mul3A_276, 8 : i32
        %dma_wait3A_278 = arith.constant 0 : i32
        %dma_wait3A_279 = tpu.memref_slice %arg7[%multiple_of3A_277, %dma_wait3A_278] : memref<16x128xi32, #tpu.memory_space<vmem>> -> memref<8x128xi32, #tpu.memory_space<vmem>>
        %dma_wait3A_280 = arith.constant 0 : i32
        %dma_wait3A_281 = tpu.memref_slice %arg3[%add3A, %multiple_of3A_274, %dma_wait3A_280] : memref<32x80x128xi32, #tpu.memory_space<hbm>> -> memref<1x8x128xi32, #tpu.memory_space<hbm>>
        %dma_wait3A_282 = tpu.memref_squeeze %dma_wait3A_281 : memref<1x8x128xi32, #tpu.memory_space<hbm>> -> memref<8x128xi32, #tpu.memory_space<hbm>>
        %dma_wait3A_283 = arith.constant 0 : i32
        %dma_wait3A_284 = tpu.memref_slice %arg7[%multiple_of3A_277, %dma_wait3A_283] : memref<16x128xi32, #tpu.memory_space<vmem>> -> memref<8x128xi32, #tpu.memory_space<vmem>>
        %dma_wait3A_285 = arith.constant 0 : i32
        %dma_wait3A_286 = tpu.memref_slice %arg3[%add3A, %multiple_of3A_274, %dma_wait3A_285] : memref<32x80x128xi32, #tpu.memory_space<hbm>> -> memref<1x8x128xi32, #tpu.memory_space<hbm>>
        %dma_wait3A_287 = tpu.memref_squeeze %dma_wait3A_286 : memref<1x8x128xi32, #tpu.memory_space<hbm>> -> memref<8x128xi32, #tpu.memory_space<hbm>>
        tpu.wait_dma2 semaphore(%arg14 : memref<!tpu.dma_semaphore, #tpu.memory_space<semaphore_mem>>) src(%dma_wait3A_287 : memref<8x128xi32, #tpu.memory_space<hbm>>) dst(%dma_wait3A_284 : memref<8x128xi32, #tpu.memory_space<vmem>>)
        %dma_wait3A_288 = arith.constant 0 : i32
        %dma_wait3A_289 = tpu.memref_slice %arg8[%multiple_of3A_277, %dma_wait3A_288] : memref<16x128xi32, #tpu.memory_space<vmem>> -> memref<8x128xi32, #tpu.memory_space<vmem>>
        %dma_wait3A_290 = arith.constant 0 : i32
        %dma_wait3A_291 = tpu.memref_slice %arg4[%add3A, %multiple_of3A_274, %dma_wait3A_290] : memref<32x80x128xi32, #tpu.memory_space<hbm>> -> memref<1x8x128xi32, #tpu.memory_space<hbm>>
        %dma_wait3A_292 = tpu.memref_squeeze %dma_wait3A_291 : memref<1x8x128xi32, #tpu.memory_space<hbm>> -> memref<8x128xi32, #tpu.memory_space<hbm>>
        %dma_wait3A_293 = arith.constant 0 : i32
        %dma_wait3A_294 = tpu.memref_slice %arg8[%multiple_of3A_277, %dma_wait3A_293] : memref<16x128xi32, #tpu.memory_space<vmem>> -> memref<8x128xi32, #tpu.memory_space<vmem>>
        %dma_wait3A_295 = arith.constant 0 : i32
        %dma_wait3A_296 = tpu.memref_slice %arg4[%add3A, %multiple_of3A_274, %dma_wait3A_295] : memref<32x80x128xi32, #tpu.memory_space<hbm>> -> memref<1x8x128xi32, #tpu.memory_space<hbm>>
        %dma_wait3A_297 = tpu.memref_squeeze %dma_wait3A_296 : memref<1x8x128xi32, #tpu.memory_space<hbm>> -> memref<8x128xi32, #tpu.memory_space<hbm>>
        tpu.wait_dma2 semaphore(%arg14 : memref<!tpu.dma_semaphore, #tpu.memory_space<semaphore_mem>>) src(%dma_wait3A_297 : memref<8x128xi32, #tpu.memory_space<hbm>>) dst(%dma_wait3A_294 : memref<8x128xi32, #tpu.memory_space<vmem>>)
      } else {
      }
      %mul3A_100 = arith.constant 8 : i32
      %mul3A_101 = arith.muli %mul3A_100, %while3A_85 : i32
      %add3A_102 = arith.constant 0 : i32
      %add3A_103 = arith.addi %mul3A_101, %add3A_102 : i32
      %add3A_104 = arith.constant 0 : i32
      %add3A_105 = arith.addi %mul3A_88, %add3A_104 : i32
      %dma_wait3A_106 = arith.constant 0 : i32
      %dma_wait3A_107 = tpu.memref_slice %arg8[%add3A_105, %dma_wait3A_106] : memref<16x128xi32, #tpu.memory_space<vmem>> -> memref<1x128xi32, #tpu.memory_space<vmem>>
      %dma_wait3A_108 = tpu.memref_squeeze %dma_wait3A_107 : memref<1x128xi32, #tpu.memory_space<vmem>> -> memref<128xi32, #tpu.memory_space<vmem>>
      %dma_wait3A_109 = arith.constant 0 : i32
      %dma_wait3A_110 = arith.constant 0 : i32
      %dma_wait3A_111 = tpu.memref_slice %arg2[%dma_wait3A_109, %dma_wait3A_110] : memref<10000x128xf32, #tpu.memory_space<hbm>> -> memref<10000x128xf32, #tpu.memory_space<hbm>>
      tpu.wait_indirect_dma semaphore(%arg12 : memref<!tpu.dma_semaphore, #tpu.memory_space<semaphore_mem>>) src(%dma_wait3A_111 : memref<10000x128xf32, #tpu.memory_space<hbm>>) dst(%arg9 : memref<128x128xf32, #tpu.memory_space<vmem>>)
      %add3A_112 = arith.constant 0 : i32
      %add3A_113 = arith.addi %mul3A_88, %add3A_112 : i32
      "tpu.region"() ({
        %run_scoped3A = tpu.sem_alloc : memref<!tpu.dma_semaphore, #tpu.memory_space<semaphore_mem>>
        %dma_start3A_266 = arith.constant 0 : i32
        %dma_start3A_267 = tpu.memref_slice %arg7[%add3A_113, %dma_start3A_266] : memref<16x128xi32, #tpu.memory_space<vmem>> -> memref<1x128xi32, #tpu.memory_space<vmem>>
        %dma_start3A_268 = tpu.memref_squeeze %dma_start3A_267 : memref<1x128xi32, #tpu.memory_space<vmem>> -> memref<128xi32, #tpu.memory_space<vmem>>
        %dma_start3A_269 = arith.constant 0 : i32
        %dma_start3A_270 = arith.constant 0 : i32
        %dma_start3A_271 = tpu.memref_slice %arg11[%dma_start3A_269, %dma_start3A_270] : memref<10112x128xf32, #tpu.memory_space<vmem_shared>> -> memref<10112x128xf32, #tpu.memory_space<vmem_shared>>
        tpu.enqueue_indirect_dma source(%arg9 : memref<128x128xf32, #tpu.memory_space<vmem>>) target(%dma_start3A_271 : memref<10112x128xf32, #tpu.memory_space<vmem_shared>>) offsets(%dma_start3A_268 : memref<128xi32, #tpu.memory_space<vmem>>) semaphore(%run_scoped3A : memref<!tpu.dma_semaphore, #tpu.memory_space<semaphore_mem>>) {add = true}
        %dma_wait3A_272 = arith.constant 0 : i32
        %dma_wait3A_273 = tpu.memref_slice %arg7[%add3A_113, %dma_wait3A_272] : memref<16x128xi32, #tpu.memory_space<vmem>> -> memref<1x128xi32, #tpu.memory_space<vmem>>
        %dma_wait3A_274 = tpu.memref_squeeze %dma_wait3A_273 : memref<1x128xi32, #tpu.memory_space<vmem>> -> memref<128xi32, #tpu.memory_space<vmem>>
        %dma_wait3A_275 = arith.constant 0 : i32
        %dma_wait3A_276 = arith.constant 0 : i32
        %dma_wait3A_277 = tpu.memref_slice %arg11[%dma_wait3A_275, %dma_wait3A_276] : memref<10112x128xf32, #tpu.memory_space<vmem_shared>> -> memref<10112x128xf32, #tpu.memory_space<vmem_shared>>
        tpu.wait_indirect_dma semaphore(%run_scoped3A : memref<!tpu.dma_semaphore, #tpu.memory_space<semaphore_mem>>) src(%arg9 : memref<128x128xf32, #tpu.memory_space<vmem>>) dst(%dma_wait3A_277 : memref<10112x128xf32, #tpu.memory_space<vmem_shared>>)
        tpu.yield
      }) : () -> ()
      %add3A_114 = arith.constant 2 : i32
      %add3A_115 = arith.addi %add3A_103, %add3A_114 : i32
      %lt3A_116 = arith.cmpi slt, %add3A_115, %select_n3A : i32
      %convert_element_type3A_117 = arith.extui %lt3A_116 : i1 to i32
      %cond3A_118 = arith.constant 0 : i32
      %cond3A_119 = arith.cmpi ne, %convert_element_type3A_117, %cond3A_118 : i32
      scf.if %cond3A_119 {
        %add3A_266 = arith.constant 2 : i32
        %add3A_267 = arith.addi %mul3A_88, %add3A_266 : i32
        %dma_start3A_268 = arith.constant 0 : i32
        %dma_start3A_269 = tpu.memref_slice %arg8[%add3A_267, %dma_start3A_268] : memref<16x128xi32, #tpu.memory_space<vmem>> -> memref<1x128xi32, #tpu.memory_space<vmem>>
        %dma_start3A_270 = tpu.memref_squeeze %dma_start3A_269 : memref<1x128xi32, #tpu.memory_space<vmem>> -> memref<128xi32, #tpu.memory_space<vmem>>
        %dma_start3A_271 = arith.constant 0 : i32
        %dma_start3A_272 = arith.constant 0 : i32
        %dma_start3A_273 = tpu.memref_slice %arg2[%dma_start3A_271, %dma_start3A_272] : memref<10000x128xf32, #tpu.memory_space<hbm>> -> memref<10000x128xf32, #tpu.memory_space<hbm>>
        tpu.enqueue_indirect_dma source(%dma_start3A_273 : memref<10000x128xf32, #tpu.memory_space<hbm>>) target(%arg9 : memref<128x128xf32, #tpu.memory_space<vmem>>) offsets(%dma_start3A_270 : memref<128xi32, #tpu.memory_space<vmem>>) semaphore(%arg12 : memref<!tpu.dma_semaphore, #tpu.memory_space<semaphore_mem>>)
      } else {
      }
      %mul3A_120 = arith.constant 8 : i32
      %mul3A_121 = arith.muli %mul3A_120, %while3A_85 : i32
      %add3A_122 = arith.constant 1 : i32
      %add3A_123 = arith.addi %mul3A_121, %add3A_122 : i32
      %add3A_124 = arith.constant 1 : i32
      %add3A_125 = arith.addi %mul3A_88, %add3A_124 : i32
      %dma_wait3A_126 = arith.constant 0 : i32
      %dma_wait3A_127 = tpu.memref_slice %arg8[%add3A_125, %dma_wait3A_126] : memref<16x128xi32, #tpu.memory_space<vmem>> -> memref<1x128xi32, #tpu.memory_space<vmem>>
      %dma_wait3A_128 = tpu.memref_squeeze %dma_wait3A_127 : memref<1x128xi32, #tpu.memory_space<vmem>> -> memref<128xi32, #tpu.memory_space<vmem>>
      %dma_wait3A_129 = arith.constant 0 : i32
      %dma_wait3A_130 = arith.constant 0 : i32
      %dma_wait3A_131 = tpu.memref_slice %arg2[%dma_wait3A_129, %dma_wait3A_130] : memref<10000x128xf32, #tpu.memory_space<hbm>> -> memref<10000x128xf32, #tpu.memory_space<hbm>>
      tpu.wait_indirect_dma semaphore(%arg13 : memref<!tpu.dma_semaphore, #tpu.memory_space<semaphore_mem>>) src(%dma_wait3A_131 : memref<10000x128xf32, #tpu.memory_space<hbm>>) dst(%arg10 : memref<128x128xf32, #tpu.memory_space<vmem>>)
      %add3A_132 = arith.constant 1 : i32
      %add3A_133 = arith.addi %mul3A_88, %add3A_132 : i32
      "tpu.region"() ({
        %run_scoped3A = tpu.sem_alloc : memref<!tpu.dma_semaphore, #tpu.memory_space<semaphore_mem>>
        %dma_start3A_266 = arith.constant 0 : i32
        %dma_start3A_267 = tpu.memref_slice %arg7[%add3A_133, %dma_start3A_266] : memref<16x128xi32, #tpu.memory_space<vmem>> -> memref<1x128xi32, #tpu.memory_space<vmem>>
        %dma_start3A_268 = tpu.memref_squeeze %dma_start3A_267 : memref<1x128xi32, #tpu.memory_space<vmem>> -> memref<128xi32, #tpu.memory_space<vmem>>
        %dma_start3A_269 = arith.constant 0 : i32
        %dma_start3A_270 = arith.constant 0 : i32
        %dma_start3A_271 = tpu.memref_slice %arg11[%dma_start3A_269, %dma_start3A_270] : memref<10112x128xf32, #tpu.memory_space<vmem_shared>> -> memref<10112x128xf32, #tpu.memory_space<vmem_shared>>
        tpu.enqueue_indirect_dma source(%arg10 : memref<128x128xf32, #tpu.memory_space<vmem>>) target(%dma_start3A_271 : memref<10112x128xf32, #tpu.memory_space<vmem_shared>>) offsets(%dma_start3A_268 : memref<128xi32, #tpu.memory_space<vmem>>) semaphore(%run_scoped3A : memref<!tpu.dma_semaphore, #tpu.memory_space<semaphore_mem>>) {add = true}
        %dma_wait3A_272 = arith.constant 0 : i32
        %dma_wait3A_273 = tpu.memref_slice %arg7[%add3A_133, %dma_wait3A_272] : memref<16x128xi32, #tpu.memory_space<vmem>> -> memref<1x128xi32, #tpu.memory_space<vmem>>
        %dma_wait3A_274 = tpu.memref_squeeze %dma_wait3A_273 : memref<1x128xi32, #tpu.memory_space<vmem>> -> memref<128xi32, #tpu.memory_space<vmem>>
        %dma_wait3A_275 = arith.constant 0 : i32
        %dma_wait3A_276 = arith.constant 0 : i32
        %dma_wait3A_277 = tpu.memref_slice %arg11[%dma_wait3A_275, %dma_wait3A_276] : memref<10112x128xf32, #tpu.memory_space<vmem_shared>> -> memref<10112x128xf32, #tpu.memory_space<vmem_shared>>
        tpu.wait_indirect_dma semaphore(%run_scoped3A : memref<!tpu.dma_semaphore, #tpu.memory_space<semaphore_mem>>) src(%arg10 : memref<128x128xf32, #tpu.memory_space<vmem>>) dst(%dma_wait3A_277 : memref<10112x128xf32, #tpu.memory_space<vmem_shared>>)
        tpu.yield
      }) : () -> ()
      %add3A_134 = arith.constant 2 : i32
      %add3A_135 = arith.addi %add3A_123, %add3A_134 : i32
      %lt3A_136 = arith.cmpi slt, %add3A_135, %select_n3A : i32
      %convert_element_type3A_137 = arith.extui %lt3A_136 : i1 to i32
      %cond3A_138 = arith.constant 0 : i32
      %cond3A_139 = arith.cmpi ne, %convert_element_type3A_137, %cond3A_138 : i32
      scf.if %cond3A_139 {
        %add3A_266 = arith.constant 3 : i32
        %add3A_267 = arith.addi %mul3A_88, %add3A_266 : i32
        %dma_start3A_268 = arith.constant 0 : i32
        %dma_start3A_269 = tpu.memref_slice %arg8[%add3A_267, %dma_start3A_268] : memref<16x128xi32, #tpu.memory_space<vmem>> -> memref<1x128xi32, #tpu.memory_space<vmem>>
        %dma_start3A_270 = tpu.memref_squeeze %dma_start3A_269 : memref<1x128xi32, #tpu.memory_space<vmem>> -> memref<128xi32, #tpu.memory_space<vmem>>
        %dma_start3A_271 = arith.constant 0 : i32
        %dma_start3A_272 = arith.constant 0 : i32
        %dma_start3A_273 = tpu.memref_slice %arg2[%dma_start3A_271, %dma_start3A_272] : memref<10000x128xf32, #tpu.memory_space<hbm>> -> memref<10000x128xf32, #tpu.memory_space<hbm>>
        tpu.enqueue_indirect_dma source(%dma_start3A_273 : memref<10000x128xf32, #tpu.memory_space<hbm>>) target(%arg10 : memref<128x128xf32, #tpu.memory_space<vmem>>) offsets(%dma_start3A_270 : memref<128xi32, #tpu.memory_space<vmem>>) semaphore(%arg13 : memref<!tpu.dma_semaphore, #tpu.memory_space<semaphore_mem>>)
      } else {
      }
      %mul3A_140 = arith.constant 8 : i32
      %mul3A_141 = arith.muli %mul3A_140, %while3A_85 : i32
      %add3A_142 = arith.constant 2 : i32
      %add3A_143 = arith.addi %mul3A_141, %add3A_142 : i32
      %add3A_144 = arith.constant 2 : i32
      %add3A_145 = arith.addi %mul3A_88, %add3A_144 : i32
      %dma_wait3A_146 = arith.constant 0 : i32
      %dma_wait3A_147 = tpu.memref_slice %arg8[%add3A_145, %dma_wait3A_146] : memref<16x128xi32, #tpu.memory_space<vmem>> -> memref<1x128xi32, #tpu.memory_space<vmem>>
      %dma_wait3A_148 = tpu.memref_squeeze %dma_wait3A_147 : memref<1x128xi32, #tpu.memory_space<vmem>> -> memref<128xi32, #tpu.memory_space<vmem>>
      %dma_wait3A_149 = arith.constant 0 : i32
      %dma_wait3A_150 = arith.constant 0 : i32
      %dma_wait3A_151 = tpu.memref_slice %arg2[%dma_wait3A_149, %dma_wait3A_150] : memref<10000x128xf32, #tpu.memory_space<hbm>> -> memref<10000x128xf32, #tpu.memory_space<hbm>>
      tpu.wait_indirect_dma semaphore(%arg12 : memref<!tpu.dma_semaphore, #tpu.memory_space<semaphore_mem>>) src(%dma_wait3A_151 : memref<10000x128xf32, #tpu.memory_space<hbm>>) dst(%arg9 : memref<128x128xf32, #tpu.memory_space<vmem>>)
      %add3A_152 = arith.constant 2 : i32
      %add3A_153 = arith.addi %mul3A_88, %add3A_152 : i32
      "tpu.region"() ({
        %run_scoped3A = tpu.sem_alloc : memref<!tpu.dma_semaphore, #tpu.memory_space<semaphore_mem>>
        %dma_start3A_266 = arith.constant 0 : i32
        %dma_start3A_267 = tpu.memref_slice %arg7[%add3A_153, %dma_start3A_266] : memref<16x128xi32, #tpu.memory_space<vmem>> -> memref<1x128xi32, #tpu.memory_space<vmem>>
        %dma_start3A_268 = tpu.memref_squeeze %dma_start3A_267 : memref<1x128xi32, #tpu.memory_space<vmem>> -> memref<128xi32, #tpu.memory_space<vmem>>
        %dma_start3A_269 = arith.constant 0 : i32
        %dma_start3A_270 = arith.constant 0 : i32
        %dma_start3A_271 = tpu.memref_slice %arg11[%dma_start3A_269, %dma_start3A_270] : memref<10112x128xf32, #tpu.memory_space<vmem_shared>> -> memref<10112x128xf32, #tpu.memory_space<vmem_shared>>
        tpu.enqueue_indirect_dma source(%arg9 : memref<128x128xf32, #tpu.memory_space<vmem>>) target(%dma_start3A_271 : memref<10112x128xf32, #tpu.memory_space<vmem_shared>>) offsets(%dma_start3A_268 : memref<128xi32, #tpu.memory_space<vmem>>) semaphore(%run_scoped3A : memref<!tpu.dma_semaphore, #tpu.memory_space<semaphore_mem>>) {add = true}
        %dma_wait3A_272 = arith.constant 0 : i32
        %dma_wait3A_273 = tpu.memref_slice %arg7[%add3A_153, %dma_wait3A_272] : memref<16x128xi32, #tpu.memory_space<vmem>> -> memref<1x128xi32, #tpu.memory_space<vmem>>
        %dma_wait3A_274 = tpu.memref_squeeze %dma_wait3A_273 : memref<1x128xi32, #tpu.memory_space<vmem>> -> memref<128xi32, #tpu.memory_space<vmem>>
        %dma_wait3A_275 = arith.constant 0 : i32
        %dma_wait3A_276 = arith.constant 0 : i32
        %dma_wait3A_277 = tpu.memref_slice %arg11[%dma_wait3A_275, %dma_wait3A_276] : memref<10112x128xf32, #tpu.memory_space<vmem_shared>> -> memref<10112x128xf32, #tpu.memory_space<vmem_shared>>
        tpu.wait_indirect_dma semaphore(%run_scoped3A : memref<!tpu.dma_semaphore, #tpu.memory_space<semaphore_mem>>) src(%arg9 : memref<128x128xf32, #tpu.memory_space<vmem>>) dst(%dma_wait3A_277 : memref<10112x128xf32, #tpu.memory_space<vmem_shared>>)
        tpu.yield
      }) : () -> ()
      %add3A_154 = arith.constant 2 : i32
      %add3A_155 = arith.addi %add3A_143, %add3A_154 : i32
      %lt3A_156 = arith.cmpi slt, %add3A_155, %select_n3A : i32
      %convert_element_type3A_157 = arith.extui %lt3A_156 : i1 to i32
      %cond3A_158 = arith.constant 0 : i32
      %cond3A_159 = arith.cmpi ne, %convert_element_type3A_157, %cond3A_158 : i32
      scf.if %cond3A_159 {
        %add3A_266 = arith.constant 4 : i32
        %add3A_267 = arith.addi %mul3A_88, %add3A_266 : i32
        %dma_start3A_268 = arith.constant 0 : i32
        %dma_start3A_269 = tpu.memref_slice %arg8[%add3A_267, %dma_start3A_268] : memref<16x128xi32, #tpu.memory_space<vmem>> -> memref<1x128xi32, #tpu.memory_space<vmem>>
        %dma_start3A_270 = tpu.memref_squeeze %dma_start3A_269 : memref<1x128xi32, #tpu.memory_space<vmem>> -> memref<128xi32, #tpu.memory_space<vmem>>
        %dma_start3A_271 = arith.constant 0 : i32
        %dma_start3A_272 = arith.constant 0 : i32
        %dma_start3A_273 = tpu.memref_slice %arg2[%dma_start3A_271, %dma_start3A_272] : memref<10000x128xf32, #tpu.memory_space<hbm>> -> memref<10000x128xf32, #tpu.memory_space<hbm>>
        tpu.enqueue_indirect_dma source(%dma_start3A_273 : memref<10000x128xf32, #tpu.memory_space<hbm>>) target(%arg9 : memref<128x128xf32, #tpu.memory_space<vmem>>) offsets(%dma_start3A_270 : memref<128xi32, #tpu.memory_space<vmem>>) semaphore(%arg12 : memref<!tpu.dma_semaphore, #tpu.memory_space<semaphore_mem>>)
      } else {
      }
      %mul3A_160 = arith.constant 8 : i32
      %mul3A_161 = arith.muli %mul3A_160, %while3A_85 : i32
      %add3A_162 = arith.constant 3 : i32
      %add3A_163 = arith.addi %mul3A_161, %add3A_162 : i32
      %add3A_164 = arith.constant 3 : i32
      %add3A_165 = arith.addi %mul3A_88, %add3A_164 : i32
      %dma_wait3A_166 = arith.constant 0 : i32
      %dma_wait3A_167 = tpu.memref_slice %arg8[%add3A_165, %dma_wait3A_166] : memref<16x128xi32, #tpu.memory_space<vmem>> -> memref<1x128xi32, #tpu.memory_space<vmem>>
      %dma_wait3A_168 = tpu.memref_squeeze %dma_wait3A_167 : memref<1x128xi32, #tpu.memory_space<vmem>> -> memref<128xi32, #tpu.memory_space<vmem>>
      %dma_wait3A_169 = arith.constant 0 : i32
      %dma_wait3A_170 = arith.constant 0 : i32
      %dma_wait3A_171 = tpu.memref_slice %arg2[%dma_wait3A_169, %dma_wait3A_170] : memref<10000x128xf32, #tpu.memory_space<hbm>> -> memref<10000x128xf32, #tpu.memory_space<hbm>>
      tpu.wait_indirect_dma semaphore(%arg13 : memref<!tpu.dma_semaphore, #tpu.memory_space<semaphore_mem>>) src(%dma_wait3A_171 : memref<10000x128xf32, #tpu.memory_space<hbm>>) dst(%arg10 : memref<128x128xf32, #tpu.memory_space<vmem>>)
      %add3A_172 = arith.constant 3 : i32
      %add3A_173 = arith.addi %mul3A_88, %add3A_172 : i32
      "tpu.region"() ({
        %run_scoped3A = tpu.sem_alloc : memref<!tpu.dma_semaphore, #tpu.memory_space<semaphore_mem>>
        %dma_start3A_266 = arith.constant 0 : i32
        %dma_start3A_267 = tpu.memref_slice %arg7[%add3A_173, %dma_start3A_266] : memref<16x128xi32, #tpu.memory_space<vmem>> -> memref<1x128xi32, #tpu.memory_space<vmem>>
        %dma_start3A_268 = tpu.memref_squeeze %dma_start3A_267 : memref<1x128xi32, #tpu.memory_space<vmem>> -> memref<128xi32, #tpu.memory_space<vmem>>
        %dma_start3A_269 = arith.constant 0 : i32
        %dma_start3A_270 = arith.constant 0 : i32
        %dma_start3A_271 = tpu.memref_slice %arg11[%dma_start3A_269, %dma_start3A_270] : memref<10112x128xf32, #tpu.memory_space<vmem_shared>> -> memref<10112x128xf32, #tpu.memory_space<vmem_shared>>
        tpu.enqueue_indirect_dma source(%arg10 : memref<128x128xf32, #tpu.memory_space<vmem>>) target(%dma_start3A_271 : memref<10112x128xf32, #tpu.memory_space<vmem_shared>>) offsets(%dma_start3A_268 : memref<128xi32, #tpu.memory_space<vmem>>) semaphore(%run_scoped3A : memref<!tpu.dma_semaphore, #tpu.memory_space<semaphore_mem>>) {add = true}
        %dma_wait3A_272 = arith.constant 0 : i32
        %dma_wait3A_273 = tpu.memref_slice %arg7[%add3A_173, %dma_wait3A_272] : memref<16x128xi32, #tpu.memory_space<vmem>> -> memref<1x128xi32, #tpu.memory_space<vmem>>
        %dma_wait3A_274 = tpu.memref_squeeze %dma_wait3A_273 : memref<1x128xi32, #tpu.memory_space<vmem>> -> memref<128xi32, #tpu.memory_space<vmem>>
        %dma_wait3A_275 = arith.constant 0 : i32
        %dma_wait3A_276 = arith.constant 0 : i32
        %dma_wait3A_277 = tpu.memref_slice %arg11[%dma_wait3A_275, %dma_wait3A_276] : memref<10112x128xf32, #tpu.memory_space<vmem_shared>> -> memref<10112x128xf32, #tpu.memory_space<vmem_shared>>
        tpu.wait_indirect_dma semaphore(%run_scoped3A : memref<!tpu.dma_semaphore, #tpu.memory_space<semaphore_mem>>) src(%arg10 : memref<128x128xf32, #tpu.memory_space<vmem>>) dst(%dma_wait3A_277 : memref<10112x128xf32, #tpu.memory_space<vmem_shared>>)
        tpu.yield
      }) : () -> ()
      %add3A_174 = arith.constant 2 : i32
      %add3A_175 = arith.addi %add3A_163, %add3A_174 : i32
      %lt3A_176 = arith.cmpi slt, %add3A_175, %select_n3A : i32
      %convert_element_type3A_177 = arith.extui %lt3A_176 : i1 to i32
      %cond3A_178 = arith.constant 0 : i32
      %cond3A_179 = arith.cmpi ne, %convert_element_type3A_177, %cond3A_178 : i32
      scf.if %cond3A_179 {
        %add3A_266 = arith.constant 5 : i32
        %add3A_267 = arith.addi %mul3A_88, %add3A_266 : i32
        %dma_start3A_268 = arith.constant 0 : i32
        %dma_start3A_269 = tpu.memref_slice %arg8[%add3A_267, %dma_start3A_268] : memref<16x128xi32, #tpu.memory_space<vmem>> -> memref<1x128xi32, #tpu.memory_space<vmem>>
        %dma_start3A_270 = tpu.memref_squeeze %dma_start3A_269 : memref<1x128xi32, #tpu.memory_space<vmem>> -> memref<128xi32, #tpu.memory_space<vmem>>
        %dma_start3A_271 = arith.constant 0 : i32
        %dma_start3A_272 = arith.constant 0 : i32
        %dma_start3A_273 = tpu.memref_slice %arg2[%dma_start3A_271, %dma_start3A_272] : memref<10000x128xf32, #tpu.memory_space<hbm>> -> memref<10000x128xf32, #tpu.memory_space<hbm>>
        tpu.enqueue_indirect_dma source(%dma_start3A_273 : memref<10000x128xf32, #tpu.memory_space<hbm>>) target(%arg10 : memref<128x128xf32, #tpu.memory_space<vmem>>) offsets(%dma_start3A_270 : memref<128xi32, #tpu.memory_space<vmem>>) semaphore(%arg13 : memref<!tpu.dma_semaphore, #tpu.memory_space<semaphore_mem>>)
      } else {
      }
      %mul3A_180 = arith.constant 8 : i32
      %mul3A_181 = arith.muli %mul3A_180, %while3A_85 : i32
      %add3A_182 = arith.constant 4 : i32
      %add3A_183 = arith.addi %mul3A_181, %add3A_182 : i32
      %add3A_184 = arith.constant 4 : i32
      %add3A_185 = arith.addi %mul3A_88, %add3A_184 : i32
      %dma_wait3A_186 = arith.constant 0 : i32
      %dma_wait3A_187 = tpu.memref_slice %arg8[%add3A_185, %dma_wait3A_186] : memref<16x128xi32, #tpu.memory_space<vmem>> -> memref<1x128xi32, #tpu.memory_space<vmem>>
      %dma_wait3A_188 = tpu.memref_squeeze %dma_wait3A_187 : memref<1x128xi32, #tpu.memory_space<vmem>> -> memref<128xi32, #tpu.memory_space<vmem>>
      %dma_wait3A_189 = arith.constant 0 : i32
      %dma_wait3A_190 = arith.constant 0 : i32
      %dma_wait3A_191 = tpu.memref_slice %arg2[%dma_wait3A_189, %dma_wait3A_190] : memref<10000x128xf32, #tpu.memory_space<hbm>> -> memref<10000x128xf32, #tpu.memory_space<hbm>>
      tpu.wait_indirect_dma semaphore(%arg12 : memref<!tpu.dma_semaphore, #tpu.memory_space<semaphore_mem>>) src(%dma_wait3A_191 : memref<10000x128xf32, #tpu.memory_space<hbm>>) dst(%arg9 : memref<128x128xf32, #tpu.memory_space<vmem>>)
      %add3A_192 = arith.constant 4 : i32
      %add3A_193 = arith.addi %mul3A_88, %add3A_192 : i32
      "tpu.region"() ({
        %run_scoped3A = tpu.sem_alloc : memref<!tpu.dma_semaphore, #tpu.memory_space<semaphore_mem>>
        %dma_start3A_266 = arith.constant 0 : i32
        %dma_start3A_267 = tpu.memref_slice %arg7[%add3A_193, %dma_start3A_266] : memref<16x128xi32, #tpu.memory_space<vmem>> -> memref<1x128xi32, #tpu.memory_space<vmem>>
        %dma_start3A_268 = tpu.memref_squeeze %dma_start3A_267 : memref<1x128xi32, #tpu.memory_space<vmem>> -> memref<128xi32, #tpu.memory_space<vmem>>
        %dma_start3A_269 = arith.constant 0 : i32
        %dma_start3A_270 = arith.constant 0 : i32
        %dma_start3A_271 = tpu.memref_slice %arg11[%dma_start3A_269, %dma_start3A_270] : memref<10112x128xf32, #tpu.memory_space<vmem_shared>> -> memref<10112x128xf32, #tpu.memory_space<vmem_shared>>
        tpu.enqueue_indirect_dma source(%arg9 : memref<128x128xf32, #tpu.memory_space<vmem>>) target(%dma_start3A_271 : memref<10112x128xf32, #tpu.memory_space<vmem_shared>>) offsets(%dma_start3A_268 : memref<128xi32, #tpu.memory_space<vmem>>) semaphore(%run_scoped3A : memref<!tpu.dma_semaphore, #tpu.memory_space<semaphore_mem>>) {add = true}
        %dma_wait3A_272 = arith.constant 0 : i32
        %dma_wait3A_273 = tpu.memref_slice %arg7[%add3A_193, %dma_wait3A_272] : memref<16x128xi32, #tpu.memory_space<vmem>> -> memref<1x128xi32, #tpu.memory_space<vmem>>
        %dma_wait3A_274 = tpu.memref_squeeze %dma_wait3A_273 : memref<1x128xi32, #tpu.memory_space<vmem>> -> memref<128xi32, #tpu.memory_space<vmem>>
        %dma_wait3A_275 = arith.constant 0 : i32
        %dma_wait3A_276 = arith.constant 0 : i32
        %dma_wait3A_277 = tpu.memref_slice %arg11[%dma_wait3A_275, %dma_wait3A_276] : memref<10112x128xf32, #tpu.memory_space<vmem_shared>> -> memref<10112x128xf32, #tpu.memory_space<vmem_shared>>
        tpu.wait_indirect_dma semaphore(%run_scoped3A : memref<!tpu.dma_semaphore, #tpu.memory_space<semaphore_mem>>) src(%arg9 : memref<128x128xf32, #tpu.memory_space<vmem>>) dst(%dma_wait3A_277 : memref<10112x128xf32, #tpu.memory_space<vmem_shared>>)
        tpu.yield
      }) : () -> ()
      %add3A_194 = arith.constant 2 : i32
      %add3A_195 = arith.addi %add3A_183, %add3A_194 : i32
      %lt3A_196 = arith.cmpi slt, %add3A_195, %select_n3A : i32
      %convert_element_type3A_197 = arith.extui %lt3A_196 : i1 to i32
      %cond3A_198 = arith.constant 0 : i32
      %cond3A_199 = arith.cmpi ne, %convert_element_type3A_197, %cond3A_198 : i32
      scf.if %cond3A_199 {
        %add3A_266 = arith.constant 6 : i32
        %add3A_267 = arith.addi %mul3A_88, %add3A_266 : i32
        %dma_start3A_268 = arith.constant 0 : i32
        %dma_start3A_269 = tpu.memref_slice %arg8[%add3A_267, %dma_start3A_268] : memref<16x128xi32, #tpu.memory_space<vmem>> -> memref<1x128xi32, #tpu.memory_space<vmem>>
        %dma_start3A_270 = tpu.memref_squeeze %dma_start3A_269 : memref<1x128xi32, #tpu.memory_space<vmem>> -> memref<128xi32, #tpu.memory_space<vmem>>
        %dma_start3A_271 = arith.constant 0 : i32
        %dma_start3A_272 = arith.constant 0 : i32
        %dma_start3A_273 = tpu.memref_slice %arg2[%dma_start3A_271, %dma_start3A_272] : memref<10000x128xf32, #tpu.memory_space<hbm>> -> memref<10000x128xf32, #tpu.memory_space<hbm>>
        tpu.enqueue_indirect_dma source(%dma_start3A_273 : memref<10000x128xf32, #tpu.memory_space<hbm>>) target(%arg9 : memref<128x128xf32, #tpu.memory_space<vmem>>) offsets(%dma_start3A_270 : memref<128xi32, #tpu.memory_space<vmem>>) semaphore(%arg12 : memref<!tpu.dma_semaphore, #tpu.memory_space<semaphore_mem>>)
      } else {
      }
      %mul3A_200 = arith.constant 8 : i32
      %mul3A_201 = arith.muli %mul3A_200, %while3A_85 : i32
      %add3A_202 = arith.constant 5 : i32
      %add3A_203 = arith.addi %mul3A_201, %add3A_202 : i32
      %add3A_204 = arith.constant 5 : i32
      %add3A_205 = arith.addi %mul3A_88, %add3A_204 : i32
      %dma_wait3A_206 = arith.constant 0 : i32
      %dma_wait3A_207 = tpu.memref_slice %arg8[%add3A_205, %dma_wait3A_206] : memref<16x128xi32, #tpu.memory_space<vmem>> -> memref<1x128xi32, #tpu.memory_space<vmem>>
      %dma_wait3A_208 = tpu.memref_squeeze %dma_wait3A_207 : memref<1x128xi32, #tpu.memory_space<vmem>> -> memref<128xi32, #tpu.memory_space<vmem>>
      %dma_wait3A_209 = arith.constant 0 : i32
      %dma_wait3A_210 = arith.constant 0 : i32
      %dma_wait3A_211 = tpu.memref_slice %arg2[%dma_wait3A_209, %dma_wait3A_210] : memref<10000x128xf32, #tpu.memory_space<hbm>> -> memref<10000x128xf32, #tpu.memory_space<hbm>>
      tpu.wait_indirect_dma semaphore(%arg13 : memref<!tpu.dma_semaphore, #tpu.memory_space<semaphore_mem>>) src(%dma_wait3A_211 : memref<10000x128xf32, #tpu.memory_space<hbm>>) dst(%arg10 : memref<128x128xf32, #tpu.memory_space<vmem>>)
      %add3A_212 = arith.constant 5 : i32
      %add3A_213 = arith.addi %mul3A_88, %add3A_212 : i32
      "tpu.region"() ({
        %run_scoped3A = tpu.sem_alloc : memref<!tpu.dma_semaphore, #tpu.memory_space<semaphore_mem>>
        %dma_start3A_266 = arith.constant 0 : i32
        %dma_start3A_267 = tpu.memref_slice %arg7[%add3A_213, %dma_start3A_266] : memref<16x128xi32, #tpu.memory_space<vmem>> -> memref<1x128xi32, #tpu.memory_space<vmem>>
        %dma_start3A_268 = tpu.memref_squeeze %dma_start3A_267 : memref<1x128xi32, #tpu.memory_space<vmem>> -> memref<128xi32, #tpu.memory_space<vmem>>
        %dma_start3A_269 = arith.constant 0 : i32
        %dma_start3A_270 = arith.constant 0 : i32
        %dma_start3A_271 = tpu.memref_slice %arg11[%dma_start3A_269, %dma_start3A_270] : memref<10112x128xf32, #tpu.memory_space<vmem_shared>> -> memref<10112x128xf32, #tpu.memory_space<vmem_shared>>
        tpu.enqueue_indirect_dma source(%arg10 : memref<128x128xf32, #tpu.memory_space<vmem>>) target(%dma_start3A_271 : memref<10112x128xf32, #tpu.memory_space<vmem_shared>>) offsets(%dma_start3A_268 : memref<128xi32, #tpu.memory_space<vmem>>) semaphore(%run_scoped3A : memref<!tpu.dma_semaphore, #tpu.memory_space<semaphore_mem>>) {add = true}
        %dma_wait3A_272 = arith.constant 0 : i32
        %dma_wait3A_273 = tpu.memref_slice %arg7[%add3A_213, %dma_wait3A_272] : memref<16x128xi32, #tpu.memory_space<vmem>> -> memref<1x128xi32, #tpu.memory_space<vmem>>
        %dma_wait3A_274 = tpu.memref_squeeze %dma_wait3A_273 : memref<1x128xi32, #tpu.memory_space<vmem>> -> memref<128xi32, #tpu.memory_space<vmem>>
        %dma_wait3A_275 = arith.constant 0 : i32
        %dma_wait3A_276 = arith.constant 0 : i32
        %dma_wait3A_277 = tpu.memref_slice %arg11[%dma_wait3A_275, %dma_wait3A_276] : memref<10112x128xf32, #tpu.memory_space<vmem_shared>> -> memref<10112x128xf32, #tpu.memory_space<vmem_shared>>
        tpu.wait_indirect_dma semaphore(%run_scoped3A : memref<!tpu.dma_semaphore, #tpu.memory_space<semaphore_mem>>) src(%arg10 : memref<128x128xf32, #tpu.memory_space<vmem>>) dst(%dma_wait3A_277 : memref<10112x128xf32, #tpu.memory_space<vmem_shared>>)
        tpu.yield
      }) : () -> ()
      %add3A_214 = arith.constant 2 : i32
      %add3A_215 = arith.addi %add3A_203, %add3A_214 : i32
      %lt3A_216 = arith.cmpi slt, %add3A_215, %select_n3A : i32
      %convert_element_type3A_217 = arith.extui %lt3A_216 : i1 to i32
      %cond3A_218 = arith.constant 0 : i32
      %cond3A_219 = arith.cmpi ne, %convert_element_type3A_217, %cond3A_218 : i32
      scf.if %cond3A_219 {
        %add3A_266 = arith.constant 7 : i32
        %add3A_267 = arith.addi %mul3A_88, %add3A_266 : i32
        %dma_start3A_268 = arith.constant 0 : i32
        %dma_start3A_269 = tpu.memref_slice %arg8[%add3A_267, %dma_start3A_268] : memref<16x128xi32, #tpu.memory_space<vmem>> -> memref<1x128xi32, #tpu.memory_space<vmem>>
        %dma_start3A_270 = tpu.memref_squeeze %dma_start3A_269 : memref<1x128xi32, #tpu.memory_space<vmem>> -> memref<128xi32, #tpu.memory_space<vmem>>
        %dma_start3A_271 = arith.constant 0 : i32
        %dma_start3A_272 = arith.constant 0 : i32
        %dma_start3A_273 = tpu.memref_slice %arg2[%dma_start3A_271, %dma_start3A_272] : memref<10000x128xf32, #tpu.memory_space<hbm>> -> memref<10000x128xf32, #tpu.memory_space<hbm>>
        tpu.enqueue_indirect_dma source(%dma_start3A_273 : memref<10000x128xf32, #tpu.memory_space<hbm>>) target(%arg10 : memref<128x128xf32, #tpu.memory_space<vmem>>) offsets(%dma_start3A_270 : memref<128xi32, #tpu.memory_space<vmem>>) semaphore(%arg13 : memref<!tpu.dma_semaphore, #tpu.memory_space<semaphore_mem>>)
      } else {
      }
      %mul3A_220 = arith.constant 8 : i32
      %mul3A_221 = arith.muli %mul3A_220, %while3A_85 : i32
      %add3A_222 = arith.constant 6 : i32
      %add3A_223 = arith.addi %mul3A_221, %add3A_222 : i32
      %add3A_224 = arith.constant 6 : i32
      %add3A_225 = arith.addi %mul3A_88, %add3A_224 : i32
      %dma_wait3A_226 = arith.constant 0 : i32
      %dma_wait3A_227 = tpu.memref_slice %arg8[%add3A_225, %dma_wait3A_226] : memref<16x128xi32, #tpu.memory_space<vmem>> -> memref<1x128xi32, #tpu.memory_space<vmem>>
      %dma_wait3A_228 = tpu.memref_squeeze %dma_wait3A_227 : memref<1x128xi32, #tpu.memory_space<vmem>> -> memref<128xi32, #tpu.memory_space<vmem>>
      %dma_wait3A_229 = arith.constant 0 : i32
      %dma_wait3A_230 = arith.constant 0 : i32
      %dma_wait3A_231 = tpu.memref_slice %arg2[%dma_wait3A_229, %dma_wait3A_230] : memref<10000x128xf32, #tpu.memory_space<hbm>> -> memref<10000x128xf32, #tpu.memory_space<hbm>>
      tpu.wait_indirect_dma semaphore(%arg12 : memref<!tpu.dma_semaphore, #tpu.memory_space<semaphore_mem>>) src(%dma_wait3A_231 : memref<10000x128xf32, #tpu.memory_space<hbm>>) dst(%arg9 : memref<128x128xf32, #tpu.memory_space<vmem>>)
      %add3A_232 = arith.constant 6 : i32
      %add3A_233 = arith.addi %mul3A_88, %add3A_232 : i32
      "tpu.region"() ({
        %run_scoped3A = tpu.sem_alloc : memref<!tpu.dma_semaphore, #tpu.memory_space<semaphore_mem>>
        %dma_start3A_266 = arith.constant 0 : i32
        %dma_start3A_267 = tpu.memref_slice %arg7[%add3A_233, %dma_start3A_266] : memref<16x128xi32, #tpu.memory_space<vmem>> -> memref<1x128xi32, #tpu.memory_space<vmem>>
        %dma_start3A_268 = tpu.memref_squeeze %dma_start3A_267 : memref<1x128xi32, #tpu.memory_space<vmem>> -> memref<128xi32, #tpu.memory_space<vmem>>
        %dma_start3A_269 = arith.constant 0 : i32
        %dma_start3A_270 = arith.constant 0 : i32
        %dma_start3A_271 = tpu.memref_slice %arg11[%dma_start3A_269, %dma_start3A_270] : memref<10112x128xf32, #tpu.memory_space<vmem_shared>> -> memref<10112x128xf32, #tpu.memory_space<vmem_shared>>
        tpu.enqueue_indirect_dma source(%arg9 : memref<128x128xf32, #tpu.memory_space<vmem>>) target(%dma_start3A_271 : memref<10112x128xf32, #tpu.memory_space<vmem_shared>>) offsets(%dma_start3A_268 : memref<128xi32, #tpu.memory_space<vmem>>) semaphore(%run_scoped3A : memref<!tpu.dma_semaphore, #tpu.memory_space<semaphore_mem>>) {add = true}
        %dma_wait3A_272 = arith.constant 0 : i32
        %dma_wait3A_273 = tpu.memref_slice %arg7[%add3A_233, %dma_wait3A_272] : memref<16x128xi32, #tpu.memory_space<vmem>> -> memref<1x128xi32, #tpu.memory_space<vmem>>
        %dma_wait3A_274 = tpu.memref_squeeze %dma_wait3A_273 : memref<1x128xi32, #tpu.memory_space<vmem>> -> memref<128xi32, #tpu.memory_space<vmem>>
        %dma_wait3A_275 = arith.constant 0 : i32
        %dma_wait3A_276 = arith.constant 0 : i32
        %dma_wait3A_277 = tpu.memref_slice %arg11[%dma_wait3A_275, %dma_wait3A_276] : memref<10112x128xf32, #tpu.memory_space<vmem_shared>> -> memref<10112x128xf32, #tpu.memory_space<vmem_shared>>
        tpu.wait_indirect_dma semaphore(%run_scoped3A : memref<!tpu.dma_semaphore, #tpu.memory_space<semaphore_mem>>) src(%arg9 : memref<128x128xf32, #tpu.memory_space<vmem>>) dst(%dma_wait3A_277 : memref<10112x128xf32, #tpu.memory_space<vmem_shared>>)
        tpu.yield
      }) : () -> ()
      %add3A_234 = arith.constant 2 : i32
      %add3A_235 = arith.addi %add3A_223, %add3A_234 : i32
      %lt3A_236 = arith.cmpi slt, %add3A_235, %select_n3A : i32
      %convert_element_type3A_237 = arith.extui %lt3A_236 : i1 to i32
      %cond3A_238 = arith.constant 0 : i32
      %cond3A_239 = arith.cmpi ne, %convert_element_type3A_237, %cond3A_238 : i32
      scf.if %cond3A_239 {
        %add3A_266 = arith.constant 0 : i32
        %add3A_267 = arith.addi %mul3A_94, %add3A_266 : i32
        %dma_start3A_268 = arith.constant 0 : i32
        %dma_start3A_269 = tpu.memref_slice %arg8[%add3A_267, %dma_start3A_268] : memref<16x128xi32, #tpu.memory_space<vmem>> -> memref<1x128xi32, #tpu.memory_space<vmem>>
        %dma_start3A_270 = tpu.memref_squeeze %dma_start3A_269 : memref<1x128xi32, #tpu.memory_space<vmem>> -> memref<128xi32, #tpu.memory_space<vmem>>
        %dma_start3A_271 = arith.constant 0 : i32
        %dma_start3A_272 = arith.constant 0 : i32
        %dma_start3A_273 = tpu.memref_slice %arg2[%dma_start3A_271, %dma_start3A_272] : memref<10000x128xf32, #tpu.memory_space<hbm>> -> memref<10000x128xf32, #tpu.memory_space<hbm>>
        tpu.enqueue_indirect_dma source(%dma_start3A_273 : memref<10000x128xf32, #tpu.memory_space<hbm>>) target(%arg9 : memref<128x128xf32, #tpu.memory_space<vmem>>) offsets(%dma_start3A_270 : memref<128xi32, #tpu.memory_space<vmem>>) semaphore(%arg12 : memref<!tpu.dma_semaphore, #tpu.memory_space<semaphore_mem>>)
      } else {
      }
      %mul3A_240 = arith.constant 8 : i32
      %mul3A_241 = arith.muli %mul3A_240, %while3A_85 : i32
      %add3A_242 = arith.constant 7 : i32
      %add3A_243 = arith.addi %mul3A_241, %add3A_242 : i32
      %add3A_244 = arith.constant 7 : i32
      %add3A_245 = arith.addi %mul3A_88, %add3A_244 : i32
      %dma_wait3A_246 = arith.constant 0 : i32
      %dma_wait3A_247 = tpu.memref_slice %arg8[%add3A_245, %dma_wait3A_246] : memref<16x128xi32, #tpu.memory_space<vmem>> -> memref<1x128xi32, #tpu.memory_space<vmem>>
      %dma_wait3A_248 = tpu.memref_squeeze %dma_wait3A_247 : memref<1x128xi32, #tpu.memory_space<vmem>> -> memref<128xi32, #tpu.memory_space<vmem>>
      %dma_wait3A_249 = arith.constant 0 : i32
      %dma_wait3A_250 = arith.constant 0 : i32
      %dma_wait3A_251 = tpu.memref_slice %arg2[%dma_wait3A_249, %dma_wait3A_250] : memref<10000x128xf32, #tpu.memory_space<hbm>> -> memref<10000x128xf32, #tpu.memory_space<hbm>>
      tpu.wait_indirect_dma semaphore(%arg13 : memref<!tpu.dma_semaphore, #tpu.memory_space<semaphore_mem>>) src(%dma_wait3A_251 : memref<10000x128xf32, #tpu.memory_space<hbm>>) dst(%arg10 : memref<128x128xf32, #tpu.memory_space<vmem>>)
      %add3A_252 = arith.constant 7 : i32
      %add3A_253 = arith.addi %mul3A_88, %add3A_252 : i32
      "tpu.region"() ({
        %run_scoped3A = tpu.sem_alloc : memref<!tpu.dma_semaphore, #tpu.memory_space<semaphore_mem>>
        %dma_start3A_266 = arith.constant 0 : i32
        %dma_start3A_267 = tpu.memref_slice %arg7[%add3A_253, %dma_start3A_266] : memref<16x128xi32, #tpu.memory_space<vmem>> -> memref<1x128xi32, #tpu.memory_space<vmem>>
        %dma_start3A_268 = tpu.memref_squeeze %dma_start3A_267 : memref<1x128xi32, #tpu.memory_space<vmem>> -> memref<128xi32, #tpu.memory_space<vmem>>
        %dma_start3A_269 = arith.constant 0 : i32
        %dma_start3A_270 = arith.constant 0 : i32
        %dma_start3A_271 = tpu.memref_slice %arg11[%dma_start3A_269, %dma_start3A_270] : memref<10112x128xf32, #tpu.memory_space<vmem_shared>> -> memref<10112x128xf32, #tpu.memory_space<vmem_shared>>
        tpu.enqueue_indirect_dma source(%arg10 : memref<128x128xf32, #tpu.memory_space<vmem>>) target(%dma_start3A_271 : memref<10112x128xf32, #tpu.memory_space<vmem_shared>>) offsets(%dma_start3A_268 : memref<128xi32, #tpu.memory_space<vmem>>) semaphore(%run_scoped3A : memref<!tpu.dma_semaphore, #tpu.memory_space<semaphore_mem>>) {add = true}
        %dma_wait3A_272 = arith.constant 0 : i32
        %dma_wait3A_273 = tpu.memref_slice %arg7[%add3A_253, %dma_wait3A_272] : memref<16x128xi32, #tpu.memory_space<vmem>> -> memref<1x128xi32, #tpu.memory_space<vmem>>
        %dma_wait3A_274 = tpu.memref_squeeze %dma_wait3A_273 : memref<1x128xi32, #tpu.memory_space<vmem>> -> memref<128xi32, #tpu.memory_space<vmem>>
        %dma_wait3A_275 = arith.constant 0 : i32
        %dma_wait3A_276 = arith.constant 0 : i32
        %dma_wait3A_277 = tpu.memref_slice %arg11[%dma_wait3A_275, %dma_wait3A_276] : memref<10112x128xf32, #tpu.memory_space<vmem_shared>> -> memref<10112x128xf32, #tpu.memory_space<vmem_shared>>
        tpu.wait_indirect_dma semaphore(%run_scoped3A : memref<!tpu.dma_semaphore, #tpu.memory_space<semaphore_mem>>) src(%arg10 : memref<128x128xf32, #tpu.memory_space<vmem>>) dst(%dma_wait3A_277 : memref<10112x128xf32, #tpu.memory_space<vmem_shared>>)
        tpu.yield
      }) : () -> ()
      %add3A_254 = arith.constant 2 : i32
      %add3A_255 = arith.addi %add3A_243, %add3A_254 : i32
      %lt3A_256 = arith.cmpi slt, %add3A_255, %select_n3A : i32
      %convert_element_type3A_257 = arith.extui %lt3A_256 : i1 to i32
      %cond3A_258 = arith.constant 0 : i32
      %cond3A_259 = arith.cmpi ne, %convert_element_type3A_257, %cond3A_258 : i32
      scf.if %cond3A_259 {
        %add3A_266 = arith.constant 1 : i32
        %add3A_267 = arith.addi %mul3A_94, %add3A_266 : i32
        %dma_start3A_268 = arith.constant 0 : i32
        %dma_start3A_269 = tpu.memref_slice %arg8[%add3A_267, %dma_start3A_268] : memref<16x128xi32, #tpu.memory_space<vmem>> -> memref<1x128xi32, #tpu.memory_space<vmem>>
        %dma_start3A_270 = tpu.memref_squeeze %dma_start3A_269 : memref<1x128xi32, #tpu.memory_space<vmem>> -> memref<128xi32, #tpu.memory_space<vmem>>
        %dma_start3A_271 = arith.constant 0 : i32
        %dma_start3A_272 = arith.constant 0 : i32
        %dma_start3A_273 = tpu.memref_slice %arg2[%dma_start3A_271, %dma_start3A_272] : memref<10000x128xf32, #tpu.memory_space<hbm>> -> memref<10000x128xf32, #tpu.memory_space<hbm>>
        tpu.enqueue_indirect_dma source(%dma_start3A_273 : memref<10000x128xf32, #tpu.memory_space<hbm>>) target(%arg10 : memref<128x128xf32, #tpu.memory_space<vmem>>) offsets(%dma_start3A_270 : memref<128xi32, #tpu.memory_space<vmem>>) semaphore(%arg13 : memref<!tpu.dma_semaphore, #tpu.memory_space<semaphore_mem>>)
      } else {
      }
      %add3A_260 = arith.constant 2 : i32
      %add3A_261 = arith.addi %while3A_85, %add3A_260 : i32
      %lt3A_262 = arith.cmpi slt, %add3A_261, %select_n3A_7 : i32
      %convert_element_type3A_263 = arith.extui %lt3A_262 : i1 to i32
      %cond3A_264 = arith.constant 0 : i32
      %cond3A_265 = arith.cmpi ne, %convert_element_type3A_263, %cond3A_264 : i32
      scf.if %cond3A_265 {
        %add3A_266 = arith.constant 2 : i32
        %add3A_267 = arith.addi %while3A_85, %add3A_266 : i32
        %rem3A_268 = arith.constant 2 : i32
        %rem3A_269 = arith.remsi %while3A_85, %rem3A_268 : i32
        %mul3A_270 = arith.constant 8 : i32
        %mul3A_271 = arith.muli %add3A_267, %mul3A_270 : i32
        %multiple_of3A_272 = tpu.assume_multiple %mul3A_271, 8 : i32
        %mul3A_273 = arith.constant 8 : i32
        %mul3A_274 = arith.muli %rem3A_269, %mul3A_273 : i32
        %multiple_of3A_275 = tpu.assume_multiple %mul3A_274, 8 : i32
        %dma_start3A_276 = arith.constant 0 : i32
        %dma_start3A_277 = tpu.memref_slice %arg7[%multiple_of3A_275, %dma_start3A_276] : memref<16x128xi32, #tpu.memory_space<vmem>> -> memref<8x128xi32, #tpu.memory_space<vmem>>
        %dma_start3A_278 = arith.constant 0 : i32
        %dma_start3A_279 = tpu.memref_slice %arg3[%add3A, %multiple_of3A_272, %dma_start3A_278] : memref<32x80x128xi32, #tpu.memory_space<hbm>> -> memref<1x8x128xi32, #tpu.memory_space<hbm>>
        %dma_start3A_280 = tpu.memref_squeeze %dma_start3A_279 : memref<1x8x128xi32, #tpu.memory_space<hbm>> -> memref<8x128xi32, #tpu.memory_space<hbm>>
        %dma_start3A_281 = arith.constant 0 : i32
        %dma_start3A_282 = tpu.memref_slice %arg7[%multiple_of3A_275, %dma_start3A_281] : memref<16x128xi32, #tpu.memory_space<vmem>> -> memref<8x128xi32, #tpu.memory_space<vmem>>
        %dma_start3A_283 = arith.constant 0 : i32
        %dma_start3A_284 = tpu.memref_slice %arg3[%add3A, %multiple_of3A_272, %dma_start3A_283] : memref<32x80x128xi32, #tpu.memory_space<hbm>> -> memref<1x8x128xi32, #tpu.memory_space<hbm>>
        %dma_start3A_285 = tpu.memref_squeeze %dma_start3A_284 : memref<1x8x128xi32, #tpu.memory_space<hbm>> -> memref<8x128xi32, #tpu.memory_space<hbm>>
        tpu.enqueue_dma source(%dma_start3A_285 : memref<8x128xi32, #tpu.memory_space<hbm>>) target(%dma_start3A_282 : memref<8x128xi32, #tpu.memory_space<vmem>>) target_semaphore(%arg14 : memref<!tpu.dma_semaphore, #tpu.memory_space<semaphore_mem>>)
        %dma_start3A_286 = arith.constant 0 : i32
        %dma_start3A_287 = tpu.memref_slice %arg8[%multiple_of3A_275, %dma_start3A_286] : memref<16x128xi32, #tpu.memory_space<vmem>> -> memref<8x128xi32, #tpu.memory_space<vmem>>
        %dma_start3A_288 = arith.constant 0 : i32
        %dma_start3A_289 = tpu.memref_slice %arg4[%add3A, %multiple_of3A_272, %dma_start3A_288] : memref<32x80x128xi32, #tpu.memory_space<hbm>> -> memref<1x8x128xi32, #tpu.memory_space<hbm>>
        %dma_start3A_290 = tpu.memref_squeeze %dma_start3A_289 : memref<1x8x128xi32, #tpu.memory_space<hbm>> -> memref<8x128xi32, #tpu.memory_space<hbm>>
        %dma_start3A_291 = arith.constant 0 : i32
        %dma_start3A_292 = tpu.memref_slice %arg8[%multiple_of3A_275, %dma_start3A_291] : memref<16x128xi32, #tpu.memory_space<vmem>> -> memref<8x128xi32, #tpu.memory_space<vmem>>
        %dma_start3A_293 = arith.constant 0 : i32
        %dma_start3A_294 = tpu.memref_slice %arg4[%add3A, %multiple_of3A_272, %dma_start3A_293] : memref<32x80x128xi32, #tpu.memory_space<hbm>> -> memref<1x8x128xi32, #tpu.memory_space<hbm>>
        %dma_start3A_295 = tpu.memref_squeeze %dma_start3A_294 : memref<1x8x128xi32, #tpu.memory_space<hbm>> -> memref<8x128xi32, #tpu.memory_space<hbm>>
        tpu.enqueue_dma source(%dma_start3A_295 : memref<8x128xi32, #tpu.memory_space<hbm>>) target(%dma_start3A_292 : memref<8x128xi32, #tpu.memory_space<vmem>>) target_semaphore(%arg14 : memref<!tpu.dma_semaphore, #tpu.memory_space<semaphore_mem>>)
      } else {
      }
    }
    %while3A_79 = arith.constant 1 : i32
    scf.for %while3A_85 = %while3A_77 to %while3A_73 step %while3A_79  : i32 {
      %rem3A = arith.constant 2 : i32
      %rem3A_86 = arith.remsi %while3A_85, %rem3A : i32
      %mul3A_87 = arith.constant 8 : i32
      %mul3A_88 = arith.muli %rem3A_86, %mul3A_87 : i32
      %add3A_89 = arith.constant 1 : i32
      %add3A_90 = arith.addi %while3A_85, %add3A_89 : i32
      %rem3A_91 = arith.constant 2 : i32
      %rem3A_92 = arith.remsi %add3A_90, %rem3A_91 : i32
      %mul3A_93 = arith.constant 8 : i32
      %mul3A_94 = arith.muli %rem3A_92, %mul3A_93 : i32
      %add3A_95 = arith.constant 1 : i32
      %add3A_96 = arith.addi %while3A_85, %add3A_95 : i32
      %lt3A = arith.cmpi slt, %add3A_96, %select_n3A_7 : i32
      %convert_element_type3A_97 = arith.extui %lt3A : i1 to i32
      %cond3A_98 = arith.constant 0 : i32
      %cond3A_99 = arith.cmpi ne, %convert_element_type3A_97, %cond3A_98 : i32
      scf.if %cond3A_99 {
        %add3A_266 = arith.constant 1 : i32
        %add3A_267 = arith.addi %while3A_85, %add3A_266 : i32
        %add3A_268 = arith.constant 1 : i32
        %add3A_269 = arith.addi %while3A_85, %add3A_268 : i32
        %rem3A_270 = arith.constant 2 : i32
        %rem3A_271 = arith.remsi %add3A_269, %rem3A_270 : i32
        %mul3A_272 = arith.constant 8 : i32
        %mul3A_273 = arith.muli %add3A_267, %mul3A_272 : i32
        %multiple_of3A_274 = tpu.assume_multiple %mul3A_273, 8 : i32
        %mul3A_275 = arith.constant 8 : i32
        %mul3A_276 = arith.muli %rem3A_271, %mul3A_275 : i32
        %multiple_of3A_277 = tpu.assume_multiple %mul3A_276, 8 : i32
        %dma_wait3A_278 = arith.constant 0 : i32
        %dma_wait3A_279 = tpu.memref_slice %arg7[%multiple_of3A_277, %dma_wait3A_278] : memref<16x128xi32, #tpu.memory_space<vmem>> -> memref<8x128xi32, #tpu.memory_space<vmem>>
        %dma_wait3A_280 = arith.constant 0 : i32
        %dma_wait3A_281 = tpu.memref_slice %arg3[%add3A, %multiple_of3A_274, %dma_wait3A_280] : memref<32x80x128xi32, #tpu.memory_space<hbm>> -> memref<1x8x128xi32, #tpu.memory_space<hbm>>
        %dma_wait3A_282 = tpu.memref_squeeze %dma_wait3A_281 : memref<1x8x128xi32, #tpu.memory_space<hbm>> -> memref<8x128xi32, #tpu.memory_space<hbm>>
        %dma_wait3A_283 = arith.constant 0 : i32
        %dma_wait3A_284 = tpu.memref_slice %arg7[%multiple_of3A_277, %dma_wait3A_283] : memref<16x128xi32, #tpu.memory_space<vmem>> -> memref<8x128xi32, #tpu.memory_space<vmem>>
        %dma_wait3A_285 = arith.constant 0 : i32
        %dma_wait3A_286 = tpu.memref_slice %arg3[%add3A, %multiple_of3A_274, %dma_wait3A_285] : memref<32x80x128xi32, #tpu.memory_space<hbm>> -> memref<1x8x128xi32, #tpu.memory_space<hbm>>
        %dma_wait3A_287 = tpu.memref_squeeze %dma_wait3A_286 : memref<1x8x128xi32, #tpu.memory_space<hbm>> -> memref<8x128xi32, #tpu.memory_space<hbm>>
        tpu.wait_dma2 semaphore(%arg14 : memref<!tpu.dma_semaphore, #tpu.memory_space<semaphore_mem>>) src(%dma_wait3A_287 : memref<8x128xi32, #tpu.memory_space<hbm>>) dst(%dma_wait3A_284 : memref<8x128xi32, #tpu.memory_space<vmem>>)
        %dma_wait3A_288 = arith.constant 0 : i32
        %dma_wait3A_289 = tpu.memref_slice %arg8[%multiple_of3A_277, %dma_wait3A_288] : memref<16x128xi32, #tpu.memory_space<vmem>> -> memref<8x128xi32, #tpu.memory_space<vmem>>
        %dma_wait3A_290 = arith.constant 0 : i32
        %dma_wait3A_291 = tpu.memref_slice %arg4[%add3A, %multiple_of3A_274, %dma_wait3A_290] : memref<32x80x128xi32, #tpu.memory_space<hbm>> -> memref<1x8x128xi32, #tpu.memory_space<hbm>>
        %dma_wait3A_292 = tpu.memref_squeeze %dma_wait3A_291 : memref<1x8x128xi32, #tpu.memory_space<hbm>> -> memref<8x128xi32, #tpu.memory_space<hbm>>
        %dma_wait3A_293 = arith.constant 0 : i32
        %dma_wait3A_294 = tpu.memref_slice %arg8[%multiple_of3A_277, %dma_wait3A_293] : memref<16x128xi32, #tpu.memory_space<vmem>> -> memref<8x128xi32, #tpu.memory_space<vmem>>
        %dma_wait3A_295 = arith.constant 0 : i32
        %dma_wait3A_296 = tpu.memref_slice %arg4[%add3A, %multiple_of3A_274, %dma_wait3A_295] : memref<32x80x128xi32, #tpu.memory_space<hbm>> -> memref<1x8x128xi32, #tpu.memory_space<hbm>>
        %dma_wait3A_297 = tpu.memref_squeeze %dma_wait3A_296 : memref<1x8x128xi32, #tpu.memory_space<hbm>> -> memref<8x128xi32, #tpu.memory_space<hbm>>
        tpu.wait_dma2 semaphore(%arg14 : memref<!tpu.dma_semaphore, #tpu.memory_space<semaphore_mem>>) src(%dma_wait3A_297 : memref<8x128xi32, #tpu.memory_space<hbm>>) dst(%dma_wait3A_294 : memref<8x128xi32, #tpu.memory_space<vmem>>)
      } else {
      }
      %mul3A_100 = arith.constant 8 : i32
      %mul3A_101 = arith.muli %mul3A_100, %while3A_85 : i32
      %add3A_102 = arith.constant 0 : i32
      %add3A_103 = arith.addi %mul3A_101, %add3A_102 : i32
      %add3A_104 = arith.constant 0 : i32
      %add3A_105 = arith.addi %mul3A_88, %add3A_104 : i32
      %dma_wait3A_106 = arith.constant 0 : i32
      %dma_wait3A_107 = tpu.memref_slice %arg8[%add3A_105, %dma_wait3A_106] : memref<16x128xi32, #tpu.memory_space<vmem>> -> memref<1x128xi32, #tpu.memory_space<vmem>>
      %dma_wait3A_108 = tpu.memref_squeeze %dma_wait3A_107 : memref<1x128xi32, #tpu.memory_space<vmem>> -> memref<128xi32, #tpu.memory_space<vmem>>
      %dma_wait3A_109 = arith.constant 0 : i32
      %dma_wait3A_110 = arith.constant 0 : i32
      %dma_wait3A_111 = tpu.memref_slice %arg2[%dma_wait3A_109, %dma_wait3A_110] : memref<10000x128xf32, #tpu.memory_space<hbm>> -> memref<10000x128xf32, #tpu.memory_space<hbm>>
      tpu.wait_indirect_dma semaphore(%arg12 : memref<!tpu.dma_semaphore, #tpu.memory_space<semaphore_mem>>) src(%dma_wait3A_111 : memref<10000x128xf32, #tpu.memory_space<hbm>>) dst(%arg9 : memref<128x128xf32, #tpu.memory_space<vmem>>)
      %add3A_112 = arith.constant 0 : i32
      %add3A_113 = arith.addi %mul3A_88, %add3A_112 : i32
      "tpu.region"() ({
        %run_scoped3A = tpu.sem_alloc : memref<!tpu.dma_semaphore, #tpu.memory_space<semaphore_mem>>
        %dma_start3A_266 = arith.constant 0 : i32
        %dma_start3A_267 = tpu.memref_slice %arg7[%add3A_113, %dma_start3A_266] : memref<16x128xi32, #tpu.memory_space<vmem>> -> memref<1x128xi32, #tpu.memory_space<vmem>>
        %dma_start3A_268 = tpu.memref_squeeze %dma_start3A_267 : memref<1x128xi32, #tpu.memory_space<vmem>> -> memref<128xi32, #tpu.memory_space<vmem>>
        %dma_start3A_269 = arith.constant 0 : i32
        %dma_start3A_270 = arith.constant 0 : i32
        %dma_start3A_271 = tpu.memref_slice %arg11[%dma_start3A_269, %dma_start3A_270] : memref<10112x128xf32, #tpu.memory_space<vmem_shared>> -> memref<10112x128xf32, #tpu.memory_space<vmem_shared>>
        tpu.enqueue_indirect_dma source(%arg9 : memref<128x128xf32, #tpu.memory_space<vmem>>) target(%dma_start3A_271 : memref<10112x128xf32, #tpu.memory_space<vmem_shared>>) offsets(%dma_start3A_268 : memref<128xi32, #tpu.memory_space<vmem>>) semaphore(%run_scoped3A : memref<!tpu.dma_semaphore, #tpu.memory_space<semaphore_mem>>) {add = true}
        %dma_wait3A_272 = arith.constant 0 : i32
        %dma_wait3A_273 = tpu.memref_slice %arg7[%add3A_113, %dma_wait3A_272] : memref<16x128xi32, #tpu.memory_space<vmem>> -> memref<1x128xi32, #tpu.memory_space<vmem>>
        %dma_wait3A_274 = tpu.memref_squeeze %dma_wait3A_273 : memref<1x128xi32, #tpu.memory_space<vmem>> -> memref<128xi32, #tpu.memory_space<vmem>>
        %dma_wait3A_275 = arith.constant 0 : i32
        %dma_wait3A_276 = arith.constant 0 : i32
        %dma_wait3A_277 = tpu.memref_slice %arg11[%dma_wait3A_275, %dma_wait3A_276] : memref<10112x128xf32, #tpu.memory_space<vmem_shared>> -> memref<10112x128xf32, #tpu.memory_space<vmem_shared>>
        tpu.wait_indirect_dma semaphore(%run_scoped3A : memref<!tpu.dma_semaphore, #tpu.memory_space<semaphore_mem>>) src(%arg9 : memref<128x128xf32, #tpu.memory_space<vmem>>) dst(%dma_wait3A_277 : memref<10112x128xf32, #tpu.memory_space<vmem_shared>>)
        tpu.yield
      }) : () -> ()
      %add3A_114 = arith.constant 2 : i32
      %add3A_115 = arith.addi %add3A_103, %add3A_114 : i32
      %lt3A_116 = arith.cmpi slt, %add3A_115, %select_n3A : i32
      %convert_element_type3A_117 = arith.extui %lt3A_116 : i1 to i32
      %cond3A_118 = arith.constant 0 : i32
      %cond3A_119 = arith.cmpi ne, %convert_element_type3A_117, %cond3A_118 : i32
      scf.if %cond3A_119 {
        %add3A_266 = arith.constant 2 : i32
        %add3A_267 = arith.addi %mul3A_88, %add3A_266 : i32
        %dma_start3A_268 = arith.constant 0 : i32
        %dma_start3A_269 = tpu.memref_slice %arg8[%add3A_267, %dma_start3A_268] : memref<16x128xi32, #tpu.memory_space<vmem>> -> memref<1x128xi32, #tpu.memory_space<vmem>>
        %dma_start3A_270 = tpu.memref_squeeze %dma_start3A_269 : memref<1x128xi32, #tpu.memory_space<vmem>> -> memref<128xi32, #tpu.memory_space<vmem>>
        %dma_start3A_271 = arith.constant 0 : i32
        %dma_start3A_272 = arith.constant 0 : i32
        %dma_start3A_273 = tpu.memref_slice %arg2[%dma_start3A_271, %dma_start3A_272] : memref<10000x128xf32, #tpu.memory_space<hbm>> -> memref<10000x128xf32, #tpu.memory_space<hbm>>
        tpu.enqueue_indirect_dma source(%dma_start3A_273 : memref<10000x128xf32, #tpu.memory_space<hbm>>) target(%arg9 : memref<128x128xf32, #tpu.memory_space<vmem>>) offsets(%dma_start3A_270 : memref<128xi32, #tpu.memory_space<vmem>>) semaphore(%arg12 : memref<!tpu.dma_semaphore, #tpu.memory_space<semaphore_mem>>)
      } else {
      }
      %mul3A_120 = arith.constant 8 : i32
      %mul3A_121 = arith.muli %mul3A_120, %while3A_85 : i32
      %add3A_122 = arith.constant 1 : i32
      %add3A_123 = arith.addi %mul3A_121, %add3A_122 : i32
      %add3A_124 = arith.constant 1 : i32
      %add3A_125 = arith.addi %mul3A_88, %add3A_124 : i32
      %dma_wait3A_126 = arith.constant 0 : i32
      %dma_wait3A_127 = tpu.memref_slice %arg8[%add3A_125, %dma_wait3A_126] : memref<16x128xi32, #tpu.memory_space<vmem>> -> memref<1x128xi32, #tpu.memory_space<vmem>>
      %dma_wait3A_128 = tpu.memref_squeeze %dma_wait3A_127 : memref<1x128xi32, #tpu.memory_space<vmem>> -> memref<128xi32, #tpu.memory_space<vmem>>
      %dma_wait3A_129 = arith.constant 0 : i32
      %dma_wait3A_130 = arith.constant 0 : i32
      %dma_wait3A_131 = tpu.memref_slice %arg2[%dma_wait3A_129, %dma_wait3A_130] : memref<10000x128xf32, #tpu.memory_space<hbm>> -> memref<10000x128xf32, #tpu.memory_space<hbm>>
      tpu.wait_indirect_dma semaphore(%arg13 : memref<!tpu.dma_semaphore, #tpu.memory_space<semaphore_mem>>) src(%dma_wait3A_131 : memref<10000x128xf32, #tpu.memory_space<hbm>>) dst(%arg10 : memref<128x128xf32, #tpu.memory_space<vmem>>)
      %add3A_132 = arith.constant 1 : i32
      %add3A_133 = arith.addi %mul3A_88, %add3A_132 : i32
      "tpu.region"() ({
        %run_scoped3A = tpu.sem_alloc : memref<!tpu.dma_semaphore, #tpu.memory_space<semaphore_mem>>
        %dma_start3A_266 = arith.constant 0 : i32
        %dma_start3A_267 = tpu.memref_slice %arg7[%add3A_133, %dma_start3A_266] : memref<16x128xi32, #tpu.memory_space<vmem>> -> memref<1x128xi32, #tpu.memory_space<vmem>>
        %dma_start3A_268 = tpu.memref_squeeze %dma_start3A_267 : memref<1x128xi32, #tpu.memory_space<vmem>> -> memref<128xi32, #tpu.memory_space<vmem>>
        %dma_start3A_269 = arith.constant 0 : i32
        %dma_start3A_270 = arith.constant 0 : i32
        %dma_start3A_271 = tpu.memref_slice %arg11[%dma_start3A_269, %dma_start3A_270] : memref<10112x128xf32, #tpu.memory_space<vmem_shared>> -> memref<10112x128xf32, #tpu.memory_space<vmem_shared>>
        tpu.enqueue_indirect_dma source(%arg10 : memref<128x128xf32, #tpu.memory_space<vmem>>) target(%dma_start3A_271 : memref<10112x128xf32, #tpu.memory_space<vmem_shared>>) offsets(%dma_start3A_268 : memref<128xi32, #tpu.memory_space<vmem>>) semaphore(%run_scoped3A : memref<!tpu.dma_semaphore, #tpu.memory_space<semaphore_mem>>) {add = true}
        %dma_wait3A_272 = arith.constant 0 : i32
        %dma_wait3A_273 = tpu.memref_slice %arg7[%add3A_133, %dma_wait3A_272] : memref<16x128xi32, #tpu.memory_space<vmem>> -> memref<1x128xi32, #tpu.memory_space<vmem>>
        %dma_wait3A_274 = tpu.memref_squeeze %dma_wait3A_273 : memref<1x128xi32, #tpu.memory_space<vmem>> -> memref<128xi32, #tpu.memory_space<vmem>>
        %dma_wait3A_275 = arith.constant 0 : i32
        %dma_wait3A_276 = arith.constant 0 : i32
        %dma_wait3A_277 = tpu.memref_slice %arg11[%dma_wait3A_275, %dma_wait3A_276] : memref<10112x128xf32, #tpu.memory_space<vmem_shared>> -> memref<10112x128xf32, #tpu.memory_space<vmem_shared>>
        tpu.wait_indirect_dma semaphore(%run_scoped3A : memref<!tpu.dma_semaphore, #tpu.memory_space<semaphore_mem>>) src(%arg10 : memref<128x128xf32, #tpu.memory_space<vmem>>) dst(%dma_wait3A_277 : memref<10112x128xf32, #tpu.memory_space<vmem_shared>>)
        tpu.yield
      }) : () -> ()
      %add3A_134 = arith.constant 2 : i32
      %add3A_135 = arith.addi %add3A_123, %add3A_134 : i32
      %lt3A_136 = arith.cmpi slt, %add3A_135, %select_n3A : i32
      %convert_element_type3A_137 = arith.extui %lt3A_136 : i1 to i32
      %cond3A_138 = arith.constant 0 : i32
      %cond3A_139 = arith.cmpi ne, %convert_element_type3A_137, %cond3A_138 : i32
      scf.if %cond3A_139 {
        %add3A_266 = arith.constant 3 : i32
        %add3A_267 = arith.addi %mul3A_88, %add3A_266 : i32
        %dma_start3A_268 = arith.constant 0 : i32
        %dma_start3A_269 = tpu.memref_slice %arg8[%add3A_267, %dma_start3A_268] : memref<16x128xi32, #tpu.memory_space<vmem>> -> memref<1x128xi32, #tpu.memory_space<vmem>>
        %dma_start3A_270 = tpu.memref_squeeze %dma_start3A_269 : memref<1x128xi32, #tpu.memory_space<vmem>> -> memref<128xi32, #tpu.memory_space<vmem>>
        %dma_start3A_271 = arith.constant 0 : i32
        %dma_start3A_272 = arith.constant 0 : i32
        %dma_start3A_273 = tpu.memref_slice %arg2[%dma_start3A_271, %dma_start3A_272] : memref<10000x128xf32, #tpu.memory_space<hbm>> -> memref<10000x128xf32, #tpu.memory_space<hbm>>
        tpu.enqueue_indirect_dma source(%dma_start3A_273 : memref<10000x128xf32, #tpu.memory_space<hbm>>) target(%arg10 : memref<128x128xf32, #tpu.memory_space<vmem>>) offsets(%dma_start3A_270 : memref<128xi32, #tpu.memory_space<vmem>>) semaphore(%arg13 : memref<!tpu.dma_semaphore, #tpu.memory_space<semaphore_mem>>)
      } else {
      }
      %mul3A_140 = arith.constant 8 : i32
      %mul3A_141 = arith.muli %mul3A_140, %while3A_85 : i32
      %add3A_142 = arith.constant 2 : i32
      %add3A_143 = arith.addi %mul3A_141, %add3A_142 : i32
      %add3A_144 = arith.constant 2 : i32
      %add3A_145 = arith.addi %mul3A_88, %add3A_144 : i32
      %dma_wait3A_146 = arith.constant 0 : i32
      %dma_wait3A_147 = tpu.memref_slice %arg8[%add3A_145, %dma_wait3A_146] : memref<16x128xi32, #tpu.memory_space<vmem>> -> memref<1x128xi32, #tpu.memory_space<vmem>>
      %dma_wait3A_148 = tpu.memref_squeeze %dma_wait3A_147 : memref<1x128xi32, #tpu.memory_space<vmem>> -> memref<128xi32, #tpu.memory_space<vmem>>
      %dma_wait3A_149 = arith.constant 0 : i32
      %dma_wait3A_150 = arith.constant 0 : i32
      %dma_wait3A_151 = tpu.memref_slice %arg2[%dma_wait3A_149, %dma_wait3A_150] : memref<10000x128xf32, #tpu.memory_space<hbm>> -> memref<10000x128xf32, #tpu.memory_space<hbm>>
      tpu.wait_indirect_dma semaphore(%arg12 : memref<!tpu.dma_semaphore, #tpu.memory_space<semaphore_mem>>) src(%dma_wait3A_151 : memref<10000x128xf32, #tpu.memory_space<hbm>>) dst(%arg9 : memref<128x128xf32, #tpu.memory_space<vmem>>)
      %add3A_152 = arith.constant 2 : i32
      %add3A_153 = arith.addi %mul3A_88, %add3A_152 : i32
      "tpu.region"() ({
        %run_scoped3A = tpu.sem_alloc : memref<!tpu.dma_semaphore, #tpu.memory_space<semaphore_mem>>
        %dma_start3A_266 = arith.constant 0 : i32
        %dma_start3A_267 = tpu.memref_slice %arg7[%add3A_153, %dma_start3A_266] : memref<16x128xi32, #tpu.memory_space<vmem>> -> memref<1x128xi32, #tpu.memory_space<vmem>>
        %dma_start3A_268 = tpu.memref_squeeze %dma_start3A_267 : memref<1x128xi32, #tpu.memory_space<vmem>> -> memref<128xi32, #tpu.memory_space<vmem>>
        %dma_start3A_269 = arith.constant 0 : i32
        %dma_start3A_270 = arith.constant 0 : i32
        %dma_start3A_271 = tpu.memref_slice %arg11[%dma_start3A_269, %dma_start3A_270] : memref<10112x128xf32, #tpu.memory_space<vmem_shared>> -> memref<10112x128xf32, #tpu.memory_space<vmem_shared>>
        tpu.enqueue_indirect_dma source(%arg9 : memref<128x128xf32, #tpu.memory_space<vmem>>) target(%dma_start3A_271 : memref<10112x128xf32, #tpu.memory_space<vmem_shared>>) offsets(%dma_start3A_268 : memref<128xi32, #tpu.memory_space<vmem>>) semaphore(%run_scoped3A : memref<!tpu.dma_semaphore, #tpu.memory_space<semaphore_mem>>) {add = true}
        %dma_wait3A_272 = arith.constant 0 : i32
        %dma_wait3A_273 = tpu.memref_slice %arg7[%add3A_153, %dma_wait3A_272] : memref<16x128xi32, #tpu.memory_space<vmem>> -> memref<1x128xi32, #tpu.memory_space<vmem>>
        %dma_wait3A_274 = tpu.memref_squeeze %dma_wait3A_273 : memref<1x128xi32, #tpu.memory_space<vmem>> -> memref<128xi32, #tpu.memory_space<vmem>>
        %dma_wait3A_275 = arith.constant 0 : i32
        %dma_wait3A_276 = arith.constant 0 : i32
        %dma_wait3A_277 = tpu.memref_slice %arg11[%dma_wait3A_275, %dma_wait3A_276] : memref<10112x128xf32, #tpu.memory_space<vmem_shared>> -> memref<10112x128xf32, #tpu.memory_space<vmem_shared>>
        tpu.wait_indirect_dma semaphore(%run_scoped3A : memref<!tpu.dma_semaphore, #tpu.memory_space<semaphore_mem>>) src(%arg9 : memref<128x128xf32, #tpu.memory_space<vmem>>) dst(%dma_wait3A_277 : memref<10112x128xf32, #tpu.memory_space<vmem_shared>>)
        tpu.yield
      }) : () -> ()
      %add3A_154 = arith.constant 2 : i32
      %add3A_155 = arith.addi %add3A_143, %add3A_154 : i32
      %lt3A_156 = arith.cmpi slt, %add3A_155, %select_n3A : i32
      %convert_element_type3A_157 = arith.extui %lt3A_156 : i1 to i32
      %cond3A_158 = arith.constant 0 : i32
      %cond3A_159 = arith.cmpi ne, %convert_element_type3A_157, %cond3A_158 : i32
      scf.if %cond3A_159 {
        %add3A_266 = arith.constant 4 : i32
        %add3A_267 = arith.addi %mul3A_88, %add3A_266 : i32
        %dma_start3A_268 = arith.constant 0 : i32
        %dma_start3A_269 = tpu.memref_slice %arg8[%add3A_267, %dma_start3A_268] : memref<16x128xi32, #tpu.memory_space<vmem>> -> memref<1x128xi32, #tpu.memory_space<vmem>>
        %dma_start3A_270 = tpu.memref_squeeze %dma_start3A_269 : memref<1x128xi32, #tpu.memory_space<vmem>> -> memref<128xi32, #tpu.memory_space<vmem>>
        %dma_start3A_271 = arith.constant 0 : i32
        %dma_start3A_272 = arith.constant 0 : i32
        %dma_start3A_273 = tpu.memref_slice %arg2[%dma_start3A_271, %dma_start3A_272] : memref<10000x128xf32, #tpu.memory_space<hbm>> -> memref<10000x128xf32, #tpu.memory_space<hbm>>
        tpu.enqueue_indirect_dma source(%dma_start3A_273 : memref<10000x128xf32, #tpu.memory_space<hbm>>) target(%arg9 : memref<128x128xf32, #tpu.memory_space<vmem>>) offsets(%dma_start3A_270 : memref<128xi32, #tpu.memory_space<vmem>>) semaphore(%arg12 : memref<!tpu.dma_semaphore, #tpu.memory_space<semaphore_mem>>)
      } else {
      }
      %mul3A_160 = arith.constant 8 : i32
      %mul3A_161 = arith.muli %mul3A_160, %while3A_85 : i32
      %add3A_162 = arith.constant 3 : i32
      %add3A_163 = arith.addi %mul3A_161, %add3A_162 : i32
      %add3A_164 = arith.constant 3 : i32
      %add3A_165 = arith.addi %mul3A_88, %add3A_164 : i32
      %dma_wait3A_166 = arith.constant 0 : i32
      %dma_wait3A_167 = tpu.memref_slice %arg8[%add3A_165, %dma_wait3A_166] : memref<16x128xi32, #tpu.memory_space<vmem>> -> memref<1x128xi32, #tpu.memory_space<vmem>>
      %dma_wait3A_168 = tpu.memref_squeeze %dma_wait3A_167 : memref<1x128xi32, #tpu.memory_space<vmem>> -> memref<128xi32, #tpu.memory_space<vmem>>
      %dma_wait3A_169 = arith.constant 0 : i32
      %dma_wait3A_170 = arith.constant 0 : i32
      %dma_wait3A_171 = tpu.memref_slice %arg2[%dma_wait3A_169, %dma_wait3A_170] : memref<10000x128xf32, #tpu.memory_space<hbm>> -> memref<10000x128xf32, #tpu.memory_space<hbm>>
      tpu.wait_indirect_dma semaphore(%arg13 : memref<!tpu.dma_semaphore, #tpu.memory_space<semaphore_mem>>) src(%dma_wait3A_171 : memref<10000x128xf32, #tpu.memory_space<hbm>>) dst(%arg10 : memref<128x128xf32, #tpu.memory_space<vmem>>)
      %add3A_172 = arith.constant 3 : i32
      %add3A_173 = arith.addi %mul3A_88, %add3A_172 : i32
      "tpu.region"() ({
        %run_scoped3A = tpu.sem_alloc : memref<!tpu.dma_semaphore, #tpu.memory_space<semaphore_mem>>
        %dma_start3A_266 = arith.constant 0 : i32
        %dma_start3A_267 = tpu.memref_slice %arg7[%add3A_173, %dma_start3A_266] : memref<16x128xi32, #tpu.memory_space<vmem>> -> memref<1x128xi32, #tpu.memory_space<vmem>>
        %dma_start3A_268 = tpu.memref_squeeze %dma_start3A_267 : memref<1x128xi32, #tpu.memory_space<vmem>> -> memref<128xi32, #tpu.memory_space<vmem>>
        %dma_start3A_269 = arith.constant 0 : i32
        %dma_start3A_270 = arith.constant 0 : i32
        %dma_start3A_271 = tpu.memref_slice %arg11[%dma_start3A_269, %dma_start3A_270] : memref<10112x128xf32, #tpu.memory_space<vmem_shared>> -> memref<10112x128xf32, #tpu.memory_space<vmem_shared>>
        tpu.enqueue_indirect_dma source(%arg10 : memref<128x128xf32, #tpu.memory_space<vmem>>) target(%dma_start3A_271 : memref<10112x128xf32, #tpu.memory_space<vmem_shared>>) offsets(%dma_start3A_268 : memref<128xi32, #tpu.memory_space<vmem>>) semaphore(%run_scoped3A : memref<!tpu.dma_semaphore, #tpu.memory_space<semaphore_mem>>) {add = true}
        %dma_wait3A_272 = arith.constant 0 : i32
        %dma_wait3A_273 = tpu.memref_slice %arg7[%add3A_173, %dma_wait3A_272] : memref<16x128xi32, #tpu.memory_space<vmem>> -> memref<1x128xi32, #tpu.memory_space<vmem>>
        %dma_wait3A_274 = tpu.memref_squeeze %dma_wait3A_273 : memref<1x128xi32, #tpu.memory_space<vmem>> -> memref<128xi32, #tpu.memory_space<vmem>>
        %dma_wait3A_275 = arith.constant 0 : i32
        %dma_wait3A_276 = arith.constant 0 : i32
        %dma_wait3A_277 = tpu.memref_slice %arg11[%dma_wait3A_275, %dma_wait3A_276] : memref<10112x128xf32, #tpu.memory_space<vmem_shared>> -> memref<10112x128xf32, #tpu.memory_space<vmem_shared>>
        tpu.wait_indirect_dma semaphore(%run_scoped3A : memref<!tpu.dma_semaphore, #tpu.memory_space<semaphore_mem>>) src(%arg10 : memref<128x128xf32, #tpu.memory_space<vmem>>) dst(%dma_wait3A_277 : memref<10112x128xf32, #tpu.memory_space<vmem_shared>>)
        tpu.yield
      }) : () -> ()
      %add3A_174 = arith.constant 2 : i32
      %add3A_175 = arith.addi %add3A_163, %add3A_174 : i32
      %lt3A_176 = arith.cmpi slt, %add3A_175, %select_n3A : i32
      %convert_element_type3A_177 = arith.extui %lt3A_176 : i1 to i32
      %cond3A_178 = arith.constant 0 : i32
      %cond3A_179 = arith.cmpi ne, %convert_element_type3A_177, %cond3A_178 : i32
      scf.if %cond3A_179 {
        %add3A_266 = arith.constant 5 : i32
        %add3A_267 = arith.addi %mul3A_88, %add3A_266 : i32
        %dma_start3A_268 = arith.constant 0 : i32
        %dma_start3A_269 = tpu.memref_slice %arg8[%add3A_267, %dma_start3A_268] : memref<16x128xi32, #tpu.memory_space<vmem>> -> memref<1x128xi32, #tpu.memory_space<vmem>>
        %dma_start3A_270 = tpu.memref_squeeze %dma_start3A_269 : memref<1x128xi32, #tpu.memory_space<vmem>> -> memref<128xi32, #tpu.memory_space<vmem>>
        %dma_start3A_271 = arith.constant 0 : i32
        %dma_start3A_272 = arith.constant 0 : i32
        %dma_start3A_273 = tpu.memref_slice %arg2[%dma_start3A_271, %dma_start3A_272] : memref<10000x128xf32, #tpu.memory_space<hbm>> -> memref<10000x128xf32, #tpu.memory_space<hbm>>
        tpu.enqueue_indirect_dma source(%dma_start3A_273 : memref<10000x128xf32, #tpu.memory_space<hbm>>) target(%arg10 : memref<128x128xf32, #tpu.memory_space<vmem>>) offsets(%dma_start3A_270 : memref<128xi32, #tpu.memory_space<vmem>>) semaphore(%arg13 : memref<!tpu.dma_semaphore, #tpu.memory_space<semaphore_mem>>)
      } else {
      }
      %mul3A_180 = arith.constant 8 : i32
      %mul3A_181 = arith.muli %mul3A_180, %while3A_85 : i32
      %add3A_182 = arith.constant 4 : i32
      %add3A_183 = arith.addi %mul3A_181, %add3A_182 : i32
      %add3A_184 = arith.constant 4 : i32
      %add3A_185 = arith.addi %mul3A_88, %add3A_184 : i32
      %dma_wait3A_186 = arith.constant 0 : i32
      %dma_wait3A_187 = tpu.memref_slice %arg8[%add3A_185, %dma_wait3A_186] : memref<16x128xi32, #tpu.memory_space<vmem>> -> memref<1x128xi32, #tpu.memory_space<vmem>>
      %dma_wait3A_188 = tpu.memref_squeeze %dma_wait3A_187 : memref<1x128xi32, #tpu.memory_space<vmem>> -> memref<128xi32, #tpu.memory_space<vmem>>
      %dma_wait3A_189 = arith.constant 0 : i32
      %dma_wait3A_190 = arith.constant 0 : i32
      %dma_wait3A_191 = tpu.memref_slice %arg2[%dma_wait3A_189, %dma_wait3A_190] : memref<10000x128xf32, #tpu.memory_space<hbm>> -> memref<10000x128xf32, #tpu.memory_space<hbm>>
      tpu.wait_indirect_dma semaphore(%arg12 : memref<!tpu.dma_semaphore, #tpu.memory_space<semaphore_mem>>) src(%dma_wait3A_191 : memref<10000x128xf32, #tpu.memory_space<hbm>>) dst(%arg9 : memref<128x128xf32, #tpu.memory_space<vmem>>)
      %add3A_192 = arith.constant 4 : i32
      %add3A_193 = arith.addi %mul3A_88, %add3A_192 : i32
      "tpu.region"() ({
        %run_scoped3A = tpu.sem_alloc : memref<!tpu.dma_semaphore, #tpu.memory_space<semaphore_mem>>
        %dma_start3A_266 = arith.constant 0 : i32
        %dma_start3A_267 = tpu.memref_slice %arg7[%add3A_193, %dma_start3A_266] : memref<16x128xi32, #tpu.memory_space<vmem>> -> memref<1x128xi32, #tpu.memory_space<vmem>>
        %dma_start3A_268 = tpu.memref_squeeze %dma_start3A_267 : memref<1x128xi32, #tpu.memory_space<vmem>> -> memref<128xi32, #tpu.memory_space<vmem>>
        %dma_start3A_269 = arith.constant 0 : i32
        %dma_start3A_270 = arith.constant 0 : i32
        %dma_start3A_271 = tpu.memref_slice %arg11[%dma_start3A_269, %dma_start3A_270] : memref<10112x128xf32, #tpu.memory_space<vmem_shared>> -> memref<10112x128xf32, #tpu.memory_space<vmem_shared>>
        tpu.enqueue_indirect_dma source(%arg9 : memref<128x128xf32, #tpu.memory_space<vmem>>) target(%dma_start3A_271 : memref<10112x128xf32, #tpu.memory_space<vmem_shared>>) offsets(%dma_start3A_268 : memref<128xi32, #tpu.memory_space<vmem>>) semaphore(%run_scoped3A : memref<!tpu.dma_semaphore, #tpu.memory_space<semaphore_mem>>) {add = true}
        %dma_wait3A_272 = arith.constant 0 : i32
        %dma_wait3A_273 = tpu.memref_slice %arg7[%add3A_193, %dma_wait3A_272] : memref<16x128xi32, #tpu.memory_space<vmem>> -> memref<1x128xi32, #tpu.memory_space<vmem>>
        %dma_wait3A_274 = tpu.memref_squeeze %dma_wait3A_273 : memref<1x128xi32, #tpu.memory_space<vmem>> -> memref<128xi32, #tpu.memory_space<vmem>>
        %dma_wait3A_275 = arith.constant 0 : i32
        %dma_wait3A_276 = arith.constant 0 : i32
        %dma_wait3A_277 = tpu.memref_slice %arg11[%dma_wait3A_275, %dma_wait3A_276] : memref<10112x128xf32, #tpu.memory_space<vmem_shared>> -> memref<10112x128xf32, #tpu.memory_space<vmem_shared>>
        tpu.wait_indirect_dma semaphore(%run_scoped3A : memref<!tpu.dma_semaphore, #tpu.memory_space<semaphore_mem>>) src(%arg9 : memref<128x128xf32, #tpu.memory_space<vmem>>) dst(%dma_wait3A_277 : memref<10112x128xf32, #tpu.memory_space<vmem_shared>>)
        tpu.yield
      }) : () -> ()
      %add3A_194 = arith.constant 2 : i32
      %add3A_195 = arith.addi %add3A_183, %add3A_194 : i32
      %lt3A_196 = arith.cmpi slt, %add3A_195, %select_n3A : i32
      %convert_element_type3A_197 = arith.extui %lt3A_196 : i1 to i32
      %cond3A_198 = arith.constant 0 : i32
      %cond3A_199 = arith.cmpi ne, %convert_element_type3A_197, %cond3A_198 : i32
      scf.if %cond3A_199 {
        %add3A_266 = arith.constant 6 : i32
        %add3A_267 = arith.addi %mul3A_88, %add3A_266 : i32
        %dma_start3A_268 = arith.constant 0 : i32
        %dma_start3A_269 = tpu.memref_slice %arg8[%add3A_267, %dma_start3A_268] : memref<16x128xi32, #tpu.memory_space<vmem>> -> memref<1x128xi32, #tpu.memory_space<vmem>>
        %dma_start3A_270 = tpu.memref_squeeze %dma_start3A_269 : memref<1x128xi32, #tpu.memory_space<vmem>> -> memref<128xi32, #tpu.memory_space<vmem>>
        %dma_start3A_271 = arith.constant 0 : i32
        %dma_start3A_272 = arith.constant 0 : i32
        %dma_start3A_273 = tpu.memref_slice %arg2[%dma_start3A_271, %dma_start3A_272] : memref<10000x128xf32, #tpu.memory_space<hbm>> -> memref<10000x128xf32, #tpu.memory_space<hbm>>
        tpu.enqueue_indirect_dma source(%dma_start3A_273 : memref<10000x128xf32, #tpu.memory_space<hbm>>) target(%arg9 : memref<128x128xf32, #tpu.memory_space<vmem>>) offsets(%dma_start3A_270 : memref<128xi32, #tpu.memory_space<vmem>>) semaphore(%arg12 : memref<!tpu.dma_semaphore, #tpu.memory_space<semaphore_mem>>)
      } else {
      }
      %mul3A_200 = arith.constant 8 : i32
      %mul3A_201 = arith.muli %mul3A_200, %while3A_85 : i32
      %add3A_202 = arith.constant 5 : i32
      %add3A_203 = arith.addi %mul3A_201, %add3A_202 : i32
      %add3A_204 = arith.constant 5 : i32
      %add3A_205 = arith.addi %mul3A_88, %add3A_204 : i32
      %dma_wait3A_206 = arith.constant 0 : i32
      %dma_wait3A_207 = tpu.memref_slice %arg8[%add3A_205, %dma_wait3A_206] : memref<16x128xi32, #tpu.memory_space<vmem>> -> memref<1x128xi32, #tpu.memory_space<vmem>>
      %dma_wait3A_208 = tpu.memref_squeeze %dma_wait3A_207 : memref<1x128xi32, #tpu.memory_space<vmem>> -> memref<128xi32, #tpu.memory_space<vmem>>
      %dma_wait3A_209 = arith.constant 0 : i32
      %dma_wait3A_210 = arith.constant 0 : i32
      %dma_wait3A_211 = tpu.memref_slice %arg2[%dma_wait3A_209, %dma_wait3A_210] : memref<10000x128xf32, #tpu.memory_space<hbm>> -> memref<10000x128xf32, #tpu.memory_space<hbm>>
      tpu.wait_indirect_dma semaphore(%arg13 : memref<!tpu.dma_semaphore, #tpu.memory_space<semaphore_mem>>) src(%dma_wait3A_211 : memref<10000x128xf32, #tpu.memory_space<hbm>>) dst(%arg10 : memref<128x128xf32, #tpu.memory_space<vmem>>)
      %add3A_212 = arith.constant 5 : i32
      %add3A_213 = arith.addi %mul3A_88, %add3A_212 : i32
      "tpu.region"() ({
        %run_scoped3A = tpu.sem_alloc : memref<!tpu.dma_semaphore, #tpu.memory_space<semaphore_mem>>
        %dma_start3A_266 = arith.constant 0 : i32
        %dma_start3A_267 = tpu.memref_slice %arg7[%add3A_213, %dma_start3A_266] : memref<16x128xi32, #tpu.memory_space<vmem>> -> memref<1x128xi32, #tpu.memory_space<vmem>>
        %dma_start3A_268 = tpu.memref_squeeze %dma_start3A_267 : memref<1x128xi32, #tpu.memory_space<vmem>> -> memref<128xi32, #tpu.memory_space<vmem>>
        %dma_start3A_269 = arith.constant 0 : i32
        %dma_start3A_270 = arith.constant 0 : i32
        %dma_start3A_271 = tpu.memref_slice %arg11[%dma_start3A_269, %dma_start3A_270] : memref<10112x128xf32, #tpu.memory_space<vmem_shared>> -> memref<10112x128xf32, #tpu.memory_space<vmem_shared>>
        tpu.enqueue_indirect_dma source(%arg10 : memref<128x128xf32, #tpu.memory_space<vmem>>) target(%dma_start3A_271 : memref<10112x128xf32, #tpu.memory_space<vmem_shared>>) offsets(%dma_start3A_268 : memref<128xi32, #tpu.memory_space<vmem>>) semaphore(%run_scoped3A : memref<!tpu.dma_semaphore, #tpu.memory_space<semaphore_mem>>) {add = true}
        %dma_wait3A_272 = arith.constant 0 : i32
        %dma_wait3A_273 = tpu.memref_slice %arg7[%add3A_213, %dma_wait3A_272] : memref<16x128xi32, #tpu.memory_space<vmem>> -> memref<1x128xi32, #tpu.memory_space<vmem>>
        %dma_wait3A_274 = tpu.memref_squeeze %dma_wait3A_273 : memref<1x128xi32, #tpu.memory_space<vmem>> -> memref<128xi32, #tpu.memory_space<vmem>>
        %dma_wait3A_275 = arith.constant 0 : i32
        %dma_wait3A_276 = arith.constant 0 : i32
        %dma_wait3A_277 = tpu.memref_slice %arg11[%dma_wait3A_275, %dma_wait3A_276] : memref<10112x128xf32, #tpu.memory_space<vmem_shared>> -> memref<10112x128xf32, #tpu.memory_space<vmem_shared>>
        tpu.wait_indirect_dma semaphore(%run_scoped3A : memref<!tpu.dma_semaphore, #tpu.memory_space<semaphore_mem>>) src(%arg10 : memref<128x128xf32, #tpu.memory_space<vmem>>) dst(%dma_wait3A_277 : memref<10112x128xf32, #tpu.memory_space<vmem_shared>>)
        tpu.yield
      }) : () -> ()
      %add3A_214 = arith.constant 2 : i32
      %add3A_215 = arith.addi %add3A_203, %add3A_214 : i32
      %lt3A_216 = arith.cmpi slt, %add3A_215, %select_n3A : i32
      %convert_element_type3A_217 = arith.extui %lt3A_216 : i1 to i32
      %cond3A_218 = arith.constant 0 : i32
      %cond3A_219 = arith.cmpi ne, %convert_element_type3A_217, %cond3A_218 : i32
      scf.if %cond3A_219 {
        %add3A_266 = arith.constant 7 : i32
        %add3A_267 = arith.addi %mul3A_88, %add3A_266 : i32
        %dma_start3A_268 = arith.constant 0 : i32
        %dma_start3A_269 = tpu.memref_slice %arg8[%add3A_267, %dma_start3A_268] : memref<16x128xi32, #tpu.memory_space<vmem>> -> memref<1x128xi32, #tpu.memory_space<vmem>>
        %dma_start3A_270 = tpu.memref_squeeze %dma_start3A_269 : memref<1x128xi32, #tpu.memory_space<vmem>> -> memref<128xi32, #tpu.memory_space<vmem>>
        %dma_start3A_271 = arith.constant 0 : i32
        %dma_start3A_272 = arith.constant 0 : i32
        %dma_start3A_273 = tpu.memref_slice %arg2[%dma_start3A_271, %dma_start3A_272] : memref<10000x128xf32, #tpu.memory_space<hbm>> -> memref<10000x128xf32, #tpu.memory_space<hbm>>
        tpu.enqueue_indirect_dma source(%dma_start3A_273 : memref<10000x128xf32, #tpu.memory_space<hbm>>) target(%arg10 : memref<128x128xf32, #tpu.memory_space<vmem>>) offsets(%dma_start3A_270 : memref<128xi32, #tpu.memory_space<vmem>>) semaphore(%arg13 : memref<!tpu.dma_semaphore, #tpu.memory_space<semaphore_mem>>)
      } else {
      }
      %mul3A_220 = arith.constant 8 : i32
      %mul3A_221 = arith.muli %mul3A_220, %while3A_85 : i32
      %add3A_222 = arith.constant 6 : i32
      %add3A_223 = arith.addi %mul3A_221, %add3A_222 : i32
      %add3A_224 = arith.constant 6 : i32
      %add3A_225 = arith.addi %mul3A_88, %add3A_224 : i32
      %dma_wait3A_226 = arith.constant 0 : i32
      %dma_wait3A_227 = tpu.memref_slice %arg8[%add3A_225, %dma_wait3A_226] : memref<16x128xi32, #tpu.memory_space<vmem>> -> memref<1x128xi32, #tpu.memory_space<vmem>>
      %dma_wait3A_228 = tpu.memref_squeeze %dma_wait3A_227 : memref<1x128xi32, #tpu.memory_space<vmem>> -> memref<128xi32, #tpu.memory_space<vmem>>
      %dma_wait3A_229 = arith.constant 0 : i32
      %dma_wait3A_230 = arith.constant 0 : i32
      %dma_wait3A_231 = tpu.memref_slice %arg2[%dma_wait3A_229, %dma_wait3A_230] : memref<10000x128xf32, #tpu.memory_space<hbm>> -> memref<10000x128xf32, #tpu.memory_space<hbm>>
      tpu.wait_indirect_dma semaphore(%arg12 : memref<!tpu.dma_semaphore, #tpu.memory_space<semaphore_mem>>) src(%dma_wait3A_231 : memref<10000x128xf32, #tpu.memory_space<hbm>>) dst(%arg9 : memref<128x128xf32, #tpu.memory_space<vmem>>)
      %add3A_232 = arith.constant 6 : i32
      %add3A_233 = arith.addi %mul3A_88, %add3A_232 : i32
      "tpu.region"() ({
        %run_scoped3A = tpu.sem_alloc : memref<!tpu.dma_semaphore, #tpu.memory_space<semaphore_mem>>
        %dma_start3A_266 = arith.constant 0 : i32
        %dma_start3A_267 = tpu.memref_slice %arg7[%add3A_233, %dma_start3A_266] : memref<16x128xi32, #tpu.memory_space<vmem>> -> memref<1x128xi32, #tpu.memory_space<vmem>>
        %dma_start3A_268 = tpu.memref_squeeze %dma_start3A_267 : memref<1x128xi32, #tpu.memory_space<vmem>> -> memref<128xi32, #tpu.memory_space<vmem>>
        %dma_start3A_269 = arith.constant 0 : i32
        %dma_start3A_270 = arith.constant 0 : i32
        %dma_start3A_271 = tpu.memref_slice %arg11[%dma_start3A_269, %dma_start3A_270] : memref<10112x128xf32, #tpu.memory_space<vmem_shared>> -> memref<10112x128xf32, #tpu.memory_space<vmem_shared>>
        tpu.enqueue_indirect_dma source(%arg9 : memref<128x128xf32, #tpu.memory_space<vmem>>) target(%dma_start3A_271 : memref<10112x128xf32, #tpu.memory_space<vmem_shared>>) offsets(%dma_start3A_268 : memref<128xi32, #tpu.memory_space<vmem>>) semaphore(%run_scoped3A : memref<!tpu.dma_semaphore, #tpu.memory_space<semaphore_mem>>) {add = true}
        %dma_wait3A_272 = arith.constant 0 : i32
        %dma_wait3A_273 = tpu.memref_slice %arg7[%add3A_233, %dma_wait3A_272] : memref<16x128xi32, #tpu.memory_space<vmem>> -> memref<1x128xi32, #tpu.memory_space<vmem>>
        %dma_wait3A_274 = tpu.memref_squeeze %dma_wait3A_273 : memref<1x128xi32, #tpu.memory_space<vmem>> -> memref<128xi32, #tpu.memory_space<vmem>>
        %dma_wait3A_275 = arith.constant 0 : i32
        %dma_wait3A_276 = arith.constant 0 : i32
        %dma_wait3A_277 = tpu.memref_slice %arg11[%dma_wait3A_275, %dma_wait3A_276] : memref<10112x128xf32, #tpu.memory_space<vmem_shared>> -> memref<10112x128xf32, #tpu.memory_space<vmem_shared>>
        tpu.wait_indirect_dma semaphore(%run_scoped3A : memref<!tpu.dma_semaphore, #tpu.memory_space<semaphore_mem>>) src(%arg9 : memref<128x128xf32, #tpu.memory_space<vmem>>) dst(%dma_wait3A_277 : memref<10112x128xf32, #tpu.memory_space<vmem_shared>>)
        tpu.yield
      }) : () -> ()
      %add3A_234 = arith.constant 2 : i32
      %add3A_235 = arith.addi %add3A_223, %add3A_234 : i32
      %lt3A_236 = arith.cmpi slt, %add3A_235, %select_n3A : i32
      %convert_element_type3A_237 = arith.extui %lt3A_236 : i1 to i32
      %cond3A_238 = arith.constant 0 : i32
      %cond3A_239 = arith.cmpi ne, %convert_element_type3A_237, %cond3A_238 : i32
      scf.if %cond3A_239 {
        %add3A_266 = arith.constant 0 : i32
        %add3A_267 = arith.addi %mul3A_94, %add3A_266 : i32
        %dma_start3A_268 = arith.constant 0 : i32
        %dma_start3A_269 = tpu.memref_slice %arg8[%add3A_267, %dma_start3A_268] : memref<16x128xi32, #tpu.memory_space<vmem>> -> memref<1x128xi32, #tpu.memory_space<vmem>>
        %dma_start3A_270 = tpu.memref_squeeze %dma_start3A_269 : memref<1x128xi32, #tpu.memory_space<vmem>> -> memref<128xi32, #tpu.memory_space<vmem>>
        %dma_start3A_271 = arith.constant 0 : i32
        %dma_start3A_272 = arith.constant 0 : i32
        %dma_start3A_273 = tpu.memref_slice %arg2[%dma_start3A_271, %dma_start3A_272] : memref<10000x128xf32, #tpu.memory_space<hbm>> -> memref<10000x128xf32, #tpu.memory_space<hbm>>
        tpu.enqueue_indirect_dma source(%dma_start3A_273 : memref<10000x128xf32, #tpu.memory_space<hbm>>) target(%arg9 : memref<128x128xf32, #tpu.memory_space<vmem>>) offsets(%dma_start3A_270 : memref<128xi32, #tpu.memory_space<vmem>>) semaphore(%arg12 : memref<!tpu.dma_semaphore, #tpu.memory_space<semaphore_mem>>)
      } else {
      }
      %mul3A_240 = arith.constant 8 : i32
      %mul3A_241 = arith.muli %mul3A_240, %while3A_85 : i32
      %add3A_242 = arith.constant 7 : i32
      %add3A_243 = arith.addi %mul3A_241, %add3A_242 : i32
      %add3A_244 = arith.constant 7 : i32
      %add3A_245 = arith.addi %mul3A_88, %add3A_244 : i32
      %dma_wait3A_246 = arith.constant 0 : i32
      %dma_wait3A_247 = tpu.memref_slice %arg8[%add3A_245, %dma_wait3A_246] : memref<16x128xi32, #tpu.memory_space<vmem>> -> memref<1x128xi32, #tpu.memory_space<vmem>>
      %dma_wait3A_248 = tpu.memref_squeeze %dma_wait3A_247 : memref<1x128xi32, #tpu.memory_space<vmem>> -> memref<128xi32, #tpu.memory_space<vmem>>
      %dma_wait3A_249 = arith.constant 0 : i32
      %dma_wait3A_250 = arith.constant 0 : i32
      %dma_wait3A_251 = tpu.memref_slice %arg2[%dma_wait3A_249, %dma_wait3A_250] : memref<10000x128xf32, #tpu.memory_space<hbm>> -> memref<10000x128xf32, #tpu.memory_space<hbm>>
      tpu.wait_indirect_dma semaphore(%arg13 : memref<!tpu.dma_semaphore, #tpu.memory_space<semaphore_mem>>) src(%dma_wait3A_251 : memref<10000x128xf32, #tpu.memory_space<hbm>>) dst(%arg10 : memref<128x128xf32, #tpu.memory_space<vmem>>)
      %add3A_252 = arith.constant 7 : i32
      %add3A_253 = arith.addi %mul3A_88, %add3A_252 : i32
      "tpu.region"() ({
        %run_scoped3A = tpu.sem_alloc : memref<!tpu.dma_semaphore, #tpu.memory_space<semaphore_mem>>
        %dma_start3A_266 = arith.constant 0 : i32
        %dma_start3A_267 = tpu.memref_slice %arg7[%add3A_253, %dma_start3A_266] : memref<16x128xi32, #tpu.memory_space<vmem>> -> memref<1x128xi32, #tpu.memory_space<vmem>>
        %dma_start3A_268 = tpu.memref_squeeze %dma_start3A_267 : memref<1x128xi32, #tpu.memory_space<vmem>> -> memref<128xi32, #tpu.memory_space<vmem>>
        %dma_start3A_269 = arith.constant 0 : i32
        %dma_start3A_270 = arith.constant 0 : i32
        %dma_start3A_271 = tpu.memref_slice %arg11[%dma_start3A_269, %dma_start3A_270] : memref<10112x128xf32, #tpu.memory_space<vmem_shared>> -> memref<10112x128xf32, #tpu.memory_space<vmem_shared>>
        tpu.enqueue_indirect_dma source(%arg10 : memref<128x128xf32, #tpu.memory_space<vmem>>) target(%dma_start3A_271 : memref<10112x128xf32, #tpu.memory_space<vmem_shared>>) offsets(%dma_start3A_268 : memref<128xi32, #tpu.memory_space<vmem>>) semaphore(%run_scoped3A : memref<!tpu.dma_semaphore, #tpu.memory_space<semaphore_mem>>) {add = true}
        %dma_wait3A_272 = arith.constant 0 : i32
        %dma_wait3A_273 = tpu.memref_slice %arg7[%add3A_253, %dma_wait3A_272] : memref<16x128xi32, #tpu.memory_space<vmem>> -> memref<1x128xi32, #tpu.memory_space<vmem>>
        %dma_wait3A_274 = tpu.memref_squeeze %dma_wait3A_273 : memref<1x128xi32, #tpu.memory_space<vmem>> -> memref<128xi32, #tpu.memory_space<vmem>>
        %dma_wait3A_275 = arith.constant 0 : i32
        %dma_wait3A_276 = arith.constant 0 : i32
        %dma_wait3A_277 = tpu.memref_slice %arg11[%dma_wait3A_275, %dma_wait3A_276] : memref<10112x128xf32, #tpu.memory_space<vmem_shared>> -> memref<10112x128xf32, #tpu.memory_space<vmem_shared>>
        tpu.wait_indirect_dma semaphore(%run_scoped3A : memref<!tpu.dma_semaphore, #tpu.memory_space<semaphore_mem>>) src(%arg10 : memref<128x128xf32, #tpu.memory_space<vmem>>) dst(%dma_wait3A_277 : memref<10112x128xf32, #tpu.memory_space<vmem_shared>>)
        tpu.yield
      }) : () -> ()
      %add3A_254 = arith.constant 2 : i32
      %add3A_255 = arith.addi %add3A_243, %add3A_254 : i32
      %lt3A_256 = arith.cmpi slt, %add3A_255, %select_n3A : i32
      %convert_element_type3A_257 = arith.extui %lt3A_256 : i1 to i32
      %cond3A_258 = arith.constant 0 : i32
      %cond3A_259 = arith.cmpi ne, %convert_element_type3A_257, %cond3A_258 : i32
      scf.if %cond3A_259 {
        %add3A_266 = arith.constant 1 : i32
        %add3A_267 = arith.addi %mul3A_94, %add3A_266 : i32
        %dma_start3A_268 = arith.constant 0 : i32
        %dma_start3A_269 = tpu.memref_slice %arg8[%add3A_267, %dma_start3A_268] : memref<16x128xi32, #tpu.memory_space<vmem>> -> memref<1x128xi32, #tpu.memory_space<vmem>>
        %dma_start3A_270 = tpu.memref_squeeze %dma_start3A_269 : memref<1x128xi32, #tpu.memory_space<vmem>> -> memref<128xi32, #tpu.memory_space<vmem>>
        %dma_start3A_271 = arith.constant 0 : i32
        %dma_start3A_272 = arith.constant 0 : i32
        %dma_start3A_273 = tpu.memref_slice %arg2[%dma_start3A_271, %dma_start3A_272] : memref<10000x128xf32, #tpu.memory_space<hbm>> -> memref<10000x128xf32, #tpu.memory_space<hbm>>
        tpu.enqueue_indirect_dma source(%dma_start3A_273 : memref<10000x128xf32, #tpu.memory_space<hbm>>) target(%arg10 : memref<128x128xf32, #tpu.memory_space<vmem>>) offsets(%dma_start3A_270 : memref<128xi32, #tpu.memory_space<vmem>>) semaphore(%arg13 : memref<!tpu.dma_semaphore, #tpu.memory_space<semaphore_mem>>)
      } else {
      }
      %add3A_260 = arith.constant 2 : i32
      %add3A_261 = arith.addi %while3A_85, %add3A_260 : i32
      %lt3A_262 = arith.cmpi slt, %add3A_261, %select_n3A_7 : i32
      %convert_element_type3A_263 = arith.extui %lt3A_262 : i1 to i32
      %cond3A_264 = arith.constant 0 : i32
      %cond3A_265 = arith.cmpi ne, %convert_element_type3A_263, %cond3A_264 : i32
      scf.if %cond3A_265 {
        %add3A_266 = arith.constant 2 : i32
        %add3A_267 = arith.addi %while3A_85, %add3A_266 : i32
        %rem3A_268 = arith.constant 2 : i32
        %rem3A_269 = arith.remsi %while3A_85, %rem3A_268 : i32
        %mul3A_270 = arith.constant 8 : i32
        %mul3A_271 = arith.muli %add3A_267, %mul3A_270 : i32
        %multiple_of3A_272 = tpu.assume_multiple %mul3A_271, 8 : i32
        %mul3A_273 = arith.constant 8 : i32
        %mul3A_274 = arith.muli %rem3A_269, %mul3A_273 : i32
        %multiple_of3A_275 = tpu.assume_multiple %mul3A_274, 8 : i32
        %dma_start3A_276 = arith.constant 0 : i32
        %dma_start3A_277 = tpu.memref_slice %arg7[%multiple_of3A_275, %dma_start3A_276] : memref<16x128xi32, #tpu.memory_space<vmem>> -> memref<8x128xi32, #tpu.memory_space<vmem>>
        %dma_start3A_278 = arith.constant 0 : i32
        %dma_start3A_279 = tpu.memref_slice %arg3[%add3A, %multiple_of3A_272, %dma_start3A_278] : memref<32x80x128xi32, #tpu.memory_space<hbm>> -> memref<1x8x128xi32, #tpu.memory_space<hbm>>
        %dma_start3A_280 = tpu.memref_squeeze %dma_start3A_279 : memref<1x8x128xi32, #tpu.memory_space<hbm>> -> memref<8x128xi32, #tpu.memory_space<hbm>>
        %dma_start3A_281 = arith.constant 0 : i32
        %dma_start3A_282 = tpu.memref_slice %arg7[%multiple_of3A_275, %dma_start3A_281] : memref<16x128xi32, #tpu.memory_space<vmem>> -> memref<8x128xi32, #tpu.memory_space<vmem>>
        %dma_start3A_283 = arith.constant 0 : i32
        %dma_start3A_284 = tpu.memref_slice %arg3[%add3A, %multiple_of3A_272, %dma_start3A_283] : memref<32x80x128xi32, #tpu.memory_space<hbm>> -> memref<1x8x128xi32, #tpu.memory_space<hbm>>
        %dma_start3A_285 = tpu.memref_squeeze %dma_start3A_284 : memref<1x8x128xi32, #tpu.memory_space<hbm>> -> memref<8x128xi32, #tpu.memory_space<hbm>>
        tpu.enqueue_dma source(%dma_start3A_285 : memref<8x128xi32, #tpu.memory_space<hbm>>) target(%dma_start3A_282 : memref<8x128xi32, #tpu.memory_space<vmem>>) target_semaphore(%arg14 : memref<!tpu.dma_semaphore, #tpu.memory_space<semaphore_mem>>)
        %dma_start3A_286 = arith.constant 0 : i32
        %dma_start3A_287 = tpu.memref_slice %arg8[%multiple_of3A_275, %dma_start3A_286] : memref<16x128xi32, #tpu.memory_space<vmem>> -> memref<8x128xi32, #tpu.memory_space<vmem>>
        %dma_start3A_288 = arith.constant 0 : i32
        %dma_start3A_289 = tpu.memref_slice %arg4[%add3A, %multiple_of3A_272, %dma_start3A_288] : memref<32x80x128xi32, #tpu.memory_space<hbm>> -> memref<1x8x128xi32, #tpu.memory_space<hbm>>
        %dma_start3A_290 = tpu.memref_squeeze %dma_start3A_289 : memref<1x8x128xi32, #tpu.memory_space<hbm>> -> memref<8x128xi32, #tpu.memory_space<hbm>>
        %dma_start3A_291 = arith.constant 0 : i32
        %dma_start3A_292 = tpu.memref_slice %arg8[%multiple_of3A_275, %dma_start3A_291] : memref<16x128xi32, #tpu.memory_space<vmem>> -> memref<8x128xi32, #tpu.memory_space<vmem>>
        %dma_start3A_293 = arith.constant 0 : i32
        %dma_start3A_294 = tpu.memref_slice %arg4[%add3A, %multiple_of3A_272, %dma_start3A_293] : memref<32x80x128xi32, #tpu.memory_space<hbm>> -> memref<1x8x128xi32, #tpu.memory_space<hbm>>
        %dma_start3A_295 = tpu.memref_squeeze %dma_start3A_294 : memref<1x8x128xi32, #tpu.memory_space<hbm>> -> memref<8x128xi32, #tpu.memory_space<hbm>>
        tpu.enqueue_dma source(%dma_start3A_295 : memref<8x128xi32, #tpu.memory_space<hbm>>) target(%dma_start3A_292 : memref<8x128xi32, #tpu.memory_space<vmem>>) target_semaphore(%arg14 : memref<!tpu.dma_semaphore, #tpu.memory_space<semaphore_mem>>)
      } else {
      }
    }
    %barrier3A_80 = arith.constant 0 : index
    tpu.barrier barrier_id(%barrier3A_80)
    %mul3A_81 = arith.constant 632 : i32
    %mul3A_82 = arith.muli %arg1, %mul3A_81 : i32
    %mul3A_83 = arith.constant 632 : i32
    %mul3A_84 = arith.muli %arg1, %mul3A_83 : i32
    "tpu.region"() ({
      %run_scoped3A = tpu.sem_alloc : memref<!tpu.dma_semaphore, #tpu.memory_space<semaphore_mem>>
      %dma_start3A_85 = arith.constant 0 : i32
      %dma_start3A_86 = tpu.memref_slice %arg6[%arg0, %mul3A_84, %dma_start3A_85] : memref<2x10112x128xf32, #tpu.memory_space<hbm>> -> memref<1x632x128xf32, #tpu.memory_space<hbm>>
      %dma_start3A_87 = tpu.memref_squeeze %dma_start3A_86 : memref<1x632x128xf32, #tpu.memory_space<hbm>> -> memref<632x128xf32, #tpu.memory_space<hbm>>
      %dma_start3A_88 = arith.constant 0 : i32
      %dma_start3A_89 = tpu.memref_slice %arg11[%mul3A_82, %dma_start3A_88] : memref<10112x128xf32, #tpu.memory_space<vmem_shared>> -> memref<632x128xf32, #tpu.memory_space<vmem_shared>>
      tpu.enqueue_dma source(%dma_start3A_89 : memref<632x128xf32, #tpu.memory_space<vmem_shared>>) target(%dma_start3A_87 : memref<632x128xf32, #tpu.memory_space<hbm>>) target_semaphore(%run_scoped3A : memref<!tpu.dma_semaphore, #tpu.memory_space<semaphore_mem>>)
      %dma_wait3A_90 = arith.constant 0 : i32
      %dma_wait3A_91 = tpu.memref_slice %arg6[%arg0, %mul3A_84, %dma_wait3A_90] : memref<2x10112x128xf32, #tpu.memory_space<hbm>> -> memref<1x632x128xf32, #tpu.memory_space<hbm>>
      %dma_wait3A_92 = tpu.memref_squeeze %dma_wait3A_91 : memref<1x632x128xf32, #tpu.memory_space<hbm>> -> memref<632x128xf32, #tpu.memory_space<hbm>>
      %dma_wait3A_93 = arith.constant 0 : i32
      %dma_wait3A_94 = tpu.memref_slice %arg11[%mul3A_82, %dma_wait3A_93] : memref<10112x128xf32, #tpu.memory_space<vmem_shared>> -> memref<632x128xf32, #tpu.memory_space<vmem_shared>>
      tpu.wait_dma2 semaphore(%run_scoped3A : memref<!tpu.dma_semaphore, #tpu.memory_space<semaphore_mem>>) src(%dma_wait3A_94 : memref<632x128xf32, #tpu.memory_space<vmem_shared>>) dst(%dma_wait3A_92 : memref<632x128xf32, #tpu.memory_space<hbm>>)
      tpu.yield
    }) : () -> ()
    return
  }
}

#map = affine_map<(d0, d1) -> (0, 0, 0)>
#map1 = affine_map<(d0, d1) -> (0, 0)>
module attributes {stable_mosaic.version = 14 : i64} {
  func.func @_degree_body(%arg0: i32, %arg1: i32, %arg2: memref<32x79x128xi32, #tpu.memory_space<hbm>>, %arg3: memref<128x128xf32, #tpu.memory_space<hbm>>, %arg4: memref<632x128xf32, #tpu.memory_space<hbm>>, %arg5: memref<2x10112x128xf32, #tpu.memory_space<hbm>>, %arg6: memref<79x128xi32, #tpu.memory_space<vmem>>, %arg7: memref<128x128xf32, #tpu.memory_space<vmem>>, %arg8: memref<10112x128xf32, #tpu.memory_space<vmem_shared>>) attributes {dimension_semantics = [#tpu.dimension_semantics<core_parallel>, #tpu.dimension_semantics<subcore_parallel>], iteration_bounds = array<i64: 2, 16>, scalar_prefetch = 0 : i64, scratch_operands = 3 : i64, tpu.core_type = #tpu.core_type<sc_vector_subcore>, window_params = [{transform_indices = #map}, {transform_indices = #map1}, {transform_indices = #map1}, {transform_indices = #map}]} {
    %mul3A = arith.constant 2 : i32
    %mul3A_0 = arith.muli %arg1, %mul3A : i32
    %add3A = arith.addi %mul3A_0, %arg0 : i32
    %mul3A_1 = arith.constant 632 : i32
    %mul3A_2 = arith.muli %arg1, %mul3A_1 : i32
    "tpu.region"() ({
      %run_scoped3A = tpu.sem_alloc : memref<!tpu.dma_semaphore, #tpu.memory_space<semaphore_mem>>
      %dma_start3A = arith.constant 0 : i32
      %dma_start3A_13 = tpu.memref_slice %arg8[%mul3A_2, %dma_start3A] : memref<10112x128xf32, #tpu.memory_space<vmem_shared>> -> memref<632x128xf32, #tpu.memory_space<vmem_shared>>
      tpu.enqueue_dma source(%arg4 : memref<632x128xf32, #tpu.memory_space<hbm>>) target(%dma_start3A_13 : memref<632x128xf32, #tpu.memory_space<vmem_shared>>) target_semaphore(%run_scoped3A : memref<!tpu.dma_semaphore, #tpu.memory_space<semaphore_mem>>)
      %dma_wait3A = arith.constant 0 : i32
      %dma_wait3A_14 = tpu.memref_slice %arg8[%mul3A_2, %dma_wait3A] : memref<10112x128xf32, #tpu.memory_space<vmem_shared>> -> memref<632x128xf32, #tpu.memory_space<vmem_shared>>
      tpu.wait_dma2 semaphore(%run_scoped3A : memref<!tpu.dma_semaphore, #tpu.memory_space<semaphore_mem>>) src(%arg4 : memref<632x128xf32, #tpu.memory_space<hbm>>) dst(%dma_wait3A_14 : memref<632x128xf32, #tpu.memory_space<vmem_shared>>)
      tpu.yield
    }) : () -> ()
    "tpu.region"() ({
      %run_scoped3A = tpu.sem_alloc : memref<!tpu.dma_semaphore, #tpu.memory_space<semaphore_mem>>
      %dma_start3A = arith.constant 0 : i32
      %dma_start3A_13 = arith.constant 0 : i32
      %dma_start3A_14 = tpu.memref_slice %arg2[%add3A, %dma_start3A, %dma_start3A_13] : memref<32x79x128xi32, #tpu.memory_space<hbm>> -> memref<1x79x128xi32, #tpu.memory_space<hbm>>
      %dma_start3A_15 = tpu.memref_squeeze %dma_start3A_14 : memref<1x79x128xi32, #tpu.memory_space<hbm>> -> memref<79x128xi32, #tpu.memory_space<hbm>>
      %dma_start3A_16 = arith.constant 0 : i32
      %dma_start3A_17 = arith.constant 0 : i32
      %dma_start3A_18 = tpu.memref_slice %arg2[%add3A, %dma_start3A_16, %dma_start3A_17] : memref<32x79x128xi32, #tpu.memory_space<hbm>> -> memref<1x79x128xi32, #tpu.memory_space<hbm>>
      %dma_start3A_19 = tpu.memref_squeeze %dma_start3A_18 : memref<1x79x128xi32, #tpu.memory_space<hbm>> -> memref<79x128xi32, #tpu.memory_space<hbm>>
      tpu.enqueue_dma source(%dma_start3A_19 : memref<79x128xi32, #tpu.memory_space<hbm>>) target(%arg6 : memref<79x128xi32, #tpu.memory_space<vmem>>) target_semaphore(%run_scoped3A : memref<!tpu.dma_semaphore, #tpu.memory_space<semaphore_mem>>)
      %dma_wait3A = arith.constant 0 : i32
      %dma_wait3A_20 = arith.constant 0 : i32
      %dma_wait3A_21 = tpu.memref_slice %arg2[%add3A, %dma_wait3A, %dma_wait3A_20] : memref<32x79x128xi32, #tpu.memory_space<hbm>> -> memref<1x79x128xi32, #tpu.memory_space<hbm>>
      %dma_wait3A_22 = tpu.memref_squeeze %dma_wait3A_21 : memref<1x79x128xi32, #tpu.memory_space<hbm>> -> memref<79x128xi32, #tpu.memory_space<hbm>>
      %dma_wait3A_23 = arith.constant 0 : i32
      %dma_wait3A_24 = arith.constant 0 : i32
      %dma_wait3A_25 = tpu.memref_slice %arg2[%add3A, %dma_wait3A_23, %dma_wait3A_24] : memref<32x79x128xi32, #tpu.memory_space<hbm>> -> memref<1x79x128xi32, #tpu.memory_space<hbm>>
      %dma_wait3A_26 = tpu.memref_squeeze %dma_wait3A_25 : memref<1x79x128xi32, #tpu.memory_space<hbm>> -> memref<79x128xi32, #tpu.memory_space<hbm>>
      tpu.wait_dma2 semaphore(%run_scoped3A : memref<!tpu.dma_semaphore, #tpu.memory_space<semaphore_mem>>) src(%dma_wait3A_26 : memref<79x128xi32, #tpu.memory_space<hbm>>) dst(%arg6 : memref<79x128xi32, #tpu.memory_space<vmem>>)
      tpu.yield
    }) : () -> ()
    "tpu.region"() ({
      %run_scoped3A = tpu.sem_alloc : memref<!tpu.dma_semaphore, #tpu.memory_space<semaphore_mem>>
      tpu.enqueue_dma source(%arg3 : memref<128x128xf32, #tpu.memory_space<hbm>>) target(%arg7 : memref<128x128xf32, #tpu.memory_space<vmem>>) target_semaphore(%run_scoped3A : memref<!tpu.dma_semaphore, #tpu.memory_space<semaphore_mem>>)
      tpu.wait_dma2 semaphore(%run_scoped3A : memref<!tpu.dma_semaphore, #tpu.memory_space<semaphore_mem>>) src(%arg3 : memref<128x128xf32, #tpu.memory_space<hbm>>) dst(%arg7 : memref<128x128xf32, #tpu.memory_space<vmem>>)
      tpu.yield
    }) : () -> ()
    %barrier3A = arith.constant 0 : index
    tpu.barrier barrier_id(%barrier3A)
    %scan3A = arith.constant 0 : i32
    %scan3A_3 = arith.constant 0 : i32
    %scan3A_4 = arith.constant 79 : i32
    %scan3A_5 = arith.addi %scan3A_3, %scan3A_4 : i32
    %scan3A_6 = arith.constant 1 : i32
    scf.for %scan3A_13 = %scan3A_3 to %scan3A_5 step %scan3A_6  : i32 {
      "tpu.region"() ({
        %run_scoped3A = tpu.sem_alloc : memref<!tpu.dma_semaphore, #tpu.memory_space<semaphore_mem>>
        %dma_start3A = arith.constant 0 : i32
        %dma_start3A_14 = tpu.memref_slice %arg6[%scan3A_13, %dma_start3A] : memref<79x128xi32, #tpu.memory_space<vmem>> -> memref<1x128xi32, #tpu.memory_space<vmem>>
        %dma_start3A_15 = tpu.memref_squeeze %dma_start3A_14 : memref<1x128xi32, #tpu.memory_space<vmem>> -> memref<128xi32, #tpu.memory_space<vmem>>
        %dma_start3A_16 = arith.constant 0 : i32
        %dma_start3A_17 = arith.constant 0 : i32
        %dma_start3A_18 = tpu.memref_slice %arg8[%dma_start3A_16, %dma_start3A_17] : memref<10112x128xf32, #tpu.memory_space<vmem_shared>> -> memref<10112x128xf32, #tpu.memory_space<vmem_shared>>
        tpu.enqueue_indirect_dma source(%arg7 : memref<128x128xf32, #tpu.memory_space<vmem>>) target(%dma_start3A_18 : memref<10112x128xf32, #tpu.memory_space<vmem_shared>>) offsets(%dma_start3A_15 : memref<128xi32, #tpu.memory_space<vmem>>) semaphore(%run_scoped3A : memref<!tpu.dma_semaphore, #tpu.memory_space<semaphore_mem>>) {add = true}
        %dma_wait3A = arith.constant 0 : i32
        %dma_wait3A_19 = tpu.memref_slice %arg6[%scan3A_13, %dma_wait3A] : memref<79x128xi32, #tpu.memory_space<vmem>> -> memref<1x128xi32, #tpu.memory_space<vmem>>
        %dma_wait3A_20 = tpu.memref_squeeze %dma_wait3A_19 : memref<1x128xi32, #tpu.memory_space<vmem>> -> memref<128xi32, #tpu.memory_space<vmem>>
        %dma_wait3A_21 = arith.constant 0 : i32
        %dma_wait3A_22 = arith.constant 0 : i32
        %dma_wait3A_23 = tpu.memref_slice %arg8[%dma_wait3A_21, %dma_wait3A_22] : memref<10112x128xf32, #tpu.memory_space<vmem_shared>> -> memref<10112x128xf32, #tpu.memory_space<vmem_shared>>
        tpu.wait_indirect_dma semaphore(%run_scoped3A : memref<!tpu.dma_semaphore, #tpu.memory_space<semaphore_mem>>) src(%arg7 : memref<128x128xf32, #tpu.memory_space<vmem>>) dst(%dma_wait3A_23 : memref<10112x128xf32, #tpu.memory_space<vmem_shared>>)
        tpu.yield
      }) : () -> ()
    }
    %scan3A_7 = arith.constant 79 : i32
    %barrier3A_8 = arith.constant 0 : index
    tpu.barrier barrier_id(%barrier3A_8)
    %mul3A_9 = arith.constant 632 : i32
    %mul3A_10 = arith.muli %arg1, %mul3A_9 : i32
    %mul3A_11 = arith.constant 632 : i32
    %mul3A_12 = arith.muli %arg1, %mul3A_11 : i32
    "tpu.region"() ({
      %run_scoped3A = tpu.sem_alloc : memref<!tpu.dma_semaphore, #tpu.memory_space<semaphore_mem>>
      %dma_start3A = arith.constant 0 : i32
      %dma_start3A_13 = tpu.memref_slice %arg5[%arg0, %mul3A_12, %dma_start3A] : memref<2x10112x128xf32, #tpu.memory_space<hbm>> -> memref<1x632x128xf32, #tpu.memory_space<hbm>>
      %dma_start3A_14 = tpu.memref_squeeze %dma_start3A_13 : memref<1x632x128xf32, #tpu.memory_space<hbm>> -> memref<632x128xf32, #tpu.memory_space<hbm>>
      %dma_start3A_15 = arith.constant 0 : i32
      %dma_start3A_16 = tpu.memref_slice %arg8[%mul3A_10, %dma_start3A_15] : memref<10112x128xf32, #tpu.memory_space<vmem_shared>> -> memref<632x128xf32, #tpu.memory_space<vmem_shared>>
      tpu.enqueue_dma source(%dma_start3A_16 : memref<632x128xf32, #tpu.memory_space<vmem_shared>>) target(%dma_start3A_14 : memref<632x128xf32, #tpu.memory_space<hbm>>) target_semaphore(%run_scoped3A : memref<!tpu.dma_semaphore, #tpu.memory_space<semaphore_mem>>)
      %dma_wait3A = arith.constant 0 : i32
      %dma_wait3A_17 = tpu.memref_slice %arg5[%arg0, %mul3A_12, %dma_wait3A] : memref<2x10112x128xf32, #tpu.memory_space<hbm>> -> memref<1x632x128xf32, #tpu.memory_space<hbm>>
      %dma_wait3A_18 = tpu.memref_squeeze %dma_wait3A_17 : memref<1x632x128xf32, #tpu.memory_space<hbm>> -> memref<632x128xf32, #tpu.memory_space<hbm>>
      %dma_wait3A_19 = arith.constant 0 : i32
      %dma_wait3A_20 = tpu.memref_slice %arg8[%mul3A_10, %dma_wait3A_19] : memref<10112x128xf32, #tpu.memory_space<vmem_shared>> -> memref<632x128xf32, #tpu.memory_space<vmem_shared>>
      tpu.wait_dma2 semaphore(%run_scoped3A : memref<!tpu.dma_semaphore, #tpu.memory_space<semaphore_mem>>) src(%dma_wait3A_20 : memref<632x128xf32, #tpu.memory_space<vmem_shared>>) dst(%dma_wait3A_18 : memref<632x128xf32, #tpu.memory_space<hbm>>)
      tpu.yield
    }) : () -> ()
    return
  }
}

#map = affine_map<(d0, d1) -> (0, 0)>
#map1 = affine_map<(d0, d1) -> (0, 0, 0)>
module attributes {stable_mosaic.version = 14 : i64} {
  func.func @_spmm_body(%arg0: i32, %arg1: i32, %arg2: memref<10000x128xf32, #tpu.memory_space<hbm>>, %arg3: memref<32x80x128xi32, #tpu.memory_space<hbm>>, %arg4: memref<32x80x128xi32, #tpu.memory_space<hbm>>, %arg5: memref<632x128xf32, #tpu.memory_space<hbm>>, %arg6: memref<2x10112x128xf32, #tpu.memory_space<hbm>>, %arg7: memref<16x128xi32, #tpu.memory_space<vmem>>, %arg8: memref<16x128xi32, #tpu.memory_space<vmem>>, %arg9: memref<128x128xf32, #tpu.memory_space<vmem>>, %arg10: memref<128x128xf32, #tpu.memory_space<vmem>>, %arg11: memref<10112x128xf32, #tpu.memory_space<vmem_shared>>, %arg12: memref<!tpu.dma_semaphore, #tpu.memory_space<semaphore_mem>>, %arg13: memref<!tpu.dma_semaphore, #tpu.memory_space<semaphore_mem>>, %arg14: memref<!tpu.dma_semaphore, #tpu.memory_space<semaphore_mem>>) attributes {dimension_semantics = [#tpu.dimension_semantics<core_parallel>, #tpu.dimension_semantics<subcore_parallel>], iteration_bounds = array<i64: 2, 16>, scalar_prefetch = 0 : i64, scratch_operands = 8 : i64, tpu.core_type = #tpu.core_type<sc_vector_subcore>, window_params = [{transform_indices = #map}, {transform_indices = #map1}, {transform_indices = #map1}, {transform_indices = #map}, {transform_indices = #map1}]} {
    %mul3A = arith.constant 2 : i32
    %mul3A_0 = arith.muli %arg1, %mul3A : i32
    %add3A = arith.addi %mul3A_0, %arg0 : i32
    %eq3A = arith.constant 0 : i32
    %eq3A_1 = arith.cmpi eq, %arg0, %eq3A : i32
    %jit3A = arith.constant 80 : i32
    %jit3A_2 = arith.constant 80 : i32
    %select_n3A = arith.select %eq3A_1, %jit3A, %jit3A_2 : i32
    %eq3A_3 = arith.constant 0 : i32
    %eq3A_4 = arith.cmpi eq, %arg0, %eq3A_3 : i32
    %jit3A_5 = arith.constant 10 : i32
    %jit3A_6 = arith.constant 10 : i32
    %select_n3A_7 = arith.select %eq3A_4, %jit3A_5, %jit3A_6 : i32
    %mul3A_8 = arith.constant 632 : i32
    %mul3A_9 = arith.muli %arg1, %mul3A_8 : i32
    "tpu.region"() ({
      %run_scoped3A = tpu.sem_alloc : memref<!tpu.dma_semaphore, #tpu.memory_space<semaphore_mem>>
      %dma_start3A_85 = arith.constant 0 : i32
      %dma_start3A_86 = tpu.memref_slice %arg11[%mul3A_9, %dma_start3A_85] : memref<10112x128xf32, #tpu.memory_space<vmem_shared>> -> memref<632x128xf32, #tpu.memory_space<vmem_shared>>
      tpu.enqueue_dma source(%arg5 : memref<632x128xf32, #tpu.memory_space<hbm>>) target(%dma_start3A_86 : memref<632x128xf32, #tpu.memory_space<vmem_shared>>) target_semaphore(%run_scoped3A : memref<!tpu.dma_semaphore, #tpu.memory_space<semaphore_mem>>)
      %dma_wait3A_87 = arith.constant 0 : i32
      %dma_wait3A_88 = tpu.memref_slice %arg11[%mul3A_9, %dma_wait3A_87] : memref<10112x128xf32, #tpu.memory_space<vmem_shared>> -> memref<632x128xf32, #tpu.memory_space<vmem_shared>>
      tpu.wait_dma2 semaphore(%run_scoped3A : memref<!tpu.dma_semaphore, #tpu.memory_space<semaphore_mem>>) src(%arg5 : memref<632x128xf32, #tpu.memory_space<hbm>>) dst(%dma_wait3A_88 : memref<632x128xf32, #tpu.memory_space<vmem_shared>>)
      tpu.yield
    }) : () -> ()
    %multiple_of3A = arith.constant 0 : i32
    %multiple_of3A_10 = tpu.assume_multiple %multiple_of3A, 8 : i32
    %multiple_of3A_11 = arith.constant 0 : i32
    %multiple_of3A_12 = tpu.assume_multiple %multiple_of3A_11, 8 : i32
    %dma_start3A = arith.constant 0 : i32
    %dma_start3A_13 = tpu.memref_slice %arg7[%multiple_of3A_12, %dma_start3A] : memref<16x128xi32, #tpu.memory_space<vmem>> -> memref<8x128xi32, #tpu.memory_space<vmem>>
    %dma_start3A_14 = arith.constant 0 : i32
    %dma_start3A_15 = tpu.memref_slice %arg3[%add3A, %multiple_of3A_10, %dma_start3A_14] : memref<32x80x128xi32, #tpu.memory_space<hbm>> -> memref<1x8x128xi32, #tpu.memory_space<hbm>>
    %dma_start3A_16 = tpu.memref_squeeze %dma_start3A_15 : memref<1x8x128xi32, #tpu.memory_space<hbm>> -> memref<8x128xi32, #tpu.memory_space<hbm>>
    %dma_start3A_17 = arith.constant 0 : i32
    %dma_start3A_18 = tpu.memref_slice %arg7[%multiple_of3A_12, %dma_start3A_17] : memref<16x128xi32, #tpu.memory_space<vmem>> -> memref<8x128xi32, #tpu.memory_space<vmem>>
    %dma_start3A_19 = arith.constant 0 : i32
    %dma_start3A_20 = tpu.memref_slice %arg3[%add3A, %multiple_of3A_10, %dma_start3A_19] : memref<32x80x128xi32, #tpu.memory_space<hbm>> -> memref<1x8x128xi32, #tpu.memory_space<hbm>>
    %dma_start3A_21 = tpu.memref_squeeze %dma_start3A_20 : memref<1x8x128xi32, #tpu.memory_space<hbm>> -> memref<8x128xi32, #tpu.memory_space<hbm>>
    tpu.enqueue_dma source(%dma_start3A_21 : memref<8x128xi32, #tpu.memory_space<hbm>>) target(%dma_start3A_18 : memref<8x128xi32, #tpu.memory_space<vmem>>) target_semaphore(%arg14 : memref<!tpu.dma_semaphore, #tpu.memory_space<semaphore_mem>>)
    %dma_start3A_22 = arith.constant 0 : i32
    %dma_start3A_23 = tpu.memref_slice %arg8[%multiple_of3A_12, %dma_start3A_22] : memref<16x128xi32, #tpu.memory_space<vmem>> -> memref<8x128xi32, #tpu.memory_space<vmem>>
    %dma_start3A_24 = arith.constant 0 : i32
    %dma_start3A_25 = tpu.memref_slice %arg4[%add3A, %multiple_of3A_10, %dma_start3A_24] : memref<32x80x128xi32, #tpu.memory_space<hbm>> -> memref<1x8x128xi32, #tpu.memory_space<hbm>>
    %dma_start3A_26 = tpu.memref_squeeze %dma_start3A_25 : memref<1x8x128xi32, #tpu.memory_space<hbm>> -> memref<8x128xi32, #tpu.memory_space<hbm>>
    %dma_start3A_27 = arith.constant 0 : i32
    %dma_start3A_28 = tpu.memref_slice %arg8[%multiple_of3A_12, %dma_start3A_27] : memref<16x128xi32, #tpu.memory_space<vmem>> -> memref<8x128xi32, #tpu.memory_space<vmem>>
    %dma_start3A_29 = arith.constant 0 : i32
    %dma_start3A_30 = tpu.memref_slice %arg4[%add3A, %multiple_of3A_10, %dma_start3A_29] : memref<32x80x128xi32, #tpu.memory_space<hbm>> -> memref<1x8x128xi32, #tpu.memory_space<hbm>>
    %dma_start3A_31 = tpu.memref_squeeze %dma_start3A_30 : memref<1x8x128xi32, #tpu.memory_space<hbm>> -> memref<8x128xi32, #tpu.memory_space<hbm>>
    tpu.enqueue_dma source(%dma_start3A_31 : memref<8x128xi32, #tpu.memory_space<hbm>>) target(%dma_start3A_28 : memref<8x128xi32, #tpu.memory_space<vmem>>) target_semaphore(%arg14 : memref<!tpu.dma_semaphore, #tpu.memory_space<semaphore_mem>>)
    %multiple_of3A_32 = arith.constant 0 : i32
    %multiple_of3A_33 = tpu.assume_multiple %multiple_of3A_32, 8 : i32
    %multiple_of3A_34 = arith.constant 0 : i32
    %multiple_of3A_35 = tpu.assume_multiple %multiple_of3A_34, 8 : i32
    %dma_wait3A = arith.constant 0 : i32
    %dma_wait3A_36 = tpu.memref_slice %arg7[%multiple_of3A_35, %dma_wait3A] : memref<16x128xi32, #tpu.memory_space<vmem>> -> memref<8x128xi32, #tpu.memory_space<vmem>>
    %dma_wait3A_37 = arith.constant 0 : i32
    %dma_wait3A_38 = tpu.memref_slice %arg3[%add3A, %multiple_of3A_33, %dma_wait3A_37] : memref<32x80x128xi32, #tpu.memory_space<hbm>> -> memref<1x8x128xi32, #tpu.memory_space<hbm>>
    %dma_wait3A_39 = tpu.memref_squeeze %dma_wait3A_38 : memref<1x8x128xi32, #tpu.memory_space<hbm>> -> memref<8x128xi32, #tpu.memory_space<hbm>>
    %dma_wait3A_40 = arith.constant 0 : i32
    %dma_wait3A_41 = tpu.memref_slice %arg7[%multiple_of3A_35, %dma_wait3A_40] : memref<16x128xi32, #tpu.memory_space<vmem>> -> memref<8x128xi32, #tpu.memory_space<vmem>>
    %dma_wait3A_42 = arith.constant 0 : i32
    %dma_wait3A_43 = tpu.memref_slice %arg3[%add3A, %multiple_of3A_33, %dma_wait3A_42] : memref<32x80x128xi32, #tpu.memory_space<hbm>> -> memref<1x8x128xi32, #tpu.memory_space<hbm>>
    %dma_wait3A_44 = tpu.memref_squeeze %dma_wait3A_43 : memref<1x8x128xi32, #tpu.memory_space<hbm>> -> memref<8x128xi32, #tpu.memory_space<hbm>>
    tpu.wait_dma2 semaphore(%arg14 : memref<!tpu.dma_semaphore, #tpu.memory_space<semaphore_mem>>) src(%dma_wait3A_44 : memref<8x128xi32, #tpu.memory_space<hbm>>) dst(%dma_wait3A_41 : memref<8x128xi32, #tpu.memory_space<vmem>>)
    %dma_wait3A_45 = arith.constant 0 : i32
    %dma_wait3A_46 = tpu.memref_slice %arg8[%multiple_of3A_35, %dma_wait3A_45] : memref<16x128xi32, #tpu.memory_space<vmem>> -> memref<8x128xi32, #tpu.memory_space<vmem>>
    %dma_wait3A_47 = arith.constant 0 : i32
    %dma_wait3A_48 = tpu.memref_slice %arg4[%add3A, %multiple_of3A_33, %dma_wait3A_47] : memref<32x80x128xi32, #tpu.memory_space<hbm>> -> memref<1x8x128xi32, #tpu.memory_space<hbm>>
    %dma_wait3A_49 = tpu.memref_squeeze %dma_wait3A_48 : memref<1x8x128xi32, #tpu.memory_space<hbm>> -> memref<8x128xi32, #tpu.memory_space<hbm>>
    %dma_wait3A_50 = arith.constant 0 : i32
    %dma_wait3A_51 = tpu.memref_slice %arg8[%multiple_of3A_35, %dma_wait3A_50] : memref<16x128xi32, #tpu.memory_space<vmem>> -> memref<8x128xi32, #tpu.memory_space<vmem>>
    %dma_wait3A_52 = arith.constant 0 : i32
    %dma_wait3A_53 = tpu.memref_slice %arg4[%add3A, %multiple_of3A_33, %dma_wait3A_52] : memref<32x80x128xi32, #tpu.memory_space<hbm>> -> memref<1x8x128xi32, #tpu.memory_space<hbm>>
    %dma_wait3A_54 = tpu.memref_squeeze %dma_wait3A_53 : memref<1x8x128xi32, #tpu.memory_space<hbm>> -> memref<8x128xi32, #tpu.memory_space<hbm>>
    tpu.wait_dma2 semaphore(%arg14 : memref<!tpu.dma_semaphore, #tpu.memory_space<semaphore_mem>>) src(%dma_wait3A_54 : memref<8x128xi32, #tpu.memory_space<hbm>>) dst(%dma_wait3A_51 : memref<8x128xi32, #tpu.memory_space<vmem>>)
    %barrier3A = arith.constant 0 : index
    tpu.barrier barrier_id(%barrier3A)
    %gt3A = arith.constant 1 : i32
    %gt3A_55 = arith.cmpi sgt, %select_n3A_7, %gt3A : i32
    %convert_element_type3A = arith.extui %gt3A_55 : i1 to i32
    %cond3A = arith.constant 0 : i32
    %cond3A_56 = arith.cmpi ne, %convert_element_type3A, %cond3A : i32
    scf.if %cond3A_56 {
      %multiple_of3A_85 = arith.constant 8 : i32
      %multiple_of3A_86 = tpu.assume_multiple %multiple_of3A_85, 8 : i32
      %multiple_of3A_87 = arith.constant 8 : i32
      %multiple_of3A_88 = tpu.assume_multiple %multiple_of3A_87, 8 : i32
      %dma_start3A_89 = arith.constant 0 : i32
      %dma_start3A_90 = tpu.memref_slice %arg7[%multiple_of3A_88, %dma_start3A_89] : memref<16x128xi32, #tpu.memory_space<vmem>> -> memref<8x128xi32, #tpu.memory_space<vmem>>
      %dma_start3A_91 = arith.constant 0 : i32
      %dma_start3A_92 = tpu.memref_slice %arg3[%add3A, %multiple_of3A_86, %dma_start3A_91] : memref<32x80x128xi32, #tpu.memory_space<hbm>> -> memref<1x8x128xi32, #tpu.memory_space<hbm>>
      %dma_start3A_93 = tpu.memref_squeeze %dma_start3A_92 : memref<1x8x128xi32, #tpu.memory_space<hbm>> -> memref<8x128xi32, #tpu.memory_space<hbm>>
      %dma_start3A_94 = arith.constant 0 : i32
      %dma_start3A_95 = tpu.memref_slice %arg7[%multiple_of3A_88, %dma_start3A_94] : memref<16x128xi32, #tpu.memory_space<vmem>> -> memref<8x128xi32, #tpu.memory_space<vmem>>
      %dma_start3A_96 = arith.constant 0 : i32
      %dma_start3A_97 = tpu.memref_slice %arg3[%add3A, %multiple_of3A_86, %dma_start3A_96] : memref<32x80x128xi32, #tpu.memory_space<hbm>> -> memref<1x8x128xi32, #tpu.memory_space<hbm>>
      %dma_start3A_98 = tpu.memref_squeeze %dma_start3A_97 : memref<1x8x128xi32, #tpu.memory_space<hbm>> -> memref<8x128xi32, #tpu.memory_space<hbm>>
      tpu.enqueue_dma source(%dma_start3A_98 : memref<8x128xi32, #tpu.memory_space<hbm>>) target(%dma_start3A_95 : memref<8x128xi32, #tpu.memory_space<vmem>>) target_semaphore(%arg14 : memref<!tpu.dma_semaphore, #tpu.memory_space<semaphore_mem>>)
      %dma_start3A_99 = arith.constant 0 : i32
      %dma_start3A_100 = tpu.memref_slice %arg8[%multiple_of3A_88, %dma_start3A_99] : memref<16x128xi32, #tpu.memory_space<vmem>> -> memref<8x128xi32, #tpu.memory_space<vmem>>
      %dma_start3A_101 = arith.constant 0 : i32
      %dma_start3A_102 = tpu.memref_slice %arg4[%add3A, %multiple_of3A_86, %dma_start3A_101] : memref<32x80x128xi32, #tpu.memory_space<hbm>> -> memref<1x8x128xi32, #tpu.memory_space<hbm>>
      %dma_start3A_103 = tpu.memref_squeeze %dma_start3A_102 : memref<1x8x128xi32, #tpu.memory_space<hbm>> -> memref<8x128xi32, #tpu.memory_space<hbm>>
      %dma_start3A_104 = arith.constant 0 : i32
      %dma_start3A_105 = tpu.memref_slice %arg8[%multiple_of3A_88, %dma_start3A_104] : memref<16x128xi32, #tpu.memory_space<vmem>> -> memref<8x128xi32, #tpu.memory_space<vmem>>
      %dma_start3A_106 = arith.constant 0 : i32
      %dma_start3A_107 = tpu.memref_slice %arg4[%add3A, %multiple_of3A_86, %dma_start3A_106] : memref<32x80x128xi32, #tpu.memory_space<hbm>> -> memref<1x8x128xi32, #tpu.memory_space<hbm>>
      %dma_start3A_108 = tpu.memref_squeeze %dma_start3A_107 : memref<1x8x128xi32, #tpu.memory_space<hbm>> -> memref<8x128xi32, #tpu.memory_space<hbm>>
      tpu.enqueue_dma source(%dma_start3A_108 : memref<8x128xi32, #tpu.memory_space<hbm>>) target(%dma_start3A_105 : memref<8x128xi32, #tpu.memory_space<vmem>>) target_semaphore(%arg14 : memref<!tpu.dma_semaphore, #tpu.memory_space<semaphore_mem>>)
    } else {
    }
    %dma_start3A_57 = arith.constant 0 : i32
    %dma_start3A_58 = arith.constant 0 : i32
    %dma_start3A_59 = tpu.memref_slice %arg8[%dma_start3A_57, %dma_start3A_58] : memref<16x128xi32, #tpu.memory_space<vmem>> -> memref<1x128xi32, #tpu.memory_space<vmem>>
    %dma_start3A_60 = tpu.memref_squeeze %dma_start3A_59 : memref<1x128xi32, #tpu.memory_space<vmem>> -> memref<128xi32, #tpu.memory_space<vmem>>
    %dma_start3A_61 = arith.constant 0 : i32
    %dma_start3A_62 = arith.constant 0 : i32
    %dma_start3A_63 = tpu.memref_slice %arg2[%dma_start3A_61, %dma_start3A_62] : memref<10000x128xf32, #tpu.memory_space<hbm>> -> memref<10000x128xf32, #tpu.memory_space<hbm>>
    tpu.enqueue_indirect_dma source(%dma_start3A_63 : memref<10000x128xf32, #tpu.memory_space<hbm>>) target(%arg9 : memref<128x128xf32, #tpu.memory_space<vmem>>) offsets(%dma_start3A_60 : memref<128xi32, #tpu.memory_space<vmem>>) semaphore(%arg12 : memref<!tpu.dma_semaphore, #tpu.memory_space<semaphore_mem>>)
    %dma_start3A_64 = arith.constant 1 : i32
    %dma_start3A_65 = arith.constant 0 : i32
    %dma_start3A_66 = tpu.memref_slice %arg8[%dma_start3A_64, %dma_start3A_65] : memref<16x128xi32, #tpu.memory_space<vmem>> -> memref<1x128xi32, #tpu.memory_space<vmem>>
    %dma_start3A_67 = tpu.memref_squeeze %dma_start3A_66 : memref<1x128xi32, #tpu.memory_space<vmem>> -> memref<128xi32, #tpu.memory_space<vmem>>
    %dma_start3A_68 = arith.constant 0 : i32
    %dma_start3A_69 = arith.constant 0 : i32
    %dma_start3A_70 = tpu.memref_slice %arg2[%dma_start3A_68, %dma_start3A_69] : memref<10000x128xf32, #tpu.memory_space<hbm>> -> memref<10000x128xf32, #tpu.memory_space<hbm>>
    tpu.enqueue_indirect_dma source(%dma_start3A_70 : memref<10000x128xf32, #tpu.memory_space<hbm>>) target(%arg10 : memref<128x128xf32, #tpu.memory_space<vmem>>) offsets(%dma_start3A_67 : memref<128xi32, #tpu.memory_space<vmem>>) semaphore(%arg13 : memref<!tpu.dma_semaphore, #tpu.memory_space<semaphore_mem>>)
    %while3A = arith.constant 0 : i32
    %while3A_71 = arith.constant 0 : i32
    %while3A_72 = arith.subi %select_n3A_7, %while3A_71 : i32
    %while3A_73 = arith.addi %while3A_71, %while3A_72 : i32
    %while3A_74 = arith.constant 1 : i32
    %while3A_75 = arith.divsi %while3A_72, %while3A_74 : i32
    %while3A_76 = arith.muli %while3A_75, %while3A_74 : i32
    %while3A_77 = arith.addi %while3A_71, %while3A_76 : i32
    %while3A_78 = arith.constant 1 : i32
    scf.for %while3A_85 = %while3A_71 to %while3A_77 step %while3A_78  : i32 {
      %rem3A = arith.constant 2 : i32
      %rem3A_86 = arith.remsi %while3A_85, %rem3A : i32
      %mul3A_87 = arith.constant 8 : i32
      %mul3A_88 = arith.muli %rem3A_86, %mul3A_87 : i32
      %add3A_89 = arith.constant 1 : i32
      %add3A_90 = arith.addi %while3A_85, %add3A_89 : i32
      %rem3A_91 = arith.constant 2 : i32
      %rem3A_92 = arith.remsi %add3A_90, %rem3A_91 : i32
      %mul3A_93 = arith.constant 8 : i32
      %mul3A_94 = arith.muli %rem3A_92, %mul3A_93 : i32
      %add3A_95 = arith.constant 1 : i32
      %add3A_96 = arith.addi %while3A_85, %add3A_95 : i32
      %lt3A = arith.cmpi slt, %add3A_96, %select_n3A_7 : i32
      %convert_element_type3A_97 = arith.extui %lt3A : i1 to i32
      %cond3A_98 = arith.constant 0 : i32
      %cond3A_99 = arith.cmpi ne, %convert_element_type3A_97, %cond3A_98 : i32
      scf.if %cond3A_99 {
        %add3A_266 = arith.constant 1 : i32
        %add3A_267 = arith.addi %while3A_85, %add3A_266 : i32
        %add3A_268 = arith.constant 1 : i32
        %add3A_269 = arith.addi %while3A_85, %add3A_268 : i32
        %rem3A_270 = arith.constant 2 : i32
        %rem3A_271 = arith.remsi %add3A_269, %rem3A_270 : i32
        %mul3A_272 = arith.constant 8 : i32
        %mul3A_273 = arith.muli %add3A_267, %mul3A_272 : i32
        %multiple_of3A_274 = tpu.assume_multiple %mul3A_273, 8 : i32
        %mul3A_275 = arith.constant 8 : i32
        %mul3A_276 = arith.muli %rem3A_271, %mul3A_275 : i32
        %multiple_of3A_277 = tpu.assume_multiple %mul3A_276, 8 : i32
        %dma_wait3A_278 = arith.constant 0 : i32
        %dma_wait3A_279 = tpu.memref_slice %arg7[%multiple_of3A_277, %dma_wait3A_278] : memref<16x128xi32, #tpu.memory_space<vmem>> -> memref<8x128xi32, #tpu.memory_space<vmem>>
        %dma_wait3A_280 = arith.constant 0 : i32
        %dma_wait3A_281 = tpu.memref_slice %arg3[%add3A, %multiple_of3A_274, %dma_wait3A_280] : memref<32x80x128xi32, #tpu.memory_space<hbm>> -> memref<1x8x128xi32, #tpu.memory_space<hbm>>
        %dma_wait3A_282 = tpu.memref_squeeze %dma_wait3A_281 : memref<1x8x128xi32, #tpu.memory_space<hbm>> -> memref<8x128xi32, #tpu.memory_space<hbm>>
        %dma_wait3A_283 = arith.constant 0 : i32
        %dma_wait3A_284 = tpu.memref_slice %arg7[%multiple_of3A_277, %dma_wait3A_283] : memref<16x128xi32, #tpu.memory_space<vmem>> -> memref<8x128xi32, #tpu.memory_space<vmem>>
        %dma_wait3A_285 = arith.constant 0 : i32
        %dma_wait3A_286 = tpu.memref_slice %arg3[%add3A, %multiple_of3A_274, %dma_wait3A_285] : memref<32x80x128xi32, #tpu.memory_space<hbm>> -> memref<1x8x128xi32, #tpu.memory_space<hbm>>
        %dma_wait3A_287 = tpu.memref_squeeze %dma_wait3A_286 : memref<1x8x128xi32, #tpu.memory_space<hbm>> -> memref<8x128xi32, #tpu.memory_space<hbm>>
        tpu.wait_dma2 semaphore(%arg14 : memref<!tpu.dma_semaphore, #tpu.memory_space<semaphore_mem>>) src(%dma_wait3A_287 : memref<8x128xi32, #tpu.memory_space<hbm>>) dst(%dma_wait3A_284 : memref<8x128xi32, #tpu.memory_space<vmem>>)
        %dma_wait3A_288 = arith.constant 0 : i32
        %dma_wait3A_289 = tpu.memref_slice %arg8[%multiple_of3A_277, %dma_wait3A_288] : memref<16x128xi32, #tpu.memory_space<vmem>> -> memref<8x128xi32, #tpu.memory_space<vmem>>
        %dma_wait3A_290 = arith.constant 0 : i32
        %dma_wait3A_291 = tpu.memref_slice %arg4[%add3A, %multiple_of3A_274, %dma_wait3A_290] : memref<32x80x128xi32, #tpu.memory_space<hbm>> -> memref<1x8x128xi32, #tpu.memory_space<hbm>>
        %dma_wait3A_292 = tpu.memref_squeeze %dma_wait3A_291 : memref<1x8x128xi32, #tpu.memory_space<hbm>> -> memref<8x128xi32, #tpu.memory_space<hbm>>
        %dma_wait3A_293 = arith.constant 0 : i32
        %dma_wait3A_294 = tpu.memref_slice %arg8[%multiple_of3A_277, %dma_wait3A_293] : memref<16x128xi32, #tpu.memory_space<vmem>> -> memref<8x128xi32, #tpu.memory_space<vmem>>
        %dma_wait3A_295 = arith.constant 0 : i32
        %dma_wait3A_296 = tpu.memref_slice %arg4[%add3A, %multiple_of3A_274, %dma_wait3A_295] : memref<32x80x128xi32, #tpu.memory_space<hbm>> -> memref<1x8x128xi32, #tpu.memory_space<hbm>>
        %dma_wait3A_297 = tpu.memref_squeeze %dma_wait3A_296 : memref<1x8x128xi32, #tpu.memory_space<hbm>> -> memref<8x128xi32, #tpu.memory_space<hbm>>
        tpu.wait_dma2 semaphore(%arg14 : memref<!tpu.dma_semaphore, #tpu.memory_space<semaphore_mem>>) src(%dma_wait3A_297 : memref<8x128xi32, #tpu.memory_space<hbm>>) dst(%dma_wait3A_294 : memref<8x128xi32, #tpu.memory_space<vmem>>)
      } else {
      }
      %mul3A_100 = arith.constant 8 : i32
      %mul3A_101 = arith.muli %mul3A_100, %while3A_85 : i32
      %add3A_102 = arith.constant 0 : i32
      %add3A_103 = arith.addi %mul3A_101, %add3A_102 : i32
      %add3A_104 = arith.constant 0 : i32
      %add3A_105 = arith.addi %mul3A_88, %add3A_104 : i32
      %dma_wait3A_106 = arith.constant 0 : i32
      %dma_wait3A_107 = tpu.memref_slice %arg8[%add3A_105, %dma_wait3A_106] : memref<16x128xi32, #tpu.memory_space<vmem>> -> memref<1x128xi32, #tpu.memory_space<vmem>>
      %dma_wait3A_108 = tpu.memref_squeeze %dma_wait3A_107 : memref<1x128xi32, #tpu.memory_space<vmem>> -> memref<128xi32, #tpu.memory_space<vmem>>
      %dma_wait3A_109 = arith.constant 0 : i32
      %dma_wait3A_110 = arith.constant 0 : i32
      %dma_wait3A_111 = tpu.memref_slice %arg2[%dma_wait3A_109, %dma_wait3A_110] : memref<10000x128xf32, #tpu.memory_space<hbm>> -> memref<10000x128xf32, #tpu.memory_space<hbm>>
      tpu.wait_indirect_dma semaphore(%arg12 : memref<!tpu.dma_semaphore, #tpu.memory_space<semaphore_mem>>) src(%dma_wait3A_111 : memref<10000x128xf32, #tpu.memory_space<hbm>>) dst(%arg9 : memref<128x128xf32, #tpu.memory_space<vmem>>)
      %add3A_112 = arith.constant 0 : i32
      %add3A_113 = arith.addi %mul3A_88, %add3A_112 : i32
      "tpu.region"() ({
        %run_scoped3A = tpu.sem_alloc : memref<!tpu.dma_semaphore, #tpu.memory_space<semaphore_mem>>
        %dma_start3A_266 = arith.constant 0 : i32
        %dma_start3A_267 = tpu.memref_slice %arg7[%add3A_113, %dma_start3A_266] : memref<16x128xi32, #tpu.memory_space<vmem>> -> memref<1x128xi32, #tpu.memory_space<vmem>>
        %dma_start3A_268 = tpu.memref_squeeze %dma_start3A_267 : memref<1x128xi32, #tpu.memory_space<vmem>> -> memref<128xi32, #tpu.memory_space<vmem>>
        %dma_start3A_269 = arith.constant 0 : i32
        %dma_start3A_270 = arith.constant 0 : i32
        %dma_start3A_271 = tpu.memref_slice %arg11[%dma_start3A_269, %dma_start3A_270] : memref<10112x128xf32, #tpu.memory_space<vmem_shared>> -> memref<10112x128xf32, #tpu.memory_space<vmem_shared>>
        tpu.enqueue_indirect_dma source(%arg9 : memref<128x128xf32, #tpu.memory_space<vmem>>) target(%dma_start3A_271 : memref<10112x128xf32, #tpu.memory_space<vmem_shared>>) offsets(%dma_start3A_268 : memref<128xi32, #tpu.memory_space<vmem>>) semaphore(%run_scoped3A : memref<!tpu.dma_semaphore, #tpu.memory_space<semaphore_mem>>) {add = true}
        %dma_wait3A_272 = arith.constant 0 : i32
        %dma_wait3A_273 = tpu.memref_slice %arg7[%add3A_113, %dma_wait3A_272] : memref<16x128xi32, #tpu.memory_space<vmem>> -> memref<1x128xi32, #tpu.memory_space<vmem>>
        %dma_wait3A_274 = tpu.memref_squeeze %dma_wait3A_273 : memref<1x128xi32, #tpu.memory_space<vmem>> -> memref<128xi32, #tpu.memory_space<vmem>>
        %dma_wait3A_275 = arith.constant 0 : i32
        %dma_wait3A_276 = arith.constant 0 : i32
        %dma_wait3A_277 = tpu.memref_slice %arg11[%dma_wait3A_275, %dma_wait3A_276] : memref<10112x128xf32, #tpu.memory_space<vmem_shared>> -> memref<10112x128xf32, #tpu.memory_space<vmem_shared>>
        tpu.wait_indirect_dma semaphore(%run_scoped3A : memref<!tpu.dma_semaphore, #tpu.memory_space<semaphore_mem>>) src(%arg9 : memref<128x128xf32, #tpu.memory_space<vmem>>) dst(%dma_wait3A_277 : memref<10112x128xf32, #tpu.memory_space<vmem_shared>>)
        tpu.yield
      }) : () -> ()
      %add3A_114 = arith.constant 2 : i32
      %add3A_115 = arith.addi %add3A_103, %add3A_114 : i32
      %lt3A_116 = arith.cmpi slt, %add3A_115, %select_n3A : i32
      %convert_element_type3A_117 = arith.extui %lt3A_116 : i1 to i32
      %cond3A_118 = arith.constant 0 : i32
      %cond3A_119 = arith.cmpi ne, %convert_element_type3A_117, %cond3A_118 : i32
      scf.if %cond3A_119 {
        %add3A_266 = arith.constant 2 : i32
        %add3A_267 = arith.addi %mul3A_88, %add3A_266 : i32
        %dma_start3A_268 = arith.constant 0 : i32
        %dma_start3A_269 = tpu.memref_slice %arg8[%add3A_267, %dma_start3A_268] : memref<16x128xi32, #tpu.memory_space<vmem>> -> memref<1x128xi32, #tpu.memory_space<vmem>>
        %dma_start3A_270 = tpu.memref_squeeze %dma_start3A_269 : memref<1x128xi32, #tpu.memory_space<vmem>> -> memref<128xi32, #tpu.memory_space<vmem>>
        %dma_start3A_271 = arith.constant 0 : i32
        %dma_start3A_272 = arith.constant 0 : i32
        %dma_start3A_273 = tpu.memref_slice %arg2[%dma_start3A_271, %dma_start3A_272] : memref<10000x128xf32, #tpu.memory_space<hbm>> -> memref<10000x128xf32, #tpu.memory_space<hbm>>
        tpu.enqueue_indirect_dma source(%dma_start3A_273 : memref<10000x128xf32, #tpu.memory_space<hbm>>) target(%arg9 : memref<128x128xf32, #tpu.memory_space<vmem>>) offsets(%dma_start3A_270 : memref<128xi32, #tpu.memory_space<vmem>>) semaphore(%arg12 : memref<!tpu.dma_semaphore, #tpu.memory_space<semaphore_mem>>)
      } else {
      }
      %mul3A_120 = arith.constant 8 : i32
      %mul3A_121 = arith.muli %mul3A_120, %while3A_85 : i32
      %add3A_122 = arith.constant 1 : i32
      %add3A_123 = arith.addi %mul3A_121, %add3A_122 : i32
      %add3A_124 = arith.constant 1 : i32
      %add3A_125 = arith.addi %mul3A_88, %add3A_124 : i32
      %dma_wait3A_126 = arith.constant 0 : i32
      %dma_wait3A_127 = tpu.memref_slice %arg8[%add3A_125, %dma_wait3A_126] : memref<16x128xi32, #tpu.memory_space<vmem>> -> memref<1x128xi32, #tpu.memory_space<vmem>>
      %dma_wait3A_128 = tpu.memref_squeeze %dma_wait3A_127 : memref<1x128xi32, #tpu.memory_space<vmem>> -> memref<128xi32, #tpu.memory_space<vmem>>
      %dma_wait3A_129 = arith.constant 0 : i32
      %dma_wait3A_130 = arith.constant 0 : i32
      %dma_wait3A_131 = tpu.memref_slice %arg2[%dma_wait3A_129, %dma_wait3A_130] : memref<10000x128xf32, #tpu.memory_space<hbm>> -> memref<10000x128xf32, #tpu.memory_space<hbm>>
      tpu.wait_indirect_dma semaphore(%arg13 : memref<!tpu.dma_semaphore, #tpu.memory_space<semaphore_mem>>) src(%dma_wait3A_131 : memref<10000x128xf32, #tpu.memory_space<hbm>>) dst(%arg10 : memref<128x128xf32, #tpu.memory_space<vmem>>)
      %add3A_132 = arith.constant 1 : i32
      %add3A_133 = arith.addi %mul3A_88, %add3A_132 : i32
      "tpu.region"() ({
        %run_scoped3A = tpu.sem_alloc : memref<!tpu.dma_semaphore, #tpu.memory_space<semaphore_mem>>
        %dma_start3A_266 = arith.constant 0 : i32
        %dma_start3A_267 = tpu.memref_slice %arg7[%add3A_133, %dma_start3A_266] : memref<16x128xi32, #tpu.memory_space<vmem>> -> memref<1x128xi32, #tpu.memory_space<vmem>>
        %dma_start3A_268 = tpu.memref_squeeze %dma_start3A_267 : memref<1x128xi32, #tpu.memory_space<vmem>> -> memref<128xi32, #tpu.memory_space<vmem>>
        %dma_start3A_269 = arith.constant 0 : i32
        %dma_start3A_270 = arith.constant 0 : i32
        %dma_start3A_271 = tpu.memref_slice %arg11[%dma_start3A_269, %dma_start3A_270] : memref<10112x128xf32, #tpu.memory_space<vmem_shared>> -> memref<10112x128xf32, #tpu.memory_space<vmem_shared>>
        tpu.enqueue_indirect_dma source(%arg10 : memref<128x128xf32, #tpu.memory_space<vmem>>) target(%dma_start3A_271 : memref<10112x128xf32, #tpu.memory_space<vmem_shared>>) offsets(%dma_start3A_268 : memref<128xi32, #tpu.memory_space<vmem>>) semaphore(%run_scoped3A : memref<!tpu.dma_semaphore, #tpu.memory_space<semaphore_mem>>) {add = true}
        %dma_wait3A_272 = arith.constant 0 : i32
        %dma_wait3A_273 = tpu.memref_slice %arg7[%add3A_133, %dma_wait3A_272] : memref<16x128xi32, #tpu.memory_space<vmem>> -> memref<1x128xi32, #tpu.memory_space<vmem>>
        %dma_wait3A_274 = tpu.memref_squeeze %dma_wait3A_273 : memref<1x128xi32, #tpu.memory_space<vmem>> -> memref<128xi32, #tpu.memory_space<vmem>>
        %dma_wait3A_275 = arith.constant 0 : i32
        %dma_wait3A_276 = arith.constant 0 : i32
        %dma_wait3A_277 = tpu.memref_slice %arg11[%dma_wait3A_275, %dma_wait3A_276] : memref<10112x128xf32, #tpu.memory_space<vmem_shared>> -> memref<10112x128xf32, #tpu.memory_space<vmem_shared>>
        tpu.wait_indirect_dma semaphore(%run_scoped3A : memref<!tpu.dma_semaphore, #tpu.memory_space<semaphore_mem>>) src(%arg10 : memref<128x128xf32, #tpu.memory_space<vmem>>) dst(%dma_wait3A_277 : memref<10112x128xf32, #tpu.memory_space<vmem_shared>>)
        tpu.yield
      }) : () -> ()
      %add3A_134 = arith.constant 2 : i32
      %add3A_135 = arith.addi %add3A_123, %add3A_134 : i32
      %lt3A_136 = arith.cmpi slt, %add3A_135, %select_n3A : i32
      %convert_element_type3A_137 = arith.extui %lt3A_136 : i1 to i32
      %cond3A_138 = arith.constant 0 : i32
      %cond3A_139 = arith.cmpi ne, %convert_element_type3A_137, %cond3A_138 : i32
      scf.if %cond3A_139 {
        %add3A_266 = arith.constant 3 : i32
        %add3A_267 = arith.addi %mul3A_88, %add3A_266 : i32
        %dma_start3A_268 = arith.constant 0 : i32
        %dma_start3A_269 = tpu.memref_slice %arg8[%add3A_267, %dma_start3A_268] : memref<16x128xi32, #tpu.memory_space<vmem>> -> memref<1x128xi32, #tpu.memory_space<vmem>>
        %dma_start3A_270 = tpu.memref_squeeze %dma_start3A_269 : memref<1x128xi32, #tpu.memory_space<vmem>> -> memref<128xi32, #tpu.memory_space<vmem>>
        %dma_start3A_271 = arith.constant 0 : i32
        %dma_start3A_272 = arith.constant 0 : i32
        %dma_start3A_273 = tpu.memref_slice %arg2[%dma_start3A_271, %dma_start3A_272] : memref<10000x128xf32, #tpu.memory_space<hbm>> -> memref<10000x128xf32, #tpu.memory_space<hbm>>
        tpu.enqueue_indirect_dma source(%dma_start3A_273 : memref<10000x128xf32, #tpu.memory_space<hbm>>) target(%arg10 : memref<128x128xf32, #tpu.memory_space<vmem>>) offsets(%dma_start3A_270 : memref<128xi32, #tpu.memory_space<vmem>>) semaphore(%arg13 : memref<!tpu.dma_semaphore, #tpu.memory_space<semaphore_mem>>)
      } else {
      }
      %mul3A_140 = arith.constant 8 : i32
      %mul3A_141 = arith.muli %mul3A_140, %while3A_85 : i32
      %add3A_142 = arith.constant 2 : i32
      %add3A_143 = arith.addi %mul3A_141, %add3A_142 : i32
      %add3A_144 = arith.constant 2 : i32
      %add3A_145 = arith.addi %mul3A_88, %add3A_144 : i32
      %dma_wait3A_146 = arith.constant 0 : i32
      %dma_wait3A_147 = tpu.memref_slice %arg8[%add3A_145, %dma_wait3A_146] : memref<16x128xi32, #tpu.memory_space<vmem>> -> memref<1x128xi32, #tpu.memory_space<vmem>>
      %dma_wait3A_148 = tpu.memref_squeeze %dma_wait3A_147 : memref<1x128xi32, #tpu.memory_space<vmem>> -> memref<128xi32, #tpu.memory_space<vmem>>
      %dma_wait3A_149 = arith.constant 0 : i32
      %dma_wait3A_150 = arith.constant 0 : i32
      %dma_wait3A_151 = tpu.memref_slice %arg2[%dma_wait3A_149, %dma_wait3A_150] : memref<10000x128xf32, #tpu.memory_space<hbm>> -> memref<10000x128xf32, #tpu.memory_space<hbm>>
      tpu.wait_indirect_dma semaphore(%arg12 : memref<!tpu.dma_semaphore, #tpu.memory_space<semaphore_mem>>) src(%dma_wait3A_151 : memref<10000x128xf32, #tpu.memory_space<hbm>>) dst(%arg9 : memref<128x128xf32, #tpu.memory_space<vmem>>)
      %add3A_152 = arith.constant 2 : i32
      %add3A_153 = arith.addi %mul3A_88, %add3A_152 : i32
      "tpu.region"() ({
        %run_scoped3A = tpu.sem_alloc : memref<!tpu.dma_semaphore, #tpu.memory_space<semaphore_mem>>
        %dma_start3A_266 = arith.constant 0 : i32
        %dma_start3A_267 = tpu.memref_slice %arg7[%add3A_153, %dma_start3A_266] : memref<16x128xi32, #tpu.memory_space<vmem>> -> memref<1x128xi32, #tpu.memory_space<vmem>>
        %dma_start3A_268 = tpu.memref_squeeze %dma_start3A_267 : memref<1x128xi32, #tpu.memory_space<vmem>> -> memref<128xi32, #tpu.memory_space<vmem>>
        %dma_start3A_269 = arith.constant 0 : i32
        %dma_start3A_270 = arith.constant 0 : i32
        %dma_start3A_271 = tpu.memref_slice %arg11[%dma_start3A_269, %dma_start3A_270] : memref<10112x128xf32, #tpu.memory_space<vmem_shared>> -> memref<10112x128xf32, #tpu.memory_space<vmem_shared>>
        tpu.enqueue_indirect_dma source(%arg9 : memref<128x128xf32, #tpu.memory_space<vmem>>) target(%dma_start3A_271 : memref<10112x128xf32, #tpu.memory_space<vmem_shared>>) offsets(%dma_start3A_268 : memref<128xi32, #tpu.memory_space<vmem>>) semaphore(%run_scoped3A : memref<!tpu.dma_semaphore, #tpu.memory_space<semaphore_mem>>) {add = true}
        %dma_wait3A_272 = arith.constant 0 : i32
        %dma_wait3A_273 = tpu.memref_slice %arg7[%add3A_153, %dma_wait3A_272] : memref<16x128xi32, #tpu.memory_space<vmem>> -> memref<1x128xi32, #tpu.memory_space<vmem>>
        %dma_wait3A_274 = tpu.memref_squeeze %dma_wait3A_273 : memref<1x128xi32, #tpu.memory_space<vmem>> -> memref<128xi32, #tpu.memory_space<vmem>>
        %dma_wait3A_275 = arith.constant 0 : i32
        %dma_wait3A_276 = arith.constant 0 : i32
        %dma_wait3A_277 = tpu.memref_slice %arg11[%dma_wait3A_275, %dma_wait3A_276] : memref<10112x128xf32, #tpu.memory_space<vmem_shared>> -> memref<10112x128xf32, #tpu.memory_space<vmem_shared>>
        tpu.wait_indirect_dma semaphore(%run_scoped3A : memref<!tpu.dma_semaphore, #tpu.memory_space<semaphore_mem>>) src(%arg9 : memref<128x128xf32, #tpu.memory_space<vmem>>) dst(%dma_wait3A_277 : memref<10112x128xf32, #tpu.memory_space<vmem_shared>>)
        tpu.yield
      }) : () -> ()
      %add3A_154 = arith.constant 2 : i32
      %add3A_155 = arith.addi %add3A_143, %add3A_154 : i32
      %lt3A_156 = arith.cmpi slt, %add3A_155, %select_n3A : i32
      %convert_element_type3A_157 = arith.extui %lt3A_156 : i1 to i32
      %cond3A_158 = arith.constant 0 : i32
      %cond3A_159 = arith.cmpi ne, %convert_element_type3A_157, %cond3A_158 : i32
      scf.if %cond3A_159 {
        %add3A_266 = arith.constant 4 : i32
        %add3A_267 = arith.addi %mul3A_88, %add3A_266 : i32
        %dma_start3A_268 = arith.constant 0 : i32
        %dma_start3A_269 = tpu.memref_slice %arg8[%add3A_267, %dma_start3A_268] : memref<16x128xi32, #tpu.memory_space<vmem>> -> memref<1x128xi32, #tpu.memory_space<vmem>>
        %dma_start3A_270 = tpu.memref_squeeze %dma_start3A_269 : memref<1x128xi32, #tpu.memory_space<vmem>> -> memref<128xi32, #tpu.memory_space<vmem>>
        %dma_start3A_271 = arith.constant 0 : i32
        %dma_start3A_272 = arith.constant 0 : i32
        %dma_start3A_273 = tpu.memref_slice %arg2[%dma_start3A_271, %dma_start3A_272] : memref<10000x128xf32, #tpu.memory_space<hbm>> -> memref<10000x128xf32, #tpu.memory_space<hbm>>
        tpu.enqueue_indirect_dma source(%dma_start3A_273 : memref<10000x128xf32, #tpu.memory_space<hbm>>) target(%arg9 : memref<128x128xf32, #tpu.memory_space<vmem>>) offsets(%dma_start3A_270 : memref<128xi32, #tpu.memory_space<vmem>>) semaphore(%arg12 : memref<!tpu.dma_semaphore, #tpu.memory_space<semaphore_mem>>)
      } else {
      }
      %mul3A_160 = arith.constant 8 : i32
      %mul3A_161 = arith.muli %mul3A_160, %while3A_85 : i32
      %add3A_162 = arith.constant 3 : i32
      %add3A_163 = arith.addi %mul3A_161, %add3A_162 : i32
      %add3A_164 = arith.constant 3 : i32
      %add3A_165 = arith.addi %mul3A_88, %add3A_164 : i32
      %dma_wait3A_166 = arith.constant 0 : i32
      %dma_wait3A_167 = tpu.memref_slice %arg8[%add3A_165, %dma_wait3A_166] : memref<16x128xi32, #tpu.memory_space<vmem>> -> memref<1x128xi32, #tpu.memory_space<vmem>>
      %dma_wait3A_168 = tpu.memref_squeeze %dma_wait3A_167 : memref<1x128xi32, #tpu.memory_space<vmem>> -> memref<128xi32, #tpu.memory_space<vmem>>
      %dma_wait3A_169 = arith.constant 0 : i32
      %dma_wait3A_170 = arith.constant 0 : i32
      %dma_wait3A_171 = tpu.memref_slice %arg2[%dma_wait3A_169, %dma_wait3A_170] : memref<10000x128xf32, #tpu.memory_space<hbm>> -> memref<10000x128xf32, #tpu.memory_space<hbm>>
      tpu.wait_indirect_dma semaphore(%arg13 : memref<!tpu.dma_semaphore, #tpu.memory_space<semaphore_mem>>) src(%dma_wait3A_171 : memref<10000x128xf32, #tpu.memory_space<hbm>>) dst(%arg10 : memref<128x128xf32, #tpu.memory_space<vmem>>)
      %add3A_172 = arith.constant 3 : i32
      %add3A_173 = arith.addi %mul3A_88, %add3A_172 : i32
      "tpu.region"() ({
        %run_scoped3A = tpu.sem_alloc : memref<!tpu.dma_semaphore, #tpu.memory_space<semaphore_mem>>
        %dma_start3A_266 = arith.constant 0 : i32
        %dma_start3A_267 = tpu.memref_slice %arg7[%add3A_173, %dma_start3A_266] : memref<16x128xi32, #tpu.memory_space<vmem>> -> memref<1x128xi32, #tpu.memory_space<vmem>>
        %dma_start3A_268 = tpu.memref_squeeze %dma_start3A_267 : memref<1x128xi32, #tpu.memory_space<vmem>> -> memref<128xi32, #tpu.memory_space<vmem>>
        %dma_start3A_269 = arith.constant 0 : i32
        %dma_start3A_270 = arith.constant 0 : i32
        %dma_start3A_271 = tpu.memref_slice %arg11[%dma_start3A_269, %dma_start3A_270] : memref<10112x128xf32, #tpu.memory_space<vmem_shared>> -> memref<10112x128xf32, #tpu.memory_space<vmem_shared>>
        tpu.enqueue_indirect_dma source(%arg10 : memref<128x128xf32, #tpu.memory_space<vmem>>) target(%dma_start3A_271 : memref<10112x128xf32, #tpu.memory_space<vmem_shared>>) offsets(%dma_start3A_268 : memref<128xi32, #tpu.memory_space<vmem>>) semaphore(%run_scoped3A : memref<!tpu.dma_semaphore, #tpu.memory_space<semaphore_mem>>) {add = true}
        %dma_wait3A_272 = arith.constant 0 : i32
        %dma_wait3A_273 = tpu.memref_slice %arg7[%add3A_173, %dma_wait3A_272] : memref<16x128xi32, #tpu.memory_space<vmem>> -> memref<1x128xi32, #tpu.memory_space<vmem>>
        %dma_wait3A_274 = tpu.memref_squeeze %dma_wait3A_273 : memref<1x128xi32, #tpu.memory_space<vmem>> -> memref<128xi32, #tpu.memory_space<vmem>>
        %dma_wait3A_275 = arith.constant 0 : i32
        %dma_wait3A_276 = arith.constant 0 : i32
        %dma_wait3A_277 = tpu.memref_slice %arg11[%dma_wait3A_275, %dma_wait3A_276] : memref<10112x128xf32, #tpu.memory_space<vmem_shared>> -> memref<10112x128xf32, #tpu.memory_space<vmem_shared>>
        tpu.wait_indirect_dma semaphore(%run_scoped3A : memref<!tpu.dma_semaphore, #tpu.memory_space<semaphore_mem>>) src(%arg10 : memref<128x128xf32, #tpu.memory_space<vmem>>) dst(%dma_wait3A_277 : memref<10112x128xf32, #tpu.memory_space<vmem_shared>>)
        tpu.yield
      }) : () -> ()
      %add3A_174 = arith.constant 2 : i32
      %add3A_175 = arith.addi %add3A_163, %add3A_174 : i32
      %lt3A_176 = arith.cmpi slt, %add3A_175, %select_n3A : i32
      %convert_element_type3A_177 = arith.extui %lt3A_176 : i1 to i32
      %cond3A_178 = arith.constant 0 : i32
      %cond3A_179 = arith.cmpi ne, %convert_element_type3A_177, %cond3A_178 : i32
      scf.if %cond3A_179 {
        %add3A_266 = arith.constant 5 : i32
        %add3A_267 = arith.addi %mul3A_88, %add3A_266 : i32
        %dma_start3A_268 = arith.constant 0 : i32
        %dma_start3A_269 = tpu.memref_slice %arg8[%add3A_267, %dma_start3A_268] : memref<16x128xi32, #tpu.memory_space<vmem>> -> memref<1x128xi32, #tpu.memory_space<vmem>>
        %dma_start3A_270 = tpu.memref_squeeze %dma_start3A_269 : memref<1x128xi32, #tpu.memory_space<vmem>> -> memref<128xi32, #tpu.memory_space<vmem>>
        %dma_start3A_271 = arith.constant 0 : i32
        %dma_start3A_272 = arith.constant 0 : i32
        %dma_start3A_273 = tpu.memref_slice %arg2[%dma_start3A_271, %dma_start3A_272] : memref<10000x128xf32, #tpu.memory_space<hbm>> -> memref<10000x128xf32, #tpu.memory_space<hbm>>
        tpu.enqueue_indirect_dma source(%dma_start3A_273 : memref<10000x128xf32, #tpu.memory_space<hbm>>) target(%arg10 : memref<128x128xf32, #tpu.memory_space<vmem>>) offsets(%dma_start3A_270 : memref<128xi32, #tpu.memory_space<vmem>>) semaphore(%arg13 : memref<!tpu.dma_semaphore, #tpu.memory_space<semaphore_mem>>)
      } else {
      }
      %mul3A_180 = arith.constant 8 : i32
      %mul3A_181 = arith.muli %mul3A_180, %while3A_85 : i32
      %add3A_182 = arith.constant 4 : i32
      %add3A_183 = arith.addi %mul3A_181, %add3A_182 : i32
      %add3A_184 = arith.constant 4 : i32
      %add3A_185 = arith.addi %mul3A_88, %add3A_184 : i32
      %dma_wait3A_186 = arith.constant 0 : i32
      %dma_wait3A_187 = tpu.memref_slice %arg8[%add3A_185, %dma_wait3A_186] : memref<16x128xi32, #tpu.memory_space<vmem>> -> memref<1x128xi32, #tpu.memory_space<vmem>>
      %dma_wait3A_188 = tpu.memref_squeeze %dma_wait3A_187 : memref<1x128xi32, #tpu.memory_space<vmem>> -> memref<128xi32, #tpu.memory_space<vmem>>
      %dma_wait3A_189 = arith.constant 0 : i32
      %dma_wait3A_190 = arith.constant 0 : i32
      %dma_wait3A_191 = tpu.memref_slice %arg2[%dma_wait3A_189, %dma_wait3A_190] : memref<10000x128xf32, #tpu.memory_space<hbm>> -> memref<10000x128xf32, #tpu.memory_space<hbm>>
      tpu.wait_indirect_dma semaphore(%arg12 : memref<!tpu.dma_semaphore, #tpu.memory_space<semaphore_mem>>) src(%dma_wait3A_191 : memref<10000x128xf32, #tpu.memory_space<hbm>>) dst(%arg9 : memref<128x128xf32, #tpu.memory_space<vmem>>)
      %add3A_192 = arith.constant 4 : i32
      %add3A_193 = arith.addi %mul3A_88, %add3A_192 : i32
      "tpu.region"() ({
        %run_scoped3A = tpu.sem_alloc : memref<!tpu.dma_semaphore, #tpu.memory_space<semaphore_mem>>
        %dma_start3A_266 = arith.constant 0 : i32
        %dma_start3A_267 = tpu.memref_slice %arg7[%add3A_193, %dma_start3A_266] : memref<16x128xi32, #tpu.memory_space<vmem>> -> memref<1x128xi32, #tpu.memory_space<vmem>>
        %dma_start3A_268 = tpu.memref_squeeze %dma_start3A_267 : memref<1x128xi32, #tpu.memory_space<vmem>> -> memref<128xi32, #tpu.memory_space<vmem>>
        %dma_start3A_269 = arith.constant 0 : i32
        %dma_start3A_270 = arith.constant 0 : i32
        %dma_start3A_271 = tpu.memref_slice %arg11[%dma_start3A_269, %dma_start3A_270] : memref<10112x128xf32, #tpu.memory_space<vmem_shared>> -> memref<10112x128xf32, #tpu.memory_space<vmem_shared>>
        tpu.enqueue_indirect_dma source(%arg9 : memref<128x128xf32, #tpu.memory_space<vmem>>) target(%dma_start3A_271 : memref<10112x128xf32, #tpu.memory_space<vmem_shared>>) offsets(%dma_start3A_268 : memref<128xi32, #tpu.memory_space<vmem>>) semaphore(%run_scoped3A : memref<!tpu.dma_semaphore, #tpu.memory_space<semaphore_mem>>) {add = true}
        %dma_wait3A_272 = arith.constant 0 : i32
        %dma_wait3A_273 = tpu.memref_slice %arg7[%add3A_193, %dma_wait3A_272] : memref<16x128xi32, #tpu.memory_space<vmem>> -> memref<1x128xi32, #tpu.memory_space<vmem>>
        %dma_wait3A_274 = tpu.memref_squeeze %dma_wait3A_273 : memref<1x128xi32, #tpu.memory_space<vmem>> -> memref<128xi32, #tpu.memory_space<vmem>>
        %dma_wait3A_275 = arith.constant 0 : i32
        %dma_wait3A_276 = arith.constant 0 : i32
        %dma_wait3A_277 = tpu.memref_slice %arg11[%dma_wait3A_275, %dma_wait3A_276] : memref<10112x128xf32, #tpu.memory_space<vmem_shared>> -> memref<10112x128xf32, #tpu.memory_space<vmem_shared>>
        tpu.wait_indirect_dma semaphore(%run_scoped3A : memref<!tpu.dma_semaphore, #tpu.memory_space<semaphore_mem>>) src(%arg9 : memref<128x128xf32, #tpu.memory_space<vmem>>) dst(%dma_wait3A_277 : memref<10112x128xf32, #tpu.memory_space<vmem_shared>>)
        tpu.yield
      }) : () -> ()
      %add3A_194 = arith.constant 2 : i32
      %add3A_195 = arith.addi %add3A_183, %add3A_194 : i32
      %lt3A_196 = arith.cmpi slt, %add3A_195, %select_n3A : i32
      %convert_element_type3A_197 = arith.extui %lt3A_196 : i1 to i32
      %cond3A_198 = arith.constant 0 : i32
      %cond3A_199 = arith.cmpi ne, %convert_element_type3A_197, %cond3A_198 : i32
      scf.if %cond3A_199 {
        %add3A_266 = arith.constant 6 : i32
        %add3A_267 = arith.addi %mul3A_88, %add3A_266 : i32
        %dma_start3A_268 = arith.constant 0 : i32
        %dma_start3A_269 = tpu.memref_slice %arg8[%add3A_267, %dma_start3A_268] : memref<16x128xi32, #tpu.memory_space<vmem>> -> memref<1x128xi32, #tpu.memory_space<vmem>>
        %dma_start3A_270 = tpu.memref_squeeze %dma_start3A_269 : memref<1x128xi32, #tpu.memory_space<vmem>> -> memref<128xi32, #tpu.memory_space<vmem>>
        %dma_start3A_271 = arith.constant 0 : i32
        %dma_start3A_272 = arith.constant 0 : i32
        %dma_start3A_273 = tpu.memref_slice %arg2[%dma_start3A_271, %dma_start3A_272] : memref<10000x128xf32, #tpu.memory_space<hbm>> -> memref<10000x128xf32, #tpu.memory_space<hbm>>
        tpu.enqueue_indirect_dma source(%dma_start3A_273 : memref<10000x128xf32, #tpu.memory_space<hbm>>) target(%arg9 : memref<128x128xf32, #tpu.memory_space<vmem>>) offsets(%dma_start3A_270 : memref<128xi32, #tpu.memory_space<vmem>>) semaphore(%arg12 : memref<!tpu.dma_semaphore, #tpu.memory_space<semaphore_mem>>)
      } else {
      }
      %mul3A_200 = arith.constant 8 : i32
      %mul3A_201 = arith.muli %mul3A_200, %while3A_85 : i32
      %add3A_202 = arith.constant 5 : i32
      %add3A_203 = arith.addi %mul3A_201, %add3A_202 : i32
      %add3A_204 = arith.constant 5 : i32
      %add3A_205 = arith.addi %mul3A_88, %add3A_204 : i32
      %dma_wait3A_206 = arith.constant 0 : i32
      %dma_wait3A_207 = tpu.memref_slice %arg8[%add3A_205, %dma_wait3A_206] : memref<16x128xi32, #tpu.memory_space<vmem>> -> memref<1x128xi32, #tpu.memory_space<vmem>>
      %dma_wait3A_208 = tpu.memref_squeeze %dma_wait3A_207 : memref<1x128xi32, #tpu.memory_space<vmem>> -> memref<128xi32, #tpu.memory_space<vmem>>
      %dma_wait3A_209 = arith.constant 0 : i32
      %dma_wait3A_210 = arith.constant 0 : i32
      %dma_wait3A_211 = tpu.memref_slice %arg2[%dma_wait3A_209, %dma_wait3A_210] : memref<10000x128xf32, #tpu.memory_space<hbm>> -> memref<10000x128xf32, #tpu.memory_space<hbm>>
      tpu.wait_indirect_dma semaphore(%arg13 : memref<!tpu.dma_semaphore, #tpu.memory_space<semaphore_mem>>) src(%dma_wait3A_211 : memref<10000x128xf32, #tpu.memory_space<hbm>>) dst(%arg10 : memref<128x128xf32, #tpu.memory_space<vmem>>)
      %add3A_212 = arith.constant 5 : i32
      %add3A_213 = arith.addi %mul3A_88, %add3A_212 : i32
      "tpu.region"() ({
        %run_scoped3A = tpu.sem_alloc : memref<!tpu.dma_semaphore, #tpu.memory_space<semaphore_mem>>
        %dma_start3A_266 = arith.constant 0 : i32
        %dma_start3A_267 = tpu.memref_slice %arg7[%add3A_213, %dma_start3A_266] : memref<16x128xi32, #tpu.memory_space<vmem>> -> memref<1x128xi32, #tpu.memory_space<vmem>>
        %dma_start3A_268 = tpu.memref_squeeze %dma_start3A_267 : memref<1x128xi32, #tpu.memory_space<vmem>> -> memref<128xi32, #tpu.memory_space<vmem>>
        %dma_start3A_269 = arith.constant 0 : i32
        %dma_start3A_270 = arith.constant 0 : i32
        %dma_start3A_271 = tpu.memref_slice %arg11[%dma_start3A_269, %dma_start3A_270] : memref<10112x128xf32, #tpu.memory_space<vmem_shared>> -> memref<10112x128xf32, #tpu.memory_space<vmem_shared>>
        tpu.enqueue_indirect_dma source(%arg10 : memref<128x128xf32, #tpu.memory_space<vmem>>) target(%dma_start3A_271 : memref<10112x128xf32, #tpu.memory_space<vmem_shared>>) offsets(%dma_start3A_268 : memref<128xi32, #tpu.memory_space<vmem>>) semaphore(%run_scoped3A : memref<!tpu.dma_semaphore, #tpu.memory_space<semaphore_mem>>) {add = true}
        %dma_wait3A_272 = arith.constant 0 : i32
        %dma_wait3A_273 = tpu.memref_slice %arg7[%add3A_213, %dma_wait3A_272] : memref<16x128xi32, #tpu.memory_space<vmem>> -> memref<1x128xi32, #tpu.memory_space<vmem>>
        %dma_wait3A_274 = tpu.memref_squeeze %dma_wait3A_273 : memref<1x128xi32, #tpu.memory_space<vmem>> -> memref<128xi32, #tpu.memory_space<vmem>>
        %dma_wait3A_275 = arith.constant 0 : i32
        %dma_wait3A_276 = arith.constant 0 : i32
        %dma_wait3A_277 = tpu.memref_slice %arg11[%dma_wait3A_275, %dma_wait3A_276] : memref<10112x128xf32, #tpu.memory_space<vmem_shared>> -> memref<10112x128xf32, #tpu.memory_space<vmem_shared>>
        tpu.wait_indirect_dma semaphore(%run_scoped3A : memref<!tpu.dma_semaphore, #tpu.memory_space<semaphore_mem>>) src(%arg10 : memref<128x128xf32, #tpu.memory_space<vmem>>) dst(%dma_wait3A_277 : memref<10112x128xf32, #tpu.memory_space<vmem_shared>>)
        tpu.yield
      }) : () -> ()
      %add3A_214 = arith.constant 2 : i32
      %add3A_215 = arith.addi %add3A_203, %add3A_214 : i32
      %lt3A_216 = arith.cmpi slt, %add3A_215, %select_n3A : i32
      %convert_element_type3A_217 = arith.extui %lt3A_216 : i1 to i32
      %cond3A_218 = arith.constant 0 : i32
      %cond3A_219 = arith.cmpi ne, %convert_element_type3A_217, %cond3A_218 : i32
      scf.if %cond3A_219 {
        %add3A_266 = arith.constant 7 : i32
        %add3A_267 = arith.addi %mul3A_88, %add3A_266 : i32
        %dma_start3A_268 = arith.constant 0 : i32
        %dma_start3A_269 = tpu.memref_slice %arg8[%add3A_267, %dma_start3A_268] : memref<16x128xi32, #tpu.memory_space<vmem>> -> memref<1x128xi32, #tpu.memory_space<vmem>>
        %dma_start3A_270 = tpu.memref_squeeze %dma_start3A_269 : memref<1x128xi32, #tpu.memory_space<vmem>> -> memref<128xi32, #tpu.memory_space<vmem>>
        %dma_start3A_271 = arith.constant 0 : i32
        %dma_start3A_272 = arith.constant 0 : i32
        %dma_start3A_273 = tpu.memref_slice %arg2[%dma_start3A_271, %dma_start3A_272] : memref<10000x128xf32, #tpu.memory_space<hbm>> -> memref<10000x128xf32, #tpu.memory_space<hbm>>
        tpu.enqueue_indirect_dma source(%dma_start3A_273 : memref<10000x128xf32, #tpu.memory_space<hbm>>) target(%arg10 : memref<128x128xf32, #tpu.memory_space<vmem>>) offsets(%dma_start3A_270 : memref<128xi32, #tpu.memory_space<vmem>>) semaphore(%arg13 : memref<!tpu.dma_semaphore, #tpu.memory_space<semaphore_mem>>)
      } else {
      }
      %mul3A_220 = arith.constant 8 : i32
      %mul3A_221 = arith.muli %mul3A_220, %while3A_85 : i32
      %add3A_222 = arith.constant 6 : i32
      %add3A_223 = arith.addi %mul3A_221, %add3A_222 : i32
      %add3A_224 = arith.constant 6 : i32
      %add3A_225 = arith.addi %mul3A_88, %add3A_224 : i32
      %dma_wait3A_226 = arith.constant 0 : i32
      %dma_wait3A_227 = tpu.memref_slice %arg8[%add3A_225, %dma_wait3A_226] : memref<16x128xi32, #tpu.memory_space<vmem>> -> memref<1x128xi32, #tpu.memory_space<vmem>>
      %dma_wait3A_228 = tpu.memref_squeeze %dma_wait3A_227 : memref<1x128xi32, #tpu.memory_space<vmem>> -> memref<128xi32, #tpu.memory_space<vmem>>
      %dma_wait3A_229 = arith.constant 0 : i32
      %dma_wait3A_230 = arith.constant 0 : i32
      %dma_wait3A_231 = tpu.memref_slice %arg2[%dma_wait3A_229, %dma_wait3A_230] : memref<10000x128xf32, #tpu.memory_space<hbm>> -> memref<10000x128xf32, #tpu.memory_space<hbm>>
      tpu.wait_indirect_dma semaphore(%arg12 : memref<!tpu.dma_semaphore, #tpu.memory_space<semaphore_mem>>) src(%dma_wait3A_231 : memref<10000x128xf32, #tpu.memory_space<hbm>>) dst(%arg9 : memref<128x128xf32, #tpu.memory_space<vmem>>)
      %add3A_232 = arith.constant 6 : i32
      %add3A_233 = arith.addi %mul3A_88, %add3A_232 : i32
      "tpu.region"() ({
        %run_scoped3A = tpu.sem_alloc : memref<!tpu.dma_semaphore, #tpu.memory_space<semaphore_mem>>
        %dma_start3A_266 = arith.constant 0 : i32
        %dma_start3A_267 = tpu.memref_slice %arg7[%add3A_233, %dma_start3A_266] : memref<16x128xi32, #tpu.memory_space<vmem>> -> memref<1x128xi32, #tpu.memory_space<vmem>>
        %dma_start3A_268 = tpu.memref_squeeze %dma_start3A_267 : memref<1x128xi32, #tpu.memory_space<vmem>> -> memref<128xi32, #tpu.memory_space<vmem>>
        %dma_start3A_269 = arith.constant 0 : i32
        %dma_start3A_270 = arith.constant 0 : i32
        %dma_start3A_271 = tpu.memref_slice %arg11[%dma_start3A_269, %dma_start3A_270] : memref<10112x128xf32, #tpu.memory_space<vmem_shared>> -> memref<10112x128xf32, #tpu.memory_space<vmem_shared>>
        tpu.enqueue_indirect_dma source(%arg9 : memref<128x128xf32, #tpu.memory_space<vmem>>) target(%dma_start3A_271 : memref<10112x128xf32, #tpu.memory_space<vmem_shared>>) offsets(%dma_start3A_268 : memref<128xi32, #tpu.memory_space<vmem>>) semaphore(%run_scoped3A : memref<!tpu.dma_semaphore, #tpu.memory_space<semaphore_mem>>) {add = true}
        %dma_wait3A_272 = arith.constant 0 : i32
        %dma_wait3A_273 = tpu.memref_slice %arg7[%add3A_233, %dma_wait3A_272] : memref<16x128xi32, #tpu.memory_space<vmem>> -> memref<1x128xi32, #tpu.memory_space<vmem>>
        %dma_wait3A_274 = tpu.memref_squeeze %dma_wait3A_273 : memref<1x128xi32, #tpu.memory_space<vmem>> -> memref<128xi32, #tpu.memory_space<vmem>>
        %dma_wait3A_275 = arith.constant 0 : i32
        %dma_wait3A_276 = arith.constant 0 : i32
        %dma_wait3A_277 = tpu.memref_slice %arg11[%dma_wait3A_275, %dma_wait3A_276] : memref<10112x128xf32, #tpu.memory_space<vmem_shared>> -> memref<10112x128xf32, #tpu.memory_space<vmem_shared>>
        tpu.wait_indirect_dma semaphore(%run_scoped3A : memref<!tpu.dma_semaphore, #tpu.memory_space<semaphore_mem>>) src(%arg9 : memref<128x128xf32, #tpu.memory_space<vmem>>) dst(%dma_wait3A_277 : memref<10112x128xf32, #tpu.memory_space<vmem_shared>>)
        tpu.yield
      }) : () -> ()
      %add3A_234 = arith.constant 2 : i32
      %add3A_235 = arith.addi %add3A_223, %add3A_234 : i32
      %lt3A_236 = arith.cmpi slt, %add3A_235, %select_n3A : i32
      %convert_element_type3A_237 = arith.extui %lt3A_236 : i1 to i32
      %cond3A_238 = arith.constant 0 : i32
      %cond3A_239 = arith.cmpi ne, %convert_element_type3A_237, %cond3A_238 : i32
      scf.if %cond3A_239 {
        %add3A_266 = arith.constant 0 : i32
        %add3A_267 = arith.addi %mul3A_94, %add3A_266 : i32
        %dma_start3A_268 = arith.constant 0 : i32
        %dma_start3A_269 = tpu.memref_slice %arg8[%add3A_267, %dma_start3A_268] : memref<16x128xi32, #tpu.memory_space<vmem>> -> memref<1x128xi32, #tpu.memory_space<vmem>>
        %dma_start3A_270 = tpu.memref_squeeze %dma_start3A_269 : memref<1x128xi32, #tpu.memory_space<vmem>> -> memref<128xi32, #tpu.memory_space<vmem>>
        %dma_start3A_271 = arith.constant 0 : i32
        %dma_start3A_272 = arith.constant 0 : i32
        %dma_start3A_273 = tpu.memref_slice %arg2[%dma_start3A_271, %dma_start3A_272] : memref<10000x128xf32, #tpu.memory_space<hbm>> -> memref<10000x128xf32, #tpu.memory_space<hbm>>
        tpu.enqueue_indirect_dma source(%dma_start3A_273 : memref<10000x128xf32, #tpu.memory_space<hbm>>) target(%arg9 : memref<128x128xf32, #tpu.memory_space<vmem>>) offsets(%dma_start3A_270 : memref<128xi32, #tpu.memory_space<vmem>>) semaphore(%arg12 : memref<!tpu.dma_semaphore, #tpu.memory_space<semaphore_mem>>)
      } else {
      }
      %mul3A_240 = arith.constant 8 : i32
      %mul3A_241 = arith.muli %mul3A_240, %while3A_85 : i32
      %add3A_242 = arith.constant 7 : i32
      %add3A_243 = arith.addi %mul3A_241, %add3A_242 : i32
      %add3A_244 = arith.constant 7 : i32
      %add3A_245 = arith.addi %mul3A_88, %add3A_244 : i32
      %dma_wait3A_246 = arith.constant 0 : i32
      %dma_wait3A_247 = tpu.memref_slice %arg8[%add3A_245, %dma_wait3A_246] : memref<16x128xi32, #tpu.memory_space<vmem>> -> memref<1x128xi32, #tpu.memory_space<vmem>>
      %dma_wait3A_248 = tpu.memref_squeeze %dma_wait3A_247 : memref<1x128xi32, #tpu.memory_space<vmem>> -> memref<128xi32, #tpu.memory_space<vmem>>
      %dma_wait3A_249 = arith.constant 0 : i32
      %dma_wait3A_250 = arith.constant 0 : i32
      %dma_wait3A_251 = tpu.memref_slice %arg2[%dma_wait3A_249, %dma_wait3A_250] : memref<10000x128xf32, #tpu.memory_space<hbm>> -> memref<10000x128xf32, #tpu.memory_space<hbm>>
      tpu.wait_indirect_dma semaphore(%arg13 : memref<!tpu.dma_semaphore, #tpu.memory_space<semaphore_mem>>) src(%dma_wait3A_251 : memref<10000x128xf32, #tpu.memory_space<hbm>>) dst(%arg10 : memref<128x128xf32, #tpu.memory_space<vmem>>)
      %add3A_252 = arith.constant 7 : i32
      %add3A_253 = arith.addi %mul3A_88, %add3A_252 : i32
      "tpu.region"() ({
        %run_scoped3A = tpu.sem_alloc : memref<!tpu.dma_semaphore, #tpu.memory_space<semaphore_mem>>
        %dma_start3A_266 = arith.constant 0 : i32
        %dma_start3A_267 = tpu.memref_slice %arg7[%add3A_253, %dma_start3A_266] : memref<16x128xi32, #tpu.memory_space<vmem>> -> memref<1x128xi32, #tpu.memory_space<vmem>>
        %dma_start3A_268 = tpu.memref_squeeze %dma_start3A_267 : memref<1x128xi32, #tpu.memory_space<vmem>> -> memref<128xi32, #tpu.memory_space<vmem>>
        %dma_start3A_269 = arith.constant 0 : i32
        %dma_start3A_270 = arith.constant 0 : i32
        %dma_start3A_271 = tpu.memref_slice %arg11[%dma_start3A_269, %dma_start3A_270] : memref<10112x128xf32, #tpu.memory_space<vmem_shared>> -> memref<10112x128xf32, #tpu.memory_space<vmem_shared>>
        tpu.enqueue_indirect_dma source(%arg10 : memref<128x128xf32, #tpu.memory_space<vmem>>) target(%dma_start3A_271 : memref<10112x128xf32, #tpu.memory_space<vmem_shared>>) offsets(%dma_start3A_268 : memref<128xi32, #tpu.memory_space<vmem>>) semaphore(%run_scoped3A : memref<!tpu.dma_semaphore, #tpu.memory_space<semaphore_mem>>) {add = true}
        %dma_wait3A_272 = arith.constant 0 : i32
        %dma_wait3A_273 = tpu.memref_slice %arg7[%add3A_253, %dma_wait3A_272] : memref<16x128xi32, #tpu.memory_space<vmem>> -> memref<1x128xi32, #tpu.memory_space<vmem>>
        %dma_wait3A_274 = tpu.memref_squeeze %dma_wait3A_273 : memref<1x128xi32, #tpu.memory_space<vmem>> -> memref<128xi32, #tpu.memory_space<vmem>>
        %dma_wait3A_275 = arith.constant 0 : i32
        %dma_wait3A_276 = arith.constant 0 : i32
        %dma_wait3A_277 = tpu.memref_slice %arg11[%dma_wait3A_275, %dma_wait3A_276] : memref<10112x128xf32, #tpu.memory_space<vmem_shared>> -> memref<10112x128xf32, #tpu.memory_space<vmem_shared>>
        tpu.wait_indirect_dma semaphore(%run_scoped3A : memref<!tpu.dma_semaphore, #tpu.memory_space<semaphore_mem>>) src(%arg10 : memref<128x128xf32, #tpu.memory_space<vmem>>) dst(%dma_wait3A_277 : memref<10112x128xf32, #tpu.memory_space<vmem_shared>>)
        tpu.yield
      }) : () -> ()
      %add3A_254 = arith.constant 2 : i32
      %add3A_255 = arith.addi %add3A_243, %add3A_254 : i32
      %lt3A_256 = arith.cmpi slt, %add3A_255, %select_n3A : i32
      %convert_element_type3A_257 = arith.extui %lt3A_256 : i1 to i32
      %cond3A_258 = arith.constant 0 : i32
      %cond3A_259 = arith.cmpi ne, %convert_element_type3A_257, %cond3A_258 : i32
      scf.if %cond3A_259 {
        %add3A_266 = arith.constant 1 : i32
        %add3A_267 = arith.addi %mul3A_94, %add3A_266 : i32
        %dma_start3A_268 = arith.constant 0 : i32
        %dma_start3A_269 = tpu.memref_slice %arg8[%add3A_267, %dma_start3A_268] : memref<16x128xi32, #tpu.memory_space<vmem>> -> memref<1x128xi32, #tpu.memory_space<vmem>>
        %dma_start3A_270 = tpu.memref_squeeze %dma_start3A_269 : memref<1x128xi32, #tpu.memory_space<vmem>> -> memref<128xi32, #tpu.memory_space<vmem>>
        %dma_start3A_271 = arith.constant 0 : i32
        %dma_start3A_272 = arith.constant 0 : i32
        %dma_start3A_273 = tpu.memref_slice %arg2[%dma_start3A_271, %dma_start3A_272] : memref<10000x128xf32, #tpu.memory_space<hbm>> -> memref<10000x128xf32, #tpu.memory_space<hbm>>
        tpu.enqueue_indirect_dma source(%dma_start3A_273 : memref<10000x128xf32, #tpu.memory_space<hbm>>) target(%arg10 : memref<128x128xf32, #tpu.memory_space<vmem>>) offsets(%dma_start3A_270 : memref<128xi32, #tpu.memory_space<vmem>>) semaphore(%arg13 : memref<!tpu.dma_semaphore, #tpu.memory_space<semaphore_mem>>)
      } else {
      }
      %add3A_260 = arith.constant 2 : i32
      %add3A_261 = arith.addi %while3A_85, %add3A_260 : i32
      %lt3A_262 = arith.cmpi slt, %add3A_261, %select_n3A_7 : i32
      %convert_element_type3A_263 = arith.extui %lt3A_262 : i1 to i32
      %cond3A_264 = arith.constant 0 : i32
      %cond3A_265 = arith.cmpi ne, %convert_element_type3A_263, %cond3A_264 : i32
      scf.if %cond3A_265 {
        %add3A_266 = arith.constant 2 : i32
        %add3A_267 = arith.addi %while3A_85, %add3A_266 : i32
        %rem3A_268 = arith.constant 2 : i32
        %rem3A_269 = arith.remsi %while3A_85, %rem3A_268 : i32
        %mul3A_270 = arith.constant 8 : i32
        %mul3A_271 = arith.muli %add3A_267, %mul3A_270 : i32
        %multiple_of3A_272 = tpu.assume_multiple %mul3A_271, 8 : i32
        %mul3A_273 = arith.constant 8 : i32
        %mul3A_274 = arith.muli %rem3A_269, %mul3A_273 : i32
        %multiple_of3A_275 = tpu.assume_multiple %mul3A_274, 8 : i32
        %dma_start3A_276 = arith.constant 0 : i32
        %dma_start3A_277 = tpu.memref_slice %arg7[%multiple_of3A_275, %dma_start3A_276] : memref<16x128xi32, #tpu.memory_space<vmem>> -> memref<8x128xi32, #tpu.memory_space<vmem>>
        %dma_start3A_278 = arith.constant 0 : i32
        %dma_start3A_279 = tpu.memref_slice %arg3[%add3A, %multiple_of3A_272, %dma_start3A_278] : memref<32x80x128xi32, #tpu.memory_space<hbm>> -> memref<1x8x128xi32, #tpu.memory_space<hbm>>
        %dma_start3A_280 = tpu.memref_squeeze %dma_start3A_279 : memref<1x8x128xi32, #tpu.memory_space<hbm>> -> memref<8x128xi32, #tpu.memory_space<hbm>>
        %dma_start3A_281 = arith.constant 0 : i32
        %dma_start3A_282 = tpu.memref_slice %arg7[%multiple_of3A_275, %dma_start3A_281] : memref<16x128xi32, #tpu.memory_space<vmem>> -> memref<8x128xi32, #tpu.memory_space<vmem>>
        %dma_start3A_283 = arith.constant 0 : i32
        %dma_start3A_284 = tpu.memref_slice %arg3[%add3A, %multiple_of3A_272, %dma_start3A_283] : memref<32x80x128xi32, #tpu.memory_space<hbm>> -> memref<1x8x128xi32, #tpu.memory_space<hbm>>
        %dma_start3A_285 = tpu.memref_squeeze %dma_start3A_284 : memref<1x8x128xi32, #tpu.memory_space<hbm>> -> memref<8x128xi32, #tpu.memory_space<hbm>>
        tpu.enqueue_dma source(%dma_start3A_285 : memref<8x128xi32, #tpu.memory_space<hbm>>) target(%dma_start3A_282 : memref<8x128xi32, #tpu.memory_space<vmem>>) target_semaphore(%arg14 : memref<!tpu.dma_semaphore, #tpu.memory_space<semaphore_mem>>)
        %dma_start3A_286 = arith.constant 0 : i32
        %dma_start3A_287 = tpu.memref_slice %arg8[%multiple_of3A_275, %dma_start3A_286] : memref<16x128xi32, #tpu.memory_space<vmem>> -> memref<8x128xi32, #tpu.memory_space<vmem>>
        %dma_start3A_288 = arith.constant 0 : i32
        %dma_start3A_289 = tpu.memref_slice %arg4[%add3A, %multiple_of3A_272, %dma_start3A_288] : memref<32x80x128xi32, #tpu.memory_space<hbm>> -> memref<1x8x128xi32, #tpu.memory_space<hbm>>
        %dma_start3A_290 = tpu.memref_squeeze %dma_start3A_289 : memref<1x8x128xi32, #tpu.memory_space<hbm>> -> memref<8x128xi32, #tpu.memory_space<hbm>>
        %dma_start3A_291 = arith.constant 0 : i32
        %dma_start3A_292 = tpu.memref_slice %arg8[%multiple_of3A_275, %dma_start3A_291] : memref<16x128xi32, #tpu.memory_space<vmem>> -> memref<8x128xi32, #tpu.memory_space<vmem>>
        %dma_start3A_293 = arith.constant 0 : i32
        %dma_start3A_294 = tpu.memref_slice %arg4[%add3A, %multiple_of3A_272, %dma_start3A_293] : memref<32x80x128xi32, #tpu.memory_space<hbm>> -> memref<1x8x128xi32, #tpu.memory_space<hbm>>
        %dma_start3A_295 = tpu.memref_squeeze %dma_start3A_294 : memref<1x8x128xi32, #tpu.memory_space<hbm>> -> memref<8x128xi32, #tpu.memory_space<hbm>>
        tpu.enqueue_dma source(%dma_start3A_295 : memref<8x128xi32, #tpu.memory_space<hbm>>) target(%dma_start3A_292 : memref<8x128xi32, #tpu.memory_space<vmem>>) target_semaphore(%arg14 : memref<!tpu.dma_semaphore, #tpu.memory_space<semaphore_mem>>)
      } else {
      }
    }
    %while3A_79 = arith.constant 1 : i32
    scf.for %while3A_85 = %while3A_77 to %while3A_73 step %while3A_79  : i32 {
      %rem3A = arith.constant 2 : i32
      %rem3A_86 = arith.remsi %while3A_85, %rem3A : i32
      %mul3A_87 = arith.constant 8 : i32
      %mul3A_88 = arith.muli %rem3A_86, %mul3A_87 : i32
      %add3A_89 = arith.constant 1 : i32
      %add3A_90 = arith.addi %while3A_85, %add3A_89 : i32
      %rem3A_91 = arith.constant 2 : i32
      %rem3A_92 = arith.remsi %add3A_90, %rem3A_91 : i32
      %mul3A_93 = arith.constant 8 : i32
      %mul3A_94 = arith.muli %rem3A_92, %mul3A_93 : i32
      %add3A_95 = arith.constant 1 : i32
      %add3A_96 = arith.addi %while3A_85, %add3A_95 : i32
      %lt3A = arith.cmpi slt, %add3A_96, %select_n3A_7 : i32
      %convert_element_type3A_97 = arith.extui %lt3A : i1 to i32
      %cond3A_98 = arith.constant 0 : i32
      %cond3A_99 = arith.cmpi ne, %convert_element_type3A_97, %cond3A_98 : i32
      scf.if %cond3A_99 {
        %add3A_266 = arith.constant 1 : i32
        %add3A_267 = arith.addi %while3A_85, %add3A_266 : i32
        %add3A_268 = arith.constant 1 : i32
        %add3A_269 = arith.addi %while3A_85, %add3A_268 : i32
        %rem3A_270 = arith.constant 2 : i32
        %rem3A_271 = arith.remsi %add3A_269, %rem3A_270 : i32
        %mul3A_272 = arith.constant 8 : i32
        %mul3A_273 = arith.muli %add3A_267, %mul3A_272 : i32
        %multiple_of3A_274 = tpu.assume_multiple %mul3A_273, 8 : i32
        %mul3A_275 = arith.constant 8 : i32
        %mul3A_276 = arith.muli %rem3A_271, %mul3A_275 : i32
        %multiple_of3A_277 = tpu.assume_multiple %mul3A_276, 8 : i32
        %dma_wait3A_278 = arith.constant 0 : i32
        %dma_wait3A_279 = tpu.memref_slice %arg7[%multiple_of3A_277, %dma_wait3A_278] : memref<16x128xi32, #tpu.memory_space<vmem>> -> memref<8x128xi32, #tpu.memory_space<vmem>>
        %dma_wait3A_280 = arith.constant 0 : i32
        %dma_wait3A_281 = tpu.memref_slice %arg3[%add3A, %multiple_of3A_274, %dma_wait3A_280] : memref<32x80x128xi32, #tpu.memory_space<hbm>> -> memref<1x8x128xi32, #tpu.memory_space<hbm>>
        %dma_wait3A_282 = tpu.memref_squeeze %dma_wait3A_281 : memref<1x8x128xi32, #tpu.memory_space<hbm>> -> memref<8x128xi32, #tpu.memory_space<hbm>>
        %dma_wait3A_283 = arith.constant 0 : i32
        %dma_wait3A_284 = tpu.memref_slice %arg7[%multiple_of3A_277, %dma_wait3A_283] : memref<16x128xi32, #tpu.memory_space<vmem>> -> memref<8x128xi32, #tpu.memory_space<vmem>>
        %dma_wait3A_285 = arith.constant 0 : i32
        %dma_wait3A_286 = tpu.memref_slice %arg3[%add3A, %multiple_of3A_274, %dma_wait3A_285] : memref<32x80x128xi32, #tpu.memory_space<hbm>> -> memref<1x8x128xi32, #tpu.memory_space<hbm>>
        %dma_wait3A_287 = tpu.memref_squeeze %dma_wait3A_286 : memref<1x8x128xi32, #tpu.memory_space<hbm>> -> memref<8x128xi32, #tpu.memory_space<hbm>>
        tpu.wait_dma2 semaphore(%arg14 : memref<!tpu.dma_semaphore, #tpu.memory_space<semaphore_mem>>) src(%dma_wait3A_287 : memref<8x128xi32, #tpu.memory_space<hbm>>) dst(%dma_wait3A_284 : memref<8x128xi32, #tpu.memory_space<vmem>>)
        %dma_wait3A_288 = arith.constant 0 : i32
        %dma_wait3A_289 = tpu.memref_slice %arg8[%multiple_of3A_277, %dma_wait3A_288] : memref<16x128xi32, #tpu.memory_space<vmem>> -> memref<8x128xi32, #tpu.memory_space<vmem>>
        %dma_wait3A_290 = arith.constant 0 : i32
        %dma_wait3A_291 = tpu.memref_slice %arg4[%add3A, %multiple_of3A_274, %dma_wait3A_290] : memref<32x80x128xi32, #tpu.memory_space<hbm>> -> memref<1x8x128xi32, #tpu.memory_space<hbm>>
        %dma_wait3A_292 = tpu.memref_squeeze %dma_wait3A_291 : memref<1x8x128xi32, #tpu.memory_space<hbm>> -> memref<8x128xi32, #tpu.memory_space<hbm>>
        %dma_wait3A_293 = arith.constant 0 : i32
        %dma_wait3A_294 = tpu.memref_slice %arg8[%multiple_of3A_277, %dma_wait3A_293] : memref<16x128xi32, #tpu.memory_space<vmem>> -> memref<8x128xi32, #tpu.memory_space<vmem>>
        %dma_wait3A_295 = arith.constant 0 : i32
        %dma_wait3A_296 = tpu.memref_slice %arg4[%add3A, %multiple_of3A_274, %dma_wait3A_295] : memref<32x80x128xi32, #tpu.memory_space<hbm>> -> memref<1x8x128xi32, #tpu.memory_space<hbm>>
        %dma_wait3A_297 = tpu.memref_squeeze %dma_wait3A_296 : memref<1x8x128xi32, #tpu.memory_space<hbm>> -> memref<8x128xi32, #tpu.memory_space<hbm>>
        tpu.wait_dma2 semaphore(%arg14 : memref<!tpu.dma_semaphore, #tpu.memory_space<semaphore_mem>>) src(%dma_wait3A_297 : memref<8x128xi32, #tpu.memory_space<hbm>>) dst(%dma_wait3A_294 : memref<8x128xi32, #tpu.memory_space<vmem>>)
      } else {
      }
      %mul3A_100 = arith.constant 8 : i32
      %mul3A_101 = arith.muli %mul3A_100, %while3A_85 : i32
      %add3A_102 = arith.constant 0 : i32
      %add3A_103 = arith.addi %mul3A_101, %add3A_102 : i32
      %add3A_104 = arith.constant 0 : i32
      %add3A_105 = arith.addi %mul3A_88, %add3A_104 : i32
      %dma_wait3A_106 = arith.constant 0 : i32
      %dma_wait3A_107 = tpu.memref_slice %arg8[%add3A_105, %dma_wait3A_106] : memref<16x128xi32, #tpu.memory_space<vmem>> -> memref<1x128xi32, #tpu.memory_space<vmem>>
      %dma_wait3A_108 = tpu.memref_squeeze %dma_wait3A_107 : memref<1x128xi32, #tpu.memory_space<vmem>> -> memref<128xi32, #tpu.memory_space<vmem>>
      %dma_wait3A_109 = arith.constant 0 : i32
      %dma_wait3A_110 = arith.constant 0 : i32
      %dma_wait3A_111 = tpu.memref_slice %arg2[%dma_wait3A_109, %dma_wait3A_110] : memref<10000x128xf32, #tpu.memory_space<hbm>> -> memref<10000x128xf32, #tpu.memory_space<hbm>>
      tpu.wait_indirect_dma semaphore(%arg12 : memref<!tpu.dma_semaphore, #tpu.memory_space<semaphore_mem>>) src(%dma_wait3A_111 : memref<10000x128xf32, #tpu.memory_space<hbm>>) dst(%arg9 : memref<128x128xf32, #tpu.memory_space<vmem>>)
      %add3A_112 = arith.constant 0 : i32
      %add3A_113 = arith.addi %mul3A_88, %add3A_112 : i32
      "tpu.region"() ({
        %run_scoped3A = tpu.sem_alloc : memref<!tpu.dma_semaphore, #tpu.memory_space<semaphore_mem>>
        %dma_start3A_266 = arith.constant 0 : i32
        %dma_start3A_267 = tpu.memref_slice %arg7[%add3A_113, %dma_start3A_266] : memref<16x128xi32, #tpu.memory_space<vmem>> -> memref<1x128xi32, #tpu.memory_space<vmem>>
        %dma_start3A_268 = tpu.memref_squeeze %dma_start3A_267 : memref<1x128xi32, #tpu.memory_space<vmem>> -> memref<128xi32, #tpu.memory_space<vmem>>
        %dma_start3A_269 = arith.constant 0 : i32
        %dma_start3A_270 = arith.constant 0 : i32
        %dma_start3A_271 = tpu.memref_slice %arg11[%dma_start3A_269, %dma_start3A_270] : memref<10112x128xf32, #tpu.memory_space<vmem_shared>> -> memref<10112x128xf32, #tpu.memory_space<vmem_shared>>
        tpu.enqueue_indirect_dma source(%arg9 : memref<128x128xf32, #tpu.memory_space<vmem>>) target(%dma_start3A_271 : memref<10112x128xf32, #tpu.memory_space<vmem_shared>>) offsets(%dma_start3A_268 : memref<128xi32, #tpu.memory_space<vmem>>) semaphore(%run_scoped3A : memref<!tpu.dma_semaphore, #tpu.memory_space<semaphore_mem>>) {add = true}
        %dma_wait3A_272 = arith.constant 0 : i32
        %dma_wait3A_273 = tpu.memref_slice %arg7[%add3A_113, %dma_wait3A_272] : memref<16x128xi32, #tpu.memory_space<vmem>> -> memref<1x128xi32, #tpu.memory_space<vmem>>
        %dma_wait3A_274 = tpu.memref_squeeze %dma_wait3A_273 : memref<1x128xi32, #tpu.memory_space<vmem>> -> memref<128xi32, #tpu.memory_space<vmem>>
        %dma_wait3A_275 = arith.constant 0 : i32
        %dma_wait3A_276 = arith.constant 0 : i32
        %dma_wait3A_277 = tpu.memref_slice %arg11[%dma_wait3A_275, %dma_wait3A_276] : memref<10112x128xf32, #tpu.memory_space<vmem_shared>> -> memref<10112x128xf32, #tpu.memory_space<vmem_shared>>
        tpu.wait_indirect_dma semaphore(%run_scoped3A : memref<!tpu.dma_semaphore, #tpu.memory_space<semaphore_mem>>) src(%arg9 : memref<128x128xf32, #tpu.memory_space<vmem>>) dst(%dma_wait3A_277 : memref<10112x128xf32, #tpu.memory_space<vmem_shared>>)
        tpu.yield
      }) : () -> ()
      %add3A_114 = arith.constant 2 : i32
      %add3A_115 = arith.addi %add3A_103, %add3A_114 : i32
      %lt3A_116 = arith.cmpi slt, %add3A_115, %select_n3A : i32
      %convert_element_type3A_117 = arith.extui %lt3A_116 : i1 to i32
      %cond3A_118 = arith.constant 0 : i32
      %cond3A_119 = arith.cmpi ne, %convert_element_type3A_117, %cond3A_118 : i32
      scf.if %cond3A_119 {
        %add3A_266 = arith.constant 2 : i32
        %add3A_267 = arith.addi %mul3A_88, %add3A_266 : i32
        %dma_start3A_268 = arith.constant 0 : i32
        %dma_start3A_269 = tpu.memref_slice %arg8[%add3A_267, %dma_start3A_268] : memref<16x128xi32, #tpu.memory_space<vmem>> -> memref<1x128xi32, #tpu.memory_space<vmem>>
        %dma_start3A_270 = tpu.memref_squeeze %dma_start3A_269 : memref<1x128xi32, #tpu.memory_space<vmem>> -> memref<128xi32, #tpu.memory_space<vmem>>
        %dma_start3A_271 = arith.constant 0 : i32
        %dma_start3A_272 = arith.constant 0 : i32
        %dma_start3A_273 = tpu.memref_slice %arg2[%dma_start3A_271, %dma_start3A_272] : memref<10000x128xf32, #tpu.memory_space<hbm>> -> memref<10000x128xf32, #tpu.memory_space<hbm>>
        tpu.enqueue_indirect_dma source(%dma_start3A_273 : memref<10000x128xf32, #tpu.memory_space<hbm>>) target(%arg9 : memref<128x128xf32, #tpu.memory_space<vmem>>) offsets(%dma_start3A_270 : memref<128xi32, #tpu.memory_space<vmem>>) semaphore(%arg12 : memref<!tpu.dma_semaphore, #tpu.memory_space<semaphore_mem>>)
      } else {
      }
      %mul3A_120 = arith.constant 8 : i32
      %mul3A_121 = arith.muli %mul3A_120, %while3A_85 : i32
      %add3A_122 = arith.constant 1 : i32
      %add3A_123 = arith.addi %mul3A_121, %add3A_122 : i32
      %add3A_124 = arith.constant 1 : i32
      %add3A_125 = arith.addi %mul3A_88, %add3A_124 : i32
      %dma_wait3A_126 = arith.constant 0 : i32
      %dma_wait3A_127 = tpu.memref_slice %arg8[%add3A_125, %dma_wait3A_126] : memref<16x128xi32, #tpu.memory_space<vmem>> -> memref<1x128xi32, #tpu.memory_space<vmem>>
      %dma_wait3A_128 = tpu.memref_squeeze %dma_wait3A_127 : memref<1x128xi32, #tpu.memory_space<vmem>> -> memref<128xi32, #tpu.memory_space<vmem>>
      %dma_wait3A_129 = arith.constant 0 : i32
      %dma_wait3A_130 = arith.constant 0 : i32
      %dma_wait3A_131 = tpu.memref_slice %arg2[%dma_wait3A_129, %dma_wait3A_130] : memref<10000x128xf32, #tpu.memory_space<hbm>> -> memref<10000x128xf32, #tpu.memory_space<hbm>>
      tpu.wait_indirect_dma semaphore(%arg13 : memref<!tpu.dma_semaphore, #tpu.memory_space<semaphore_mem>>) src(%dma_wait3A_131 : memref<10000x128xf32, #tpu.memory_space<hbm>>) dst(%arg10 : memref<128x128xf32, #tpu.memory_space<vmem>>)
      %add3A_132 = arith.constant 1 : i32
      %add3A_133 = arith.addi %mul3A_88, %add3A_132 : i32
      "tpu.region"() ({
        %run_scoped3A = tpu.sem_alloc : memref<!tpu.dma_semaphore, #tpu.memory_space<semaphore_mem>>
        %dma_start3A_266 = arith.constant 0 : i32
        %dma_start3A_267 = tpu.memref_slice %arg7[%add3A_133, %dma_start3A_266] : memref<16x128xi32, #tpu.memory_space<vmem>> -> memref<1x128xi32, #tpu.memory_space<vmem>>
        %dma_start3A_268 = tpu.memref_squeeze %dma_start3A_267 : memref<1x128xi32, #tpu.memory_space<vmem>> -> memref<128xi32, #tpu.memory_space<vmem>>
        %dma_start3A_269 = arith.constant 0 : i32
        %dma_start3A_270 = arith.constant 0 : i32
        %dma_start3A_271 = tpu.memref_slice %arg11[%dma_start3A_269, %dma_start3A_270] : memref<10112x128xf32, #tpu.memory_space<vmem_shared>> -> memref<10112x128xf32, #tpu.memory_space<vmem_shared>>
        tpu.enqueue_indirect_dma source(%arg10 : memref<128x128xf32, #tpu.memory_space<vmem>>) target(%dma_start3A_271 : memref<10112x128xf32, #tpu.memory_space<vmem_shared>>) offsets(%dma_start3A_268 : memref<128xi32, #tpu.memory_space<vmem>>) semaphore(%run_scoped3A : memref<!tpu.dma_semaphore, #tpu.memory_space<semaphore_mem>>) {add = true}
        %dma_wait3A_272 = arith.constant 0 : i32
        %dma_wait3A_273 = tpu.memref_slice %arg7[%add3A_133, %dma_wait3A_272] : memref<16x128xi32, #tpu.memory_space<vmem>> -> memref<1x128xi32, #tpu.memory_space<vmem>>
        %dma_wait3A_274 = tpu.memref_squeeze %dma_wait3A_273 : memref<1x128xi32, #tpu.memory_space<vmem>> -> memref<128xi32, #tpu.memory_space<vmem>>
        %dma_wait3A_275 = arith.constant 0 : i32
        %dma_wait3A_276 = arith.constant 0 : i32
        %dma_wait3A_277 = tpu.memref_slice %arg11[%dma_wait3A_275, %dma_wait3A_276] : memref<10112x128xf32, #tpu.memory_space<vmem_shared>> -> memref<10112x128xf32, #tpu.memory_space<vmem_shared>>
        tpu.wait_indirect_dma semaphore(%run_scoped3A : memref<!tpu.dma_semaphore, #tpu.memory_space<semaphore_mem>>) src(%arg10 : memref<128x128xf32, #tpu.memory_space<vmem>>) dst(%dma_wait3A_277 : memref<10112x128xf32, #tpu.memory_space<vmem_shared>>)
        tpu.yield
      }) : () -> ()
      %add3A_134 = arith.constant 2 : i32
      %add3A_135 = arith.addi %add3A_123, %add3A_134 : i32
      %lt3A_136 = arith.cmpi slt, %add3A_135, %select_n3A : i32
      %convert_element_type3A_137 = arith.extui %lt3A_136 : i1 to i32
      %cond3A_138 = arith.constant 0 : i32
      %cond3A_139 = arith.cmpi ne, %convert_element_type3A_137, %cond3A_138 : i32
      scf.if %cond3A_139 {
        %add3A_266 = arith.constant 3 : i32
        %add3A_267 = arith.addi %mul3A_88, %add3A_266 : i32
        %dma_start3A_268 = arith.constant 0 : i32
        %dma_start3A_269 = tpu.memref_slice %arg8[%add3A_267, %dma_start3A_268] : memref<16x128xi32, #tpu.memory_space<vmem>> -> memref<1x128xi32, #tpu.memory_space<vmem>>
        %dma_start3A_270 = tpu.memref_squeeze %dma_start3A_269 : memref<1x128xi32, #tpu.memory_space<vmem>> -> memref<128xi32, #tpu.memory_space<vmem>>
        %dma_start3A_271 = arith.constant 0 : i32
        %dma_start3A_272 = arith.constant 0 : i32
        %dma_start3A_273 = tpu.memref_slice %arg2[%dma_start3A_271, %dma_start3A_272] : memref<10000x128xf32, #tpu.memory_space<hbm>> -> memref<10000x128xf32, #tpu.memory_space<hbm>>
        tpu.enqueue_indirect_dma source(%dma_start3A_273 : memref<10000x128xf32, #tpu.memory_space<hbm>>) target(%arg10 : memref<128x128xf32, #tpu.memory_space<vmem>>) offsets(%dma_start3A_270 : memref<128xi32, #tpu.memory_space<vmem>>) semaphore(%arg13 : memref<!tpu.dma_semaphore, #tpu.memory_space<semaphore_mem>>)
      } else {
      }
      %mul3A_140 = arith.constant 8 : i32
      %mul3A_141 = arith.muli %mul3A_140, %while3A_85 : i32
      %add3A_142 = arith.constant 2 : i32
      %add3A_143 = arith.addi %mul3A_141, %add3A_142 : i32
      %add3A_144 = arith.constant 2 : i32
      %add3A_145 = arith.addi %mul3A_88, %add3A_144 : i32
      %dma_wait3A_146 = arith.constant 0 : i32
      %dma_wait3A_147 = tpu.memref_slice %arg8[%add3A_145, %dma_wait3A_146] : memref<16x128xi32, #tpu.memory_space<vmem>> -> memref<1x128xi32, #tpu.memory_space<vmem>>
      %dma_wait3A_148 = tpu.memref_squeeze %dma_wait3A_147 : memref<1x128xi32, #tpu.memory_space<vmem>> -> memref<128xi32, #tpu.memory_space<vmem>>
      %dma_wait3A_149 = arith.constant 0 : i32
      %dma_wait3A_150 = arith.constant 0 : i32
      %dma_wait3A_151 = tpu.memref_slice %arg2[%dma_wait3A_149, %dma_wait3A_150] : memref<10000x128xf32, #tpu.memory_space<hbm>> -> memref<10000x128xf32, #tpu.memory_space<hbm>>
      tpu.wait_indirect_dma semaphore(%arg12 : memref<!tpu.dma_semaphore, #tpu.memory_space<semaphore_mem>>) src(%dma_wait3A_151 : memref<10000x128xf32, #tpu.memory_space<hbm>>) dst(%arg9 : memref<128x128xf32, #tpu.memory_space<vmem>>)
      %add3A_152 = arith.constant 2 : i32
      %add3A_153 = arith.addi %mul3A_88, %add3A_152 : i32
      "tpu.region"() ({
        %run_scoped3A = tpu.sem_alloc : memref<!tpu.dma_semaphore, #tpu.memory_space<semaphore_mem>>
        %dma_start3A_266 = arith.constant 0 : i32
        %dma_start3A_267 = tpu.memref_slice %arg7[%add3A_153, %dma_start3A_266] : memref<16x128xi32, #tpu.memory_space<vmem>> -> memref<1x128xi32, #tpu.memory_space<vmem>>
        %dma_start3A_268 = tpu.memref_squeeze %dma_start3A_267 : memref<1x128xi32, #tpu.memory_space<vmem>> -> memref<128xi32, #tpu.memory_space<vmem>>
        %dma_start3A_269 = arith.constant 0 : i32
        %dma_start3A_270 = arith.constant 0 : i32
        %dma_start3A_271 = tpu.memref_slice %arg11[%dma_start3A_269, %dma_start3A_270] : memref<10112x128xf32, #tpu.memory_space<vmem_shared>> -> memref<10112x128xf32, #tpu.memory_space<vmem_shared>>
        tpu.enqueue_indirect_dma source(%arg9 : memref<128x128xf32, #tpu.memory_space<vmem>>) target(%dma_start3A_271 : memref<10112x128xf32, #tpu.memory_space<vmem_shared>>) offsets(%dma_start3A_268 : memref<128xi32, #tpu.memory_space<vmem>>) semaphore(%run_scoped3A : memref<!tpu.dma_semaphore, #tpu.memory_space<semaphore_mem>>) {add = true}
        %dma_wait3A_272 = arith.constant 0 : i32
        %dma_wait3A_273 = tpu.memref_slice %arg7[%add3A_153, %dma_wait3A_272] : memref<16x128xi32, #tpu.memory_space<vmem>> -> memref<1x128xi32, #tpu.memory_space<vmem>>
        %dma_wait3A_274 = tpu.memref_squeeze %dma_wait3A_273 : memref<1x128xi32, #tpu.memory_space<vmem>> -> memref<128xi32, #tpu.memory_space<vmem>>
        %dma_wait3A_275 = arith.constant 0 : i32
        %dma_wait3A_276 = arith.constant 0 : i32
        %dma_wait3A_277 = tpu.memref_slice %arg11[%dma_wait3A_275, %dma_wait3A_276] : memref<10112x128xf32, #tpu.memory_space<vmem_shared>> -> memref<10112x128xf32, #tpu.memory_space<vmem_shared>>
        tpu.wait_indirect_dma semaphore(%run_scoped3A : memref<!tpu.dma_semaphore, #tpu.memory_space<semaphore_mem>>) src(%arg9 : memref<128x128xf32, #tpu.memory_space<vmem>>) dst(%dma_wait3A_277 : memref<10112x128xf32, #tpu.memory_space<vmem_shared>>)
        tpu.yield
      }) : () -> ()
      %add3A_154 = arith.constant 2 : i32
      %add3A_155 = arith.addi %add3A_143, %add3A_154 : i32
      %lt3A_156 = arith.cmpi slt, %add3A_155, %select_n3A : i32
      %convert_element_type3A_157 = arith.extui %lt3A_156 : i1 to i32
      %cond3A_158 = arith.constant 0 : i32
      %cond3A_159 = arith.cmpi ne, %convert_element_type3A_157, %cond3A_158 : i32
      scf.if %cond3A_159 {
        %add3A_266 = arith.constant 4 : i32
        %add3A_267 = arith.addi %mul3A_88, %add3A_266 : i32
        %dma_start3A_268 = arith.constant 0 : i32
        %dma_start3A_269 = tpu.memref_slice %arg8[%add3A_267, %dma_start3A_268] : memref<16x128xi32, #tpu.memory_space<vmem>> -> memref<1x128xi32, #tpu.memory_space<vmem>>
        %dma_start3A_270 = tpu.memref_squeeze %dma_start3A_269 : memref<1x128xi32, #tpu.memory_space<vmem>> -> memref<128xi32, #tpu.memory_space<vmem>>
        %dma_start3A_271 = arith.constant 0 : i32
        %dma_start3A_272 = arith.constant 0 : i32
        %dma_start3A_273 = tpu.memref_slice %arg2[%dma_start3A_271, %dma_start3A_272] : memref<10000x128xf32, #tpu.memory_space<hbm>> -> memref<10000x128xf32, #tpu.memory_space<hbm>>
        tpu.enqueue_indirect_dma source(%dma_start3A_273 : memref<10000x128xf32, #tpu.memory_space<hbm>>) target(%arg9 : memref<128x128xf32, #tpu.memory_space<vmem>>) offsets(%dma_start3A_270 : memref<128xi32, #tpu.memory_space<vmem>>) semaphore(%arg12 : memref<!tpu.dma_semaphore, #tpu.memory_space<semaphore_mem>>)
      } else {
      }
      %mul3A_160 = arith.constant 8 : i32
      %mul3A_161 = arith.muli %mul3A_160, %while3A_85 : i32
      %add3A_162 = arith.constant 3 : i32
      %add3A_163 = arith.addi %mul3A_161, %add3A_162 : i32
      %add3A_164 = arith.constant 3 : i32
      %add3A_165 = arith.addi %mul3A_88, %add3A_164 : i32
      %dma_wait3A_166 = arith.constant 0 : i32
      %dma_wait3A_167 = tpu.memref_slice %arg8[%add3A_165, %dma_wait3A_166] : memref<16x128xi32, #tpu.memory_space<vmem>> -> memref<1x128xi32, #tpu.memory_space<vmem>>
      %dma_wait3A_168 = tpu.memref_squeeze %dma_wait3A_167 : memref<1x128xi32, #tpu.memory_space<vmem>> -> memref<128xi32, #tpu.memory_space<vmem>>
      %dma_wait3A_169 = arith.constant 0 : i32
      %dma_wait3A_170 = arith.constant 0 : i32
      %dma_wait3A_171 = tpu.memref_slice %arg2[%dma_wait3A_169, %dma_wait3A_170] : memref<10000x128xf32, #tpu.memory_space<hbm>> -> memref<10000x128xf32, #tpu.memory_space<hbm>>
      tpu.wait_indirect_dma semaphore(%arg13 : memref<!tpu.dma_semaphore, #tpu.memory_space<semaphore_mem>>) src(%dma_wait3A_171 : memref<10000x128xf32, #tpu.memory_space<hbm>>) dst(%arg10 : memref<128x128xf32, #tpu.memory_space<vmem>>)
      %add3A_172 = arith.constant 3 : i32
      %add3A_173 = arith.addi %mul3A_88, %add3A_172 : i32
      "tpu.region"() ({
        %run_scoped3A = tpu.sem_alloc : memref<!tpu.dma_semaphore, #tpu.memory_space<semaphore_mem>>
        %dma_start3A_266 = arith.constant 0 : i32
        %dma_start3A_267 = tpu.memref_slice %arg7[%add3A_173, %dma_start3A_266] : memref<16x128xi32, #tpu.memory_space<vmem>> -> memref<1x128xi32, #tpu.memory_space<vmem>>
        %dma_start3A_268 = tpu.memref_squeeze %dma_start3A_267 : memref<1x128xi32, #tpu.memory_space<vmem>> -> memref<128xi32, #tpu.memory_space<vmem>>
        %dma_start3A_269 = arith.constant 0 : i32
        %dma_start3A_270 = arith.constant 0 : i32
        %dma_start3A_271 = tpu.memref_slice %arg11[%dma_start3A_269, %dma_start3A_270] : memref<10112x128xf32, #tpu.memory_space<vmem_shared>> -> memref<10112x128xf32, #tpu.memory_space<vmem_shared>>
        tpu.enqueue_indirect_dma source(%arg10 : memref<128x128xf32, #tpu.memory_space<vmem>>) target(%dma_start3A_271 : memref<10112x128xf32, #tpu.memory_space<vmem_shared>>) offsets(%dma_start3A_268 : memref<128xi32, #tpu.memory_space<vmem>>) semaphore(%run_scoped3A : memref<!tpu.dma_semaphore, #tpu.memory_space<semaphore_mem>>) {add = true}
        %dma_wait3A_272 = arith.constant 0 : i32
        %dma_wait3A_273 = tpu.memref_slice %arg7[%add3A_173, %dma_wait3A_272] : memref<16x128xi32, #tpu.memory_space<vmem>> -> memref<1x128xi32, #tpu.memory_space<vmem>>
        %dma_wait3A_274 = tpu.memref_squeeze %dma_wait3A_273 : memref<1x128xi32, #tpu.memory_space<vmem>> -> memref<128xi32, #tpu.memory_space<vmem>>
        %dma_wait3A_275 = arith.constant 0 : i32
        %dma_wait3A_276 = arith.constant 0 : i32
        %dma_wait3A_277 = tpu.memref_slice %arg11[%dma_wait3A_275, %dma_wait3A_276] : memref<10112x128xf32, #tpu.memory_space<vmem_shared>> -> memref<10112x128xf32, #tpu.memory_space<vmem_shared>>
        tpu.wait_indirect_dma semaphore(%run_scoped3A : memref<!tpu.dma_semaphore, #tpu.memory_space<semaphore_mem>>) src(%arg10 : memref<128x128xf32, #tpu.memory_space<vmem>>) dst(%dma_wait3A_277 : memref<10112x128xf32, #tpu.memory_space<vmem_shared>>)
        tpu.yield
      }) : () -> ()
      %add3A_174 = arith.constant 2 : i32
      %add3A_175 = arith.addi %add3A_163, %add3A_174 : i32
      %lt3A_176 = arith.cmpi slt, %add3A_175, %select_n3A : i32
      %convert_element_type3A_177 = arith.extui %lt3A_176 : i1 to i32
      %cond3A_178 = arith.constant 0 : i32
      %cond3A_179 = arith.cmpi ne, %convert_element_type3A_177, %cond3A_178 : i32
      scf.if %cond3A_179 {
        %add3A_266 = arith.constant 5 : i32
        %add3A_267 = arith.addi %mul3A_88, %add3A_266 : i32
        %dma_start3A_268 = arith.constant 0 : i32
        %dma_start3A_269 = tpu.memref_slice %arg8[%add3A_267, %dma_start3A_268] : memref<16x128xi32, #tpu.memory_space<vmem>> -> memref<1x128xi32, #tpu.memory_space<vmem>>
        %dma_start3A_270 = tpu.memref_squeeze %dma_start3A_269 : memref<1x128xi32, #tpu.memory_space<vmem>> -> memref<128xi32, #tpu.memory_space<vmem>>
        %dma_start3A_271 = arith.constant 0 : i32
        %dma_start3A_272 = arith.constant 0 : i32
        %dma_start3A_273 = tpu.memref_slice %arg2[%dma_start3A_271, %dma_start3A_272] : memref<10000x128xf32, #tpu.memory_space<hbm>> -> memref<10000x128xf32, #tpu.memory_space<hbm>>
        tpu.enqueue_indirect_dma source(%dma_start3A_273 : memref<10000x128xf32, #tpu.memory_space<hbm>>) target(%arg10 : memref<128x128xf32, #tpu.memory_space<vmem>>) offsets(%dma_start3A_270 : memref<128xi32, #tpu.memory_space<vmem>>) semaphore(%arg13 : memref<!tpu.dma_semaphore, #tpu.memory_space<semaphore_mem>>)
      } else {
      }
      %mul3A_180 = arith.constant 8 : i32
      %mul3A_181 = arith.muli %mul3A_180, %while3A_85 : i32
      %add3A_182 = arith.constant 4 : i32
      %add3A_183 = arith.addi %mul3A_181, %add3A_182 : i32
      %add3A_184 = arith.constant 4 : i32
      %add3A_185 = arith.addi %mul3A_88, %add3A_184 : i32
      %dma_wait3A_186 = arith.constant 0 : i32
      %dma_wait3A_187 = tpu.memref_slice %arg8[%add3A_185, %dma_wait3A_186] : memref<16x128xi32, #tpu.memory_space<vmem>> -> memref<1x128xi32, #tpu.memory_space<vmem>>
      %dma_wait3A_188 = tpu.memref_squeeze %dma_wait3A_187 : memref<1x128xi32, #tpu.memory_space<vmem>> -> memref<128xi32, #tpu.memory_space<vmem>>
      %dma_wait3A_189 = arith.constant 0 : i32
      %dma_wait3A_190 = arith.constant 0 : i32
      %dma_wait3A_191 = tpu.memref_slice %arg2[%dma_wait3A_189, %dma_wait3A_190] : memref<10000x128xf32, #tpu.memory_space<hbm>> -> memref<10000x128xf32, #tpu.memory_space<hbm>>
      tpu.wait_indirect_dma semaphore(%arg12 : memref<!tpu.dma_semaphore, #tpu.memory_space<semaphore_mem>>) src(%dma_wait3A_191 : memref<10000x128xf32, #tpu.memory_space<hbm>>) dst(%arg9 : memref<128x128xf32, #tpu.memory_space<vmem>>)
      %add3A_192 = arith.constant 4 : i32
      %add3A_193 = arith.addi %mul3A_88, %add3A_192 : i32
      "tpu.region"() ({
        %run_scoped3A = tpu.sem_alloc : memref<!tpu.dma_semaphore, #tpu.memory_space<semaphore_mem>>
        %dma_start3A_266 = arith.constant 0 : i32
        %dma_start3A_267 = tpu.memref_slice %arg7[%add3A_193, %dma_start3A_266] : memref<16x128xi32, #tpu.memory_space<vmem>> -> memref<1x128xi32, #tpu.memory_space<vmem>>
        %dma_start3A_268 = tpu.memref_squeeze %dma_start3A_267 : memref<1x128xi32, #tpu.memory_space<vmem>> -> memref<128xi32, #tpu.memory_space<vmem>>
        %dma_start3A_269 = arith.constant 0 : i32
        %dma_start3A_270 = arith.constant 0 : i32
        %dma_start3A_271 = tpu.memref_slice %arg11[%dma_start3A_269, %dma_start3A_270] : memref<10112x128xf32, #tpu.memory_space<vmem_shared>> -> memref<10112x128xf32, #tpu.memory_space<vmem_shared>>
        tpu.enqueue_indirect_dma source(%arg9 : memref<128x128xf32, #tpu.memory_space<vmem>>) target(%dma_start3A_271 : memref<10112x128xf32, #tpu.memory_space<vmem_shared>>) offsets(%dma_start3A_268 : memref<128xi32, #tpu.memory_space<vmem>>) semaphore(%run_scoped3A : memref<!tpu.dma_semaphore, #tpu.memory_space<semaphore_mem>>) {add = true}
        %dma_wait3A_272 = arith.constant 0 : i32
        %dma_wait3A_273 = tpu.memref_slice %arg7[%add3A_193, %dma_wait3A_272] : memref<16x128xi32, #tpu.memory_space<vmem>> -> memref<1x128xi32, #tpu.memory_space<vmem>>
        %dma_wait3A_274 = tpu.memref_squeeze %dma_wait3A_273 : memref<1x128xi32, #tpu.memory_space<vmem>> -> memref<128xi32, #tpu.memory_space<vmem>>
        %dma_wait3A_275 = arith.constant 0 : i32
        %dma_wait3A_276 = arith.constant 0 : i32
        %dma_wait3A_277 = tpu.memref_slice %arg11[%dma_wait3A_275, %dma_wait3A_276] : memref<10112x128xf32, #tpu.memory_space<vmem_shared>> -> memref<10112x128xf32, #tpu.memory_space<vmem_shared>>
        tpu.wait_indirect_dma semaphore(%run_scoped3A : memref<!tpu.dma_semaphore, #tpu.memory_space<semaphore_mem>>) src(%arg9 : memref<128x128xf32, #tpu.memory_space<vmem>>) dst(%dma_wait3A_277 : memref<10112x128xf32, #tpu.memory_space<vmem_shared>>)
        tpu.yield
      }) : () -> ()
      %add3A_194 = arith.constant 2 : i32
      %add3A_195 = arith.addi %add3A_183, %add3A_194 : i32
      %lt3A_196 = arith.cmpi slt, %add3A_195, %select_n3A : i32
      %convert_element_type3A_197 = arith.extui %lt3A_196 : i1 to i32
      %cond3A_198 = arith.constant 0 : i32
      %cond3A_199 = arith.cmpi ne, %convert_element_type3A_197, %cond3A_198 : i32
      scf.if %cond3A_199 {
        %add3A_266 = arith.constant 6 : i32
        %add3A_267 = arith.addi %mul3A_88, %add3A_266 : i32
        %dma_start3A_268 = arith.constant 0 : i32
        %dma_start3A_269 = tpu.memref_slice %arg8[%add3A_267, %dma_start3A_268] : memref<16x128xi32, #tpu.memory_space<vmem>> -> memref<1x128xi32, #tpu.memory_space<vmem>>
        %dma_start3A_270 = tpu.memref_squeeze %dma_start3A_269 : memref<1x128xi32, #tpu.memory_space<vmem>> -> memref<128xi32, #tpu.memory_space<vmem>>
        %dma_start3A_271 = arith.constant 0 : i32
        %dma_start3A_272 = arith.constant 0 : i32
        %dma_start3A_273 = tpu.memref_slice %arg2[%dma_start3A_271, %dma_start3A_272] : memref<10000x128xf32, #tpu.memory_space<hbm>> -> memref<10000x128xf32, #tpu.memory_space<hbm>>
        tpu.enqueue_indirect_dma source(%dma_start3A_273 : memref<10000x128xf32, #tpu.memory_space<hbm>>) target(%arg9 : memref<128x128xf32, #tpu.memory_space<vmem>>) offsets(%dma_start3A_270 : memref<128xi32, #tpu.memory_space<vmem>>) semaphore(%arg12 : memref<!tpu.dma_semaphore, #tpu.memory_space<semaphore_mem>>)
      } else {
      }
      %mul3A_200 = arith.constant 8 : i32
      %mul3A_201 = arith.muli %mul3A_200, %while3A_85 : i32
      %add3A_202 = arith.constant 5 : i32
      %add3A_203 = arith.addi %mul3A_201, %add3A_202 : i32
      %add3A_204 = arith.constant 5 : i32
      %add3A_205 = arith.addi %mul3A_88, %add3A_204 : i32
      %dma_wait3A_206 = arith.constant 0 : i32
      %dma_wait3A_207 = tpu.memref_slice %arg8[%add3A_205, %dma_wait3A_206] : memref<16x128xi32, #tpu.memory_space<vmem>> -> memref<1x128xi32, #tpu.memory_space<vmem>>
      %dma_wait3A_208 = tpu.memref_squeeze %dma_wait3A_207 : memref<1x128xi32, #tpu.memory_space<vmem>> -> memref<128xi32, #tpu.memory_space<vmem>>
      %dma_wait3A_209 = arith.constant 0 : i32
      %dma_wait3A_210 = arith.constant 0 : i32
      %dma_wait3A_211 = tpu.memref_slice %arg2[%dma_wait3A_209, %dma_wait3A_210] : memref<10000x128xf32, #tpu.memory_space<hbm>> -> memref<10000x128xf32, #tpu.memory_space<hbm>>
      tpu.wait_indirect_dma semaphore(%arg13 : memref<!tpu.dma_semaphore, #tpu.memory_space<semaphore_mem>>) src(%dma_wait3A_211 : memref<10000x128xf32, #tpu.memory_space<hbm>>) dst(%arg10 : memref<128x128xf32, #tpu.memory_space<vmem>>)
      %add3A_212 = arith.constant 5 : i32
      %add3A_213 = arith.addi %mul3A_88, %add3A_212 : i32
      "tpu.region"() ({
        %run_scoped3A = tpu.sem_alloc : memref<!tpu.dma_semaphore, #tpu.memory_space<semaphore_mem>>
        %dma_start3A_266 = arith.constant 0 : i32
        %dma_start3A_267 = tpu.memref_slice %arg7[%add3A_213, %dma_start3A_266] : memref<16x128xi32, #tpu.memory_space<vmem>> -> memref<1x128xi32, #tpu.memory_space<vmem>>
        %dma_start3A_268 = tpu.memref_squeeze %dma_start3A_267 : memref<1x128xi32, #tpu.memory_space<vmem>> -> memref<128xi32, #tpu.memory_space<vmem>>
        %dma_start3A_269 = arith.constant 0 : i32
        %dma_start3A_270 = arith.constant 0 : i32
        %dma_start3A_271 = tpu.memref_slice %arg11[%dma_start3A_269, %dma_start3A_270] : memref<10112x128xf32, #tpu.memory_space<vmem_shared>> -> memref<10112x128xf32, #tpu.memory_space<vmem_shared>>
        tpu.enqueue_indirect_dma source(%arg10 : memref<128x128xf32, #tpu.memory_space<vmem>>) target(%dma_start3A_271 : memref<10112x128xf32, #tpu.memory_space<vmem_shared>>) offsets(%dma_start3A_268 : memref<128xi32, #tpu.memory_space<vmem>>) semaphore(%run_scoped3A : memref<!tpu.dma_semaphore, #tpu.memory_space<semaphore_mem>>) {add = true}
        %dma_wait3A_272 = arith.constant 0 : i32
        %dma_wait3A_273 = tpu.memref_slice %arg7[%add3A_213, %dma_wait3A_272] : memref<16x128xi32, #tpu.memory_space<vmem>> -> memref<1x128xi32, #tpu.memory_space<vmem>>
        %dma_wait3A_274 = tpu.memref_squeeze %dma_wait3A_273 : memref<1x128xi32, #tpu.memory_space<vmem>> -> memref<128xi32, #tpu.memory_space<vmem>>
        %dma_wait3A_275 = arith.constant 0 : i32
        %dma_wait3A_276 = arith.constant 0 : i32
        %dma_wait3A_277 = tpu.memref_slice %arg11[%dma_wait3A_275, %dma_wait3A_276] : memref<10112x128xf32, #tpu.memory_space<vmem_shared>> -> memref<10112x128xf32, #tpu.memory_space<vmem_shared>>
        tpu.wait_indirect_dma semaphore(%run_scoped3A : memref<!tpu.dma_semaphore, #tpu.memory_space<semaphore_mem>>) src(%arg10 : memref<128x128xf32, #tpu.memory_space<vmem>>) dst(%dma_wait3A_277 : memref<10112x128xf32, #tpu.memory_space<vmem_shared>>)
        tpu.yield
      }) : () -> ()
      %add3A_214 = arith.constant 2 : i32
      %add3A_215 = arith.addi %add3A_203, %add3A_214 : i32
      %lt3A_216 = arith.cmpi slt, %add3A_215, %select_n3A : i32
      %convert_element_type3A_217 = arith.extui %lt3A_216 : i1 to i32
      %cond3A_218 = arith.constant 0 : i32
      %cond3A_219 = arith.cmpi ne, %convert_element_type3A_217, %cond3A_218 : i32
      scf.if %cond3A_219 {
        %add3A_266 = arith.constant 7 : i32
        %add3A_267 = arith.addi %mul3A_88, %add3A_266 : i32
        %dma_start3A_268 = arith.constant 0 : i32
        %dma_start3A_269 = tpu.memref_slice %arg8[%add3A_267, %dma_start3A_268] : memref<16x128xi32, #tpu.memory_space<vmem>> -> memref<1x128xi32, #tpu.memory_space<vmem>>
        %dma_start3A_270 = tpu.memref_squeeze %dma_start3A_269 : memref<1x128xi32, #tpu.memory_space<vmem>> -> memref<128xi32, #tpu.memory_space<vmem>>
        %dma_start3A_271 = arith.constant 0 : i32
        %dma_start3A_272 = arith.constant 0 : i32
        %dma_start3A_273 = tpu.memref_slice %arg2[%dma_start3A_271, %dma_start3A_272] : memref<10000x128xf32, #tpu.memory_space<hbm>> -> memref<10000x128xf32, #tpu.memory_space<hbm>>
        tpu.enqueue_indirect_dma source(%dma_start3A_273 : memref<10000x128xf32, #tpu.memory_space<hbm>>) target(%arg10 : memref<128x128xf32, #tpu.memory_space<vmem>>) offsets(%dma_start3A_270 : memref<128xi32, #tpu.memory_space<vmem>>) semaphore(%arg13 : memref<!tpu.dma_semaphore, #tpu.memory_space<semaphore_mem>>)
      } else {
      }
      %mul3A_220 = arith.constant 8 : i32
      %mul3A_221 = arith.muli %mul3A_220, %while3A_85 : i32
      %add3A_222 = arith.constant 6 : i32
      %add3A_223 = arith.addi %mul3A_221, %add3A_222 : i32
      %add3A_224 = arith.constant 6 : i32
      %add3A_225 = arith.addi %mul3A_88, %add3A_224 : i32
      %dma_wait3A_226 = arith.constant 0 : i32
      %dma_wait3A_227 = tpu.memref_slice %arg8[%add3A_225, %dma_wait3A_226] : memref<16x128xi32, #tpu.memory_space<vmem>> -> memref<1x128xi32, #tpu.memory_space<vmem>>
      %dma_wait3A_228 = tpu.memref_squeeze %dma_wait3A_227 : memref<1x128xi32, #tpu.memory_space<vmem>> -> memref<128xi32, #tpu.memory_space<vmem>>
      %dma_wait3A_229 = arith.constant 0 : i32
      %dma_wait3A_230 = arith.constant 0 : i32
      %dma_wait3A_231 = tpu.memref_slice %arg2[%dma_wait3A_229, %dma_wait3A_230] : memref<10000x128xf32, #tpu.memory_space<hbm>> -> memref<10000x128xf32, #tpu.memory_space<hbm>>
      tpu.wait_indirect_dma semaphore(%arg12 : memref<!tpu.dma_semaphore, #tpu.memory_space<semaphore_mem>>) src(%dma_wait3A_231 : memref<10000x128xf32, #tpu.memory_space<hbm>>) dst(%arg9 : memref<128x128xf32, #tpu.memory_space<vmem>>)
      %add3A_232 = arith.constant 6 : i32
      %add3A_233 = arith.addi %mul3A_88, %add3A_232 : i32
      "tpu.region"() ({
        %run_scoped3A = tpu.sem_alloc : memref<!tpu.dma_semaphore, #tpu.memory_space<semaphore_mem>>
        %dma_start3A_266 = arith.constant 0 : i32
        %dma_start3A_267 = tpu.memref_slice %arg7[%add3A_233, %dma_start3A_266] : memref<16x128xi32, #tpu.memory_space<vmem>> -> memref<1x128xi32, #tpu.memory_space<vmem>>
        %dma_start3A_268 = tpu.memref_squeeze %dma_start3A_267 : memref<1x128xi32, #tpu.memory_space<vmem>> -> memref<128xi32, #tpu.memory_space<vmem>>
        %dma_start3A_269 = arith.constant 0 : i32
        %dma_start3A_270 = arith.constant 0 : i32
        %dma_start3A_271 = tpu.memref_slice %arg11[%dma_start3A_269, %dma_start3A_270] : memref<10112x128xf32, #tpu.memory_space<vmem_shared>> -> memref<10112x128xf32, #tpu.memory_space<vmem_shared>>
        tpu.enqueue_indirect_dma source(%arg9 : memref<128x128xf32, #tpu.memory_space<vmem>>) target(%dma_start3A_271 : memref<10112x128xf32, #tpu.memory_space<vmem_shared>>) offsets(%dma_start3A_268 : memref<128xi32, #tpu.memory_space<vmem>>) semaphore(%run_scoped3A : memref<!tpu.dma_semaphore, #tpu.memory_space<semaphore_mem>>) {add = true}
        %dma_wait3A_272 = arith.constant 0 : i32
        %dma_wait3A_273 = tpu.memref_slice %arg7[%add3A_233, %dma_wait3A_272] : memref<16x128xi32, #tpu.memory_space<vmem>> -> memref<1x128xi32, #tpu.memory_space<vmem>>
        %dma_wait3A_274 = tpu.memref_squeeze %dma_wait3A_273 : memref<1x128xi32, #tpu.memory_space<vmem>> -> memref<128xi32, #tpu.memory_space<vmem>>
        %dma_wait3A_275 = arith.constant 0 : i32
        %dma_wait3A_276 = arith.constant 0 : i32
        %dma_wait3A_277 = tpu.memref_slice %arg11[%dma_wait3A_275, %dma_wait3A_276] : memref<10112x128xf32, #tpu.memory_space<vmem_shared>> -> memref<10112x128xf32, #tpu.memory_space<vmem_shared>>
        tpu.wait_indirect_dma semaphore(%run_scoped3A : memref<!tpu.dma_semaphore, #tpu.memory_space<semaphore_mem>>) src(%arg9 : memref<128x128xf32, #tpu.memory_space<vmem>>) dst(%dma_wait3A_277 : memref<10112x128xf32, #tpu.memory_space<vmem_shared>>)
        tpu.yield
      }) : () -> ()
      %add3A_234 = arith.constant 2 : i32
      %add3A_235 = arith.addi %add3A_223, %add3A_234 : i32
      %lt3A_236 = arith.cmpi slt, %add3A_235, %select_n3A : i32
      %convert_element_type3A_237 = arith.extui %lt3A_236 : i1 to i32
      %cond3A_238 = arith.constant 0 : i32
      %cond3A_239 = arith.cmpi ne, %convert_element_type3A_237, %cond3A_238 : i32
      scf.if %cond3A_239 {
        %add3A_266 = arith.constant 0 : i32
        %add3A_267 = arith.addi %mul3A_94, %add3A_266 : i32
        %dma_start3A_268 = arith.constant 0 : i32
        %dma_start3A_269 = tpu.memref_slice %arg8[%add3A_267, %dma_start3A_268] : memref<16x128xi32, #tpu.memory_space<vmem>> -> memref<1x128xi32, #tpu.memory_space<vmem>>
        %dma_start3A_270 = tpu.memref_squeeze %dma_start3A_269 : memref<1x128xi32, #tpu.memory_space<vmem>> -> memref<128xi32, #tpu.memory_space<vmem>>
        %dma_start3A_271 = arith.constant 0 : i32
        %dma_start3A_272 = arith.constant 0 : i32
        %dma_start3A_273 = tpu.memref_slice %arg2[%dma_start3A_271, %dma_start3A_272] : memref<10000x128xf32, #tpu.memory_space<hbm>> -> memref<10000x128xf32, #tpu.memory_space<hbm>>
        tpu.enqueue_indirect_dma source(%dma_start3A_273 : memref<10000x128xf32, #tpu.memory_space<hbm>>) target(%arg9 : memref<128x128xf32, #tpu.memory_space<vmem>>) offsets(%dma_start3A_270 : memref<128xi32, #tpu.memory_space<vmem>>) semaphore(%arg12 : memref<!tpu.dma_semaphore, #tpu.memory_space<semaphore_mem>>)
      } else {
      }
      %mul3A_240 = arith.constant 8 : i32
      %mul3A_241 = arith.muli %mul3A_240, %while3A_85 : i32
      %add3A_242 = arith.constant 7 : i32
      %add3A_243 = arith.addi %mul3A_241, %add3A_242 : i32
      %add3A_244 = arith.constant 7 : i32
      %add3A_245 = arith.addi %mul3A_88, %add3A_244 : i32
      %dma_wait3A_246 = arith.constant 0 : i32
      %dma_wait3A_247 = tpu.memref_slice %arg8[%add3A_245, %dma_wait3A_246] : memref<16x128xi32, #tpu.memory_space<vmem>> -> memref<1x128xi32, #tpu.memory_space<vmem>>
      %dma_wait3A_248 = tpu.memref_squeeze %dma_wait3A_247 : memref<1x128xi32, #tpu.memory_space<vmem>> -> memref<128xi32, #tpu.memory_space<vmem>>
      %dma_wait3A_249 = arith.constant 0 : i32
      %dma_wait3A_250 = arith.constant 0 : i32
      %dma_wait3A_251 = tpu.memref_slice %arg2[%dma_wait3A_249, %dma_wait3A_250] : memref<10000x128xf32, #tpu.memory_space<hbm>> -> memref<10000x128xf32, #tpu.memory_space<hbm>>
      tpu.wait_indirect_dma semaphore(%arg13 : memref<!tpu.dma_semaphore, #tpu.memory_space<semaphore_mem>>) src(%dma_wait3A_251 : memref<10000x128xf32, #tpu.memory_space<hbm>>) dst(%arg10 : memref<128x128xf32, #tpu.memory_space<vmem>>)
      %add3A_252 = arith.constant 7 : i32
      %add3A_253 = arith.addi %mul3A_88, %add3A_252 : i32
      "tpu.region"() ({
        %run_scoped3A = tpu.sem_alloc : memref<!tpu.dma_semaphore, #tpu.memory_space<semaphore_mem>>
        %dma_start3A_266 = arith.constant 0 : i32
        %dma_start3A_267 = tpu.memref_slice %arg7[%add3A_253, %dma_start3A_266] : memref<16x128xi32, #tpu.memory_space<vmem>> -> memref<1x128xi32, #tpu.memory_space<vmem>>
        %dma_start3A_268 = tpu.memref_squeeze %dma_start3A_267 : memref<1x128xi32, #tpu.memory_space<vmem>> -> memref<128xi32, #tpu.memory_space<vmem>>
        %dma_start3A_269 = arith.constant 0 : i32
        %dma_start3A_270 = arith.constant 0 : i32
        %dma_start3A_271 = tpu.memref_slice %arg11[%dma_start3A_269, %dma_start3A_270] : memref<10112x128xf32, #tpu.memory_space<vmem_shared>> -> memref<10112x128xf32, #tpu.memory_space<vmem_shared>>
        tpu.enqueue_indirect_dma source(%arg10 : memref<128x128xf32, #tpu.memory_space<vmem>>) target(%dma_start3A_271 : memref<10112x128xf32, #tpu.memory_space<vmem_shared>>) offsets(%dma_start3A_268 : memref<128xi32, #tpu.memory_space<vmem>>) semaphore(%run_scoped3A : memref<!tpu.dma_semaphore, #tpu.memory_space<semaphore_mem>>) {add = true}
        %dma_wait3A_272 = arith.constant 0 : i32
        %dma_wait3A_273 = tpu.memref_slice %arg7[%add3A_253, %dma_wait3A_272] : memref<16x128xi32, #tpu.memory_space<vmem>> -> memref<1x128xi32, #tpu.memory_space<vmem>>
        %dma_wait3A_274 = tpu.memref_squeeze %dma_wait3A_273 : memref<1x128xi32, #tpu.memory_space<vmem>> -> memref<128xi32, #tpu.memory_space<vmem>>
        %dma_wait3A_275 = arith.constant 0 : i32
        %dma_wait3A_276 = arith.constant 0 : i32
        %dma_wait3A_277 = tpu.memref_slice %arg11[%dma_wait3A_275, %dma_wait3A_276] : memref<10112x128xf32, #tpu.memory_space<vmem_shared>> -> memref<10112x128xf32, #tpu.memory_space<vmem_shared>>
        tpu.wait_indirect_dma semaphore(%run_scoped3A : memref<!tpu.dma_semaphore, #tpu.memory_space<semaphore_mem>>) src(%arg10 : memref<128x128xf32, #tpu.memory_space<vmem>>) dst(%dma_wait3A_277 : memref<10112x128xf32, #tpu.memory_space<vmem_shared>>)
        tpu.yield
      }) : () -> ()
      %add3A_254 = arith.constant 2 : i32
      %add3A_255 = arith.addi %add3A_243, %add3A_254 : i32
      %lt3A_256 = arith.cmpi slt, %add3A_255, %select_n3A : i32
      %convert_element_type3A_257 = arith.extui %lt3A_256 : i1 to i32
      %cond3A_258 = arith.constant 0 : i32
      %cond3A_259 = arith.cmpi ne, %convert_element_type3A_257, %cond3A_258 : i32
      scf.if %cond3A_259 {
        %add3A_266 = arith.constant 1 : i32
        %add3A_267 = arith.addi %mul3A_94, %add3A_266 : i32
        %dma_start3A_268 = arith.constant 0 : i32
        %dma_start3A_269 = tpu.memref_slice %arg8[%add3A_267, %dma_start3A_268] : memref<16x128xi32, #tpu.memory_space<vmem>> -> memref<1x128xi32, #tpu.memory_space<vmem>>
        %dma_start3A_270 = tpu.memref_squeeze %dma_start3A_269 : memref<1x128xi32, #tpu.memory_space<vmem>> -> memref<128xi32, #tpu.memory_space<vmem>>
        %dma_start3A_271 = arith.constant 0 : i32
        %dma_start3A_272 = arith.constant 0 : i32
        %dma_start3A_273 = tpu.memref_slice %arg2[%dma_start3A_271, %dma_start3A_272] : memref<10000x128xf32, #tpu.memory_space<hbm>> -> memref<10000x128xf32, #tpu.memory_space<hbm>>
        tpu.enqueue_indirect_dma source(%dma_start3A_273 : memref<10000x128xf32, #tpu.memory_space<hbm>>) target(%arg10 : memref<128x128xf32, #tpu.memory_space<vmem>>) offsets(%dma_start3A_270 : memref<128xi32, #tpu.memory_space<vmem>>) semaphore(%arg13 : memref<!tpu.dma_semaphore, #tpu.memory_space<semaphore_mem>>)
      } else {
      }
      %add3A_260 = arith.constant 2 : i32
      %add3A_261 = arith.addi %while3A_85, %add3A_260 : i32
      %lt3A_262 = arith.cmpi slt, %add3A_261, %select_n3A_7 : i32
      %convert_element_type3A_263 = arith.extui %lt3A_262 : i1 to i32
      %cond3A_264 = arith.constant 0 : i32
      %cond3A_265 = arith.cmpi ne, %convert_element_type3A_263, %cond3A_264 : i32
      scf.if %cond3A_265 {
        %add3A_266 = arith.constant 2 : i32
        %add3A_267 = arith.addi %while3A_85, %add3A_266 : i32
        %rem3A_268 = arith.constant 2 : i32
        %rem3A_269 = arith.remsi %while3A_85, %rem3A_268 : i32
        %mul3A_270 = arith.constant 8 : i32
        %mul3A_271 = arith.muli %add3A_267, %mul3A_270 : i32
        %multiple_of3A_272 = tpu.assume_multiple %mul3A_271, 8 : i32
        %mul3A_273 = arith.constant 8 : i32
        %mul3A_274 = arith.muli %rem3A_269, %mul3A_273 : i32
        %multiple_of3A_275 = tpu.assume_multiple %mul3A_274, 8 : i32
        %dma_start3A_276 = arith.constant 0 : i32
        %dma_start3A_277 = tpu.memref_slice %arg7[%multiple_of3A_275, %dma_start3A_276] : memref<16x128xi32, #tpu.memory_space<vmem>> -> memref<8x128xi32, #tpu.memory_space<vmem>>
        %dma_start3A_278 = arith.constant 0 : i32
        %dma_start3A_279 = tpu.memref_slice %arg3[%add3A, %multiple_of3A_272, %dma_start3A_278] : memref<32x80x128xi32, #tpu.memory_space<hbm>> -> memref<1x8x128xi32, #tpu.memory_space<hbm>>
        %dma_start3A_280 = tpu.memref_squeeze %dma_start3A_279 : memref<1x8x128xi32, #tpu.memory_space<hbm>> -> memref<8x128xi32, #tpu.memory_space<hbm>>
        %dma_start3A_281 = arith.constant 0 : i32
        %dma_start3A_282 = tpu.memref_slice %arg7[%multiple_of3A_275, %dma_start3A_281] : memref<16x128xi32, #tpu.memory_space<vmem>> -> memref<8x128xi32, #tpu.memory_space<vmem>>
        %dma_start3A_283 = arith.constant 0 : i32
        %dma_start3A_284 = tpu.memref_slice %arg3[%add3A, %multiple_of3A_272, %dma_start3A_283] : memref<32x80x128xi32, #tpu.memory_space<hbm>> -> memref<1x8x128xi32, #tpu.memory_space<hbm>>
        %dma_start3A_285 = tpu.memref_squeeze %dma_start3A_284 : memref<1x8x128xi32, #tpu.memory_space<hbm>> -> memref<8x128xi32, #tpu.memory_space<hbm>>
        tpu.enqueue_dma source(%dma_start3A_285 : memref<8x128xi32, #tpu.memory_space<hbm>>) target(%dma_start3A_282 : memref<8x128xi32, #tpu.memory_space<vmem>>) target_semaphore(%arg14 : memref<!tpu.dma_semaphore, #tpu.memory_space<semaphore_mem>>)
        %dma_start3A_286 = arith.constant 0 : i32
        %dma_start3A_287 = tpu.memref_slice %arg8[%multiple_of3A_275, %dma_start3A_286] : memref<16x128xi32, #tpu.memory_space<vmem>> -> memref<8x128xi32, #tpu.memory_space<vmem>>
        %dma_start3A_288 = arith.constant 0 : i32
        %dma_start3A_289 = tpu.memref_slice %arg4[%add3A, %multiple_of3A_272, %dma_start3A_288] : memref<32x80x128xi32, #tpu.memory_space<hbm>> -> memref<1x8x128xi32, #tpu.memory_space<hbm>>
        %dma_start3A_290 = tpu.memref_squeeze %dma_start3A_289 : memref<1x8x128xi32, #tpu.memory_space<hbm>> -> memref<8x128xi32, #tpu.memory_space<hbm>>
        %dma_start3A_291 = arith.constant 0 : i32
        %dma_start3A_292 = tpu.memref_slice %arg8[%multiple_of3A_275, %dma_start3A_291] : memref<16x128xi32, #tpu.memory_space<vmem>> -> memref<8x128xi32, #tpu.memory_space<vmem>>
        %dma_start3A_293 = arith.constant 0 : i32
        %dma_start3A_294 = tpu.memref_slice %arg4[%add3A, %multiple_of3A_272, %dma_start3A_293] : memref<32x80x128xi32, #tpu.memory_space<hbm>> -> memref<1x8x128xi32, #tpu.memory_space<hbm>>
        %dma_start3A_295 = tpu.memref_squeeze %dma_start3A_294 : memref<1x8x128xi32, #tpu.memory_space<hbm>> -> memref<8x128xi32, #tpu.memory_space<hbm>>
        tpu.enqueue_dma source(%dma_start3A_295 : memref<8x128xi32, #tpu.memory_space<hbm>>) target(%dma_start3A_292 : memref<8x128xi32, #tpu.memory_space<vmem>>) target_semaphore(%arg14 : memref<!tpu.dma_semaphore, #tpu.memory_space<semaphore_mem>>)
      } else {
      }
    }
    %barrier3A_80 = arith.constant 0 : index
    tpu.barrier barrier_id(%barrier3A_80)
    %mul3A_81 = arith.constant 632 : i32
    %mul3A_82 = arith.muli %arg1, %mul3A_81 : i32
    %mul3A_83 = arith.constant 632 : i32
    %mul3A_84 = arith.muli %arg1, %mul3A_83 : i32
    "tpu.region"() ({
      %run_scoped3A = tpu.sem_alloc : memref<!tpu.dma_semaphore, #tpu.memory_space<semaphore_mem>>
      %dma_start3A_85 = arith.constant 0 : i32
      %dma_start3A_86 = tpu.memref_slice %arg6[%arg0, %mul3A_84, %dma_start3A_85] : memref<2x10112x128xf32, #tpu.memory_space<hbm>> -> memref<1x632x128xf32, #tpu.memory_space<hbm>>
      %dma_start3A_87 = tpu.memref_squeeze %dma_start3A_86 : memref<1x632x128xf32, #tpu.memory_space<hbm>> -> memref<632x128xf32, #tpu.memory_space<hbm>>
      %dma_start3A_88 = arith.constant 0 : i32
      %dma_start3A_89 = tpu.memref_slice %arg11[%mul3A_82, %dma_start3A_88] : memref<10112x128xf32, #tpu.memory_space<vmem_shared>> -> memref<632x128xf32, #tpu.memory_space<vmem_shared>>
      tpu.enqueue_dma source(%dma_start3A_89 : memref<632x128xf32, #tpu.memory_space<vmem_shared>>) target(%dma_start3A_87 : memref<632x128xf32, #tpu.memory_space<hbm>>) target_semaphore(%run_scoped3A : memref<!tpu.dma_semaphore, #tpu.memory_space<semaphore_mem>>)
      %dma_wait3A_90 = arith.constant 0 : i32
      %dma_wait3A_91 = tpu.memref_slice %arg6[%arg0, %mul3A_84, %dma_wait3A_90] : memref<2x10112x128xf32, #tpu.memory_space<hbm>> -> memref<1x632x128xf32, #tpu.memory_space<hbm>>
      %dma_wait3A_92 = tpu.memref_squeeze %dma_wait3A_91 : memref<1x632x128xf32, #tpu.memory_space<hbm>> -> memref<632x128xf32, #tpu.memory_space<hbm>>
      %dma_wait3A_93 = arith.constant 0 : i32
      %dma_wait3A_94 = tpu.memref_slice %arg11[%mul3A_82, %dma_wait3A_93] : memref<10112x128xf32, #tpu.memory_space<vmem_shared>> -> memref<632x128xf32, #tpu.memory_space<vmem_shared>>
      tpu.wait_dma2 semaphore(%run_scoped3A : memref<!tpu.dma_semaphore, #tpu.memory_space<semaphore_mem>>) src(%dma_wait3A_94 : memref<632x128xf32, #tpu.memory_space<vmem_shared>>) dst(%dma_wait3A_92 : memref<632x128xf32, #tpu.memory_space<hbm>>)
      tpu.yield
    }) : () -> ()
    return
  }
}

module attributes {stable_mosaic.version = 14 : i64} {
  func.func @_prep_body(%arg0: memref<10000x128xf32, #tpu.memory_space<vmem>>, %arg1: memref<2x10112x128xf32, #tpu.memory_space<vmem>>, %arg2: memref<10000x128xf32, #tpu.memory_space<vmem>>) attributes {dimension_semantics = [], scalar_prefetch = 0 : i64, scratch_operands = 0 : i64, tpu.core_type = #tpu.core_type<tc>} {
    %get3A = arith.constant 0 : index
    %get3A_0 = arith.constant 0 : index
    %get3A_1 = vector.load %arg0[%get3A, %get3A_0] : memref<10000x128xf32, #tpu.memory_space<vmem>>, vector<10000x128xf32>
    %reduce_sum3A = arith.constant dense<0.000000e+00> : vector<128xf32>
    %reduce_sum3A_2 = vector.multi_reduction <add>, %get3A_1, %reduce_sum3A [0] : vector<10000x128xf32> to vector<128xf32>
    %broadcast_in_dim3A = vector.shape_cast %reduce_sum3A_2 : vector<128xf32> to vector<1x128xf32>
    %div3A = arith.constant 1.000000e+04 : f32
    %div3A_3 = vector.broadcast %div3A : f32 to vector<1x128xf32>
    %div3A_4 = arith.divf %broadcast_in_dim3A, %div3A_3 : vector<1x128xf32>
    %sub3A = vector.broadcast %div3A_4 : vector<1x128xf32> to vector<10000x128xf32>
    %sub3A_5 = arith.subf %get3A_1, %sub3A : vector<10000x128xf32>
    %mul3A = arith.mulf %sub3A_5, %sub3A_5 : vector<10000x128xf32>
    %reduce_sum3A_6 = arith.constant dense<0.000000e+00> : vector<128xf32>
    %reduce_sum3A_7 = vector.multi_reduction <add>, %mul3A, %reduce_sum3A_6 [0] : vector<10000x128xf32> to vector<128xf32>
    %broadcast_in_dim3A_8 = vector.shape_cast %reduce_sum3A_7 : vector<128xf32> to vector<1x128xf32>
    %div3A_9 = arith.constant 9.999000e+03 : f32
    %div3A_10 = vector.broadcast %div3A_9 : f32 to vector<1x128xf32>
    %div3A_11 = arith.divf %broadcast_in_dim3A_8, %div3A_10 : vector<1x128xf32>
    %gt3A = arith.constant 0.000000e+00 : f32
    %gt3A_12 = vector.broadcast %gt3A : f32 to vector<1x128xf32>
    %gt3A_13 = arith.cmpf ogt, %div3A_11, %gt3A_12 : vector<1x128xf32>
    %rsqrt3A = math.rsqrt %div3A_11 : vector<1x128xf32>
    %jit3A = arith.constant 1.000000e+00 : f32
    %broadcast_in_dim3A_14 = vector.broadcast %jit3A : f32 to vector<1x128xf32>
    %select_n3A = arith.select %gt3A_13, %rsqrt3A, %broadcast_in_dim3A_14 : vector<1x128xi1>, vector<1x128xf32>
    %get3A_15 = arith.constant 0 : index
    %get3A_16 = arith.constant 0 : index
    %get3A_17 = arith.constant 0 : index
    %get3A_18 = vector.load %arg1[%get3A_15, %get3A_16, %get3A_17] : memref<2x10112x128xf32, #tpu.memory_space<vmem>>, vector<1x10000x1xf32>
    %get3A_19 = vector.shape_cast %get3A_18 : vector<1x10000x1xf32> to vector<10000x1xf32>
    %get3A_20 = arith.constant 1 : index
    %get3A_21 = arith.constant 0 : index
    %get3A_22 = arith.constant 0 : index
    %get3A_23 = vector.load %arg1[%get3A_20, %get3A_21, %get3A_22] : memref<2x10112x128xf32, #tpu.memory_space<vmem>>, vector<1x10000x1xf32>
    %get3A_24 = vector.shape_cast %get3A_23 : vector<1x10000x1xf32> to vector<10000x1xf32>
    %add3A = arith.addf %get3A_19, %get3A_24 : vector<10000x1xf32>
    %add3A_25 = arith.constant 1.000000e+00 : f32
    %add3A_26 = vector.broadcast %add3A_25 : f32 to vector<10000x1xf32>
    %add3A_27 = arith.addf %add3A, %add3A_26 : vector<10000x1xf32>
    %rsqrt3A_28 = math.rsqrt %add3A_27 : vector<10000x1xf32>
    %mul3A_29 = vector.broadcast %select_n3A : vector<1x128xf32> to vector<10000x128xf32>
    %mul3A_30 = arith.mulf %sub3A_5, %mul3A_29 : vector<10000x128xf32>
    %mul3A_31 = vector.broadcast %rsqrt3A_28 : vector<10000x1xf32> to vector<10000x128xf32>
    %mul3A_32 = arith.mulf %mul3A_30, %mul3A_31 : vector<10000x128xf32>
    %swap3A = arith.constant 0 : index
    %swap3A_33 = arith.constant 0 : index
    %swap3A_34 = vector.load %arg2[%swap3A, %swap3A_33] : memref<10000x128xf32, #tpu.memory_space<vmem>>, vector<10000x128xf32>
    tpu.vector_store %arg2[%swap3A, %swap3A_33], %mul3A_32 {strides = array<i32>} : memref<10000x128xf32, #tpu.memory_space<vmem>>, vector<10000x128xf32>,
    return
  }
}

module attributes {stable_mosaic.version = 14 : i64} {
  func.func @_combine_body(%arg0: memref<2x10112x128xf32, #tpu.memory_space<vmem>>, %arg1: memref<10000x128xf32, #tpu.memory_space<vmem>>, %arg2: memref<2x10112x128xf32, #tpu.memory_space<vmem>>, %arg3: memref<10000x128xf32, #tpu.memory_space<vmem>>) attributes {dimension_semantics = [], scalar_prefetch = 0 : i64, scratch_operands = 0 : i64, tpu.core_type = #tpu.core_type<tc>} {
    %get3A = arith.constant 0 : index
    %get3A_0 = arith.constant 0 : index
    %get3A_1 = arith.constant 0 : index
    %get3A_2 = vector.load %arg2[%get3A, %get3A_0, %get3A_1] : memref<2x10112x128xf32, #tpu.memory_space<vmem>>, vector<1x10000x1xf32>
    %get3A_3 = vector.shape_cast %get3A_2 : vector<1x10000x1xf32> to vector<10000x1xf32>
    %get3A_4 = arith.constant 1 : index
    %get3A_5 = arith.constant 0 : index
    %get3A_6 = arith.constant 0 : index
    %get3A_7 = vector.load %arg2[%get3A_4, %get3A_5, %get3A_6] : memref<2x10112x128xf32, #tpu.memory_space<vmem>>, vector<1x10000x1xf32>
    %get3A_8 = vector.shape_cast %get3A_7 : vector<1x10000x1xf32> to vector<10000x1xf32>
    %add3A = arith.addf %get3A_3, %get3A_8 : vector<10000x1xf32>
    %add3A_9 = arith.constant 1.000000e+00 : f32
    %add3A_10 = vector.broadcast %add3A_9 : f32 to vector<10000x1xf32>
    %add3A_11 = arith.addf %add3A, %add3A_10 : vector<10000x1xf32>
    %div3A = arith.constant 1.000000e+00 : f32
    %div3A_12 = vector.broadcast %div3A : f32 to vector<10000x1xf32>
    %div3A_13 = arith.divf %div3A_12, %add3A_11 : vector<10000x1xf32>
    %get3A_14 = arith.constant 0 : index
    %get3A_15 = arith.constant 0 : index
    %get3A_16 = arith.constant 0 : index
    %get3A_17 = vector.load %arg0[%get3A_14, %get3A_15, %get3A_16] : memref<2x10112x128xf32, #tpu.memory_space<vmem>>, vector<1x10000x128xf32>
    %get3A_18 = vector.shape_cast %get3A_17 : vector<1x10000x128xf32> to vector<10000x128xf32>
    %get3A_19 = arith.constant 1 : index
    %get3A_20 = arith.constant 0 : index
    %get3A_21 = arith.constant 0 : index
    %get3A_22 = vector.load %arg0[%get3A_19, %get3A_20, %get3A_21] : memref<2x10112x128xf32, #tpu.memory_space<vmem>>, vector<1x10000x128xf32>
    %get3A_23 = vector.shape_cast %get3A_22 : vector<1x10000x128xf32> to vector<10000x128xf32>
    %add3A_24 = arith.addf %get3A_18, %get3A_23 : vector<10000x128xf32>
    %get3A_25 = arith.constant 0 : index
    %get3A_26 = arith.constant 0 : index
    %get3A_27 = vector.load %arg1[%get3A_25, %get3A_26] : memref<10000x128xf32, #tpu.memory_space<vmem>>, vector<10000x128xf32>
    %add3A_28 = arith.addf %add3A_24, %get3A_27 : vector<10000x128xf32>
    %mul3A = vector.broadcast %div3A_13 : vector<10000x1xf32> to vector<10000x128xf32>
    %mul3A_29 = arith.mulf %add3A_28, %mul3A : vector<10000x128xf32>
    %swap3A = arith.constant 0 : index
    %swap3A_30 = arith.constant 0 : index
    %swap3A_31 = vector.load %arg3[%swap3A, %swap3A_30] : memref<10000x128xf32, #tpu.memory_space<vmem>>, vector<10000x128xf32>
    tpu.vector_store %arg3[%swap3A, %swap3A_30], %mul3A_29 {strides = array<i32>} : memref<10000x128xf32, #tpu.memory_space<vmem>>, vector<10000x128xf32>,
    return
  }
}

module attributes {stable_mosaic.version = 14 : i64} {
  func.func @_combine_body(%arg0: memref<2x10112x128xf32, #tpu.memory_space<vmem>>, %arg1: memref<10000x128xf32, #tpu.memory_space<vmem>>, %arg2: memref<2x10112x128xf32, #tpu.memory_space<vmem>>, %arg3: memref<10000x128xf32, #tpu.memory_space<vmem>>) attributes {dimension_semantics = [], scalar_prefetch = 0 : i64, scratch_operands = 0 : i64, tpu.core_type = #tpu.core_type<tc>} {
    %get3A = arith.constant 0 : index
    %get3A_0 = arith.constant 0 : index
    %get3A_1 = arith.constant 0 : index
    %get3A_2 = vector.load %arg2[%get3A, %get3A_0, %get3A_1] : memref<2x10112x128xf32, #tpu.memory_space<vmem>>, vector<1x10000x1xf32>
    %get3A_3 = vector.shape_cast %get3A_2 : vector<1x10000x1xf32> to vector<10000x1xf32>
    %get3A_4 = arith.constant 1 : index
    %get3A_5 = arith.constant 0 : index
    %get3A_6 = arith.constant 0 : index
    %get3A_7 = vector.load %arg2[%get3A_4, %get3A_5, %get3A_6] : memref<2x10112x128xf32, #tpu.memory_space<vmem>>, vector<1x10000x1xf32>
    %get3A_8 = vector.shape_cast %get3A_7 : vector<1x10000x1xf32> to vector<10000x1xf32>
    %add3A = arith.addf %get3A_3, %get3A_8 : vector<10000x1xf32>
    %add3A_9 = arith.constant 1.000000e+00 : f32
    %add3A_10 = vector.broadcast %add3A_9 : f32 to vector<10000x1xf32>
    %add3A_11 = arith.addf %add3A, %add3A_10 : vector<10000x1xf32>
    %rsqrt3A = math.rsqrt %add3A_11 : vector<10000x1xf32>
    %get3A_12 = arith.constant 0 : index
    %get3A_13 = arith.constant 0 : index
    %get3A_14 = arith.constant 0 : index
    %get3A_15 = vector.load %arg0[%get3A_12, %get3A_13, %get3A_14] : memref<2x10112x128xf32, #tpu.memory_space<vmem>>, vector<1x10000x128xf32>
    %get3A_16 = vector.shape_cast %get3A_15 : vector<1x10000x128xf32> to vector<10000x128xf32>
    %get3A_17 = arith.constant 1 : index
    %get3A_18 = arith.constant 0 : index
    %get3A_19 = arith.constant 0 : index
    %get3A_20 = vector.load %arg0[%get3A_17, %get3A_18, %get3A_19] : memref<2x10112x128xf32, #tpu.memory_space<vmem>>, vector<1x10000x128xf32>
    %get3A_21 = vector.shape_cast %get3A_20 : vector<1x10000x128xf32> to vector<10000x128xf32>
    %add3A_22 = arith.addf %get3A_16, %get3A_21 : vector<10000x128xf32>
    %get3A_23 = arith.constant 0 : index
    %get3A_24 = arith.constant 0 : index
    %get3A_25 = vector.load %arg1[%get3A_23, %get3A_24] : memref<10000x128xf32, #tpu.memory_space<vmem>>, vector<10000x128xf32>
    %add3A_26 = arith.addf %add3A_22, %get3A_25 : vector<10000x128xf32>
    %mul3A = vector.broadcast %rsqrt3A : vector<10000x1xf32> to vector<10000x128xf32>
    %mul3A_27 = arith.mulf %add3A_26, %mul3A : vector<10000x128xf32>
    %swap3A = arith.constant 0 : index
    %swap3A_28 = arith.constant 0 : index
    %swap3A_29 = vector.load %arg3[%swap3A, %swap3A_28] : memref<10000x128xf32, #tpu.memory_space<vmem>>, vector<10000x128xf32>
    tpu.vector_store %arg3[%swap3A, %swap3A_28], %mul3A_27 {strides = array<i32>} : memref<10000x128xf32, #tpu.memory_space<vmem>>, vector<10000x128xf32>,
    return
  }
}

</mosaic_0001>

<sc_bundles>
// kernel: kernel.11.cloned.1.call-start
scs
__scs_entry_jumppad:
0x0: {  	(pc) =	sbr.rel $0x88, $3  }
0x1: {  	(tag) =	ssettag $0x0;
	lr =	simm.s32 $0x1  }
0x2: {  	[smem:$0x3F9F] =	sst lr;
	_ =	strace $0xD0000000  }
0x3: {  	_ = 	snop  }
0x4: {  	_ = 	snop  }
0x5: {  	_ = 	snop  }
0x6: {  	_ = 	snop  }
0x7: {  	_ = 	snop  }
__scs_overlays_trampoline_lowered:
0x8: {  	[smem:$0x3FAE] =	sst s0  }
0x9: {  	[smem:$0x3FAF] =	sst s1  }
0xa: {  	[smem:$0x3FB0] =	sst s2  }
0xb: {  	[smem:$0x3FB1] =	sst s3  }
0xc: {  	[smem:$0x3FB2] =	sst s4  }
0xd: {  	[smem:$0x3FB3] =	sst s5  }
0xe: {  	[smem:$0x3FB4] =	sst s6  }
0xf: {  	[smem:$0x3FB5] =	sst s7  }
0x10: {  	[smem:$0x3FB6] =	sst s8  }
0x11: {  	[smem:$0x3FB7] =	sst s9;
	s0 =	simm.s32 @!p0 $0x0  }
0x12: {  	s1 =	sld [smem:$0x3F9D];
	s0 =	simm.s32 @p0 $0x1  }
0x13: {  	[smem:$0x3FB8] =	sst s0;
	s0 =	simm.s32 @!p1 $0x0  }
0x14: {  	s2 =	sld [smem:$0x3F9C];
	s0 =	simm.s32 @p1 $0x1  }
0x15: {  	[smem:$0x3FB9] =	sst s0;
	s0 =	simm.s32 @!p2 $0x0  }
0x16: {  	s3 =	sld [smem:$0x3FDB];
	s0 =	simm.s32 @p2 $0x1  }
0x17: {  	s4 =	simm.s32 $0x1BF5;
	[smem:$0x3FBB] =	sst s0  }
0x18: {  	s0 =	sld [smem:$0x3F9E];
	_ =	swait.ge [sflag:s4], $0x0  }
0x19: {  	s7 =	sld [smem:$0x3F9F]  }
0x1a: {  	s8 =	sadd.s32 $0xFFFFE003, lr  }
0x1b: {  	s9 =	sadd.s32 $0xFFFFFEF7, lr;
	s5 =	simm.s32 $0xFFFFFFFF;
	p2 =	slt.u32 s8, $0xFFFFF086  }
0x1c: {  	p1 =	slt.u32 s9, $0xF7A;
	s5 =	simm.s32 @!p2 $0x0  }
0x1d: {  	s5 =	simm.s32 @p1 $0x1;
	p0 =	seq.s32 s7, s2  }
0x1e: {  	s7 =	smul.u32 @!p0 $0xF7A, s2;
	p2 =	seq.s32 @!p0 s5, $0x0  }
0x1f: {  	s9 =	smul.u32 $0xF7A, s1;
	s8 =	simm.s32 @!p0 $0x1BF5;
	p2 =	por !p2, p0  }
0x20: {  	[sflag:s8] =	ssyncset.s32 @!p0 $0xFFFFF086;
	s6 =	sadd.s32 @!p0 s3, s7;
	s7 =	simm.s32 @!p0 $0x108  }
0x21: {  	s3 =	sadd.s32 s3, s9;
	s6 =	sadd.s32 @!p0 $0x88, s6;
	s7 =	simm.s32 @p2 $0x1082  }
0x22: {  	[simem:s7], [sflag:s8] =	dma.local @!p0 [hbm:s6], $0xF7A  }
0x23: {  	s9 =	sor.u32 $0xD0000000, s2;
	s6 =	simm.s32 $0x108;
	_ =	swait.ge @!p0 [sflag:s8], $0x0  }
0x24: {  	s3 =	sadd.s32 $0x88, s3;
	s6 =	simm.s32 @!p1 $0x1082;
	[sflag:s4] =	ssyncset.s32 $0xFFFFF086  }
0x25: {  	[simem:s6], [sflag:s4] =	dma.local [hbm:s3], $0xF7A  }
0x26: {  	[smem:$0x3F9F] =	sst s1;
	(tag) =	ssettag s2;
	_ =	strace s9  }
0x27: {  	s1 =	sld [smem:$0x3FAF]  }
0x28: {  	s2 =	sld [smem:$0x3FB0]  }
0x29: {  	s4 =	sld [smem:$0x3FB2]  }
0x2a: {  	p0 =	seq.s32 s5, $0x0;
	s5 =	sld [smem:$0x3FB3]  }
0x2b: {  	s6 =	sld [smem:$0x3FB4]  }
0x2c: {  	s7 =	sld [smem:$0x3FB5]  }
0x2d: {  	s3 =	simm.s32 $0x108;
	s8 =	sld [smem:$0x3FB6]  }
0x2e: {  	s3 =	simm.s32 @!p0 $0x1082;
	s9 =	sld [smem:$0x3FB7]  }
0x2f: {  	lr =	sadd.s32 s0, s3;
	s0 =	sld [smem:$0x3FAE]  }
0x30: {  	s3 =	sld [smem:$0x3FB1]  }
0x31: {  	[smem:$0x3FBA] =	sst s10  }
0x32: {  	s10 =	sld [smem:$0x3FB8];
	_ =	sdelay $0x3  }
0x33: {  	p0 =	seq.s32 s10, $0x1;
	s10 =	sld [smem:$0x3FBA];
	_ =	sdelay $0x3  }
0x34: {  	[smem:$0x3FBA] =	sst s10  }
0x35: {  	s10 =	sld [smem:$0x3FB9];
	_ =	sdelay $0x3  }
0x36: {  	p1 =	seq.s32 s10, $0x1;
	s10 =	sld [smem:$0x3FBA];
	_ =	sdelay $0x3  }
0x37: {  	[smem:$0x3FBA] =	sst s10  }
0x38: {  	s10 =	sld [smem:$0x3FBB]  }
0x39: {  	_ = 	snop;
	(pc) =	sbr.ind lr, $3  }
0x3a: {  	_ = 	snop  }
0x3b: {  	_ = 	snop  }
0x3c: {  	p2 =	seq.s32 s10, $0x1;
	s10 =	sld [smem:$0x3FBA]  }
0x3d: {  	_ =	shalt  }
0x3e: {  	_ =	shalt  }
0x3f: {  	_ =	shalt  }
0x40: {  	_ =	shalt  }
0x41: {  	_ =	shalt  }
0x42: {  	_ =	shalt  }
0x43: {  	_ =	shalt  }
0x44: {  	_ =	shalt  }
0x45: {  	_ =	shalt  }
0x46: {  	_ =	shalt  }
0x47: {  	_ =	shalt  }
0x48: {  	_ =	shalt  }
0x49: {  	_ =	shalt  }
0x4a: {  	_ =	shalt  }
0x4b: {  	_ =	shalt  }
0x4c: {  	_ =	shalt  }
0x4d: {  	_ =	shalt  }
0x4e: {  	_ =	shalt  }
0x4f: {  	_ =	shalt  }
0x50: {  	_ =	shalt  }
0x51: {  	_ =	shalt  }
0x52: {  	_ =	shalt  }
0x53: {  	_ =	shalt  }
0x54: {  	_ =	shalt  }
0x55: {  	_ =	shalt  }
0x56: {  	_ =	shalt  }
0x57: {  	_ =	shalt  }
0x58: {  	_ =	shalt  }
0x59: {  	_ =	shalt  }
0x5a: {  	_ =	shalt  }
0x5b: {  	_ =	shalt  }
0x5c: {  	_ =	shalt  }
0x5d: {  	_ =	shalt  }
0x5e: {  	_ =	shalt  }
0x5f: {  	_ =	shalt  }
0x60: {  	_ =	shalt  }
0x61: {  	_ =	shalt  }
0x62: {  	_ =	shalt  }
0x63: {  	_ =	shalt  }
0x64: {  	_ =	shalt  }
0x65: {  	_ =	shalt  }
0x66: {  	_ =	shalt  }
0x67: {  	_ =	shalt  }
0x68: {  	_ =	shalt  }
0x69: {  	_ =	shalt  }
0x6a: {  	_ =	shalt  }
0x6b: {  	_ =	shalt  }
0x6c: {  	_ =	shalt  }
0x6d: {  	_ =	shalt  }
0x6e: {  	_ =	shalt  }
0x6f: {  	_ =	shalt  }
0x70: {  	_ =	shalt  }
0x71: {  	_ =	shalt  }
0x72: {  	_ =	shalt  }
0x73: {  	_ =	shalt  }
0x74: {  	_ =	shalt  }
0x75: {  	_ =	shalt  }
0x76: {  	_ =	shalt  }
0x77: {  	_ =	shalt  }
0x78: {  	_ =	shalt  }
0x79: {  	_ =	shalt  }
0x7a: {  	_ =	shalt  }
0x7b: {  	_ =	shalt  }
0x7c: {  	_ =	shalt  }
0x7d: {  	_ =	shalt  }
0x7e: {  	_ =	shalt  }
0x7f: {  	_ =	shalt  }
0x80: {  	_ =	shalt  }
0x81: {  	_ =	shalt  }
0x82: {  	_ =	shalt  }
0x83: {  	_ =	shalt  }
0x84: {  	_ =	shalt  }
0x85: {  	_ =	shalt  }
0x86: {  	_ =	shalt  }
0x87: {  	_ =	shalt  }
.Lfunc_end0:
.L_simem_size_0:
called_computation.1_lowered:
.L_overlay_start_0:
0x88: {  	s2 =	sld [smem:$0x3FD9]  }
0x89: {  	s3 =	sld [smem:$0x3FFE];
	_ =	sdelay $0x1  }
0x8a: {  	s1 =	srdreg.scid  }
0x8b: {  	s0 =	sand.u32 $0x1, s1  }
0x8c: {  	s17 =	sshll.u32 s0, $0xA;
	s2 =	sadd.s32 s3, s2  }
0x8d: {  	s2 =	sadd.s32 s2, s17  }
0x8e: {  	[smem:$0x3FC6] =	sst s2  }
0x8f: {  	_ = 	snop  }
0x90: {  	s2 =	sld [smem:$0x3FD0];
	(tm) =	ssettm $0x1  }
0x91: {  	s18 =	sld [smem:$0x3FFB];
	_ =	sdelay $0x3  }
0x92: {  	_ =	strace s18  }
0x93: {  	s3 =	sld [smem:$0x3FFC];
	_ =	sdelay $0x3  }
0x94: {  	_ =	strace s3  }
0x95: {  	s3 =	sld [smem:$0x3FFD];
	_ =	sdelay $0x3  }
0x96: {  	_ =	strace s3  }
0x97: {  	_ =	strace $0x8FFFFFFF  }
0x98: {  	s19 =	sld [smem:$0x3FDB];
	_ =	sdelay $0x1  }
0x99: {  	s4 =	simm.s32 $_scs_section_size  }
0x9a: {  	s5 =	simm.s32 $_size__tile_overlayer_lowered;
	s6 =	simm.s32 $_tile_overlayer_lowered  }
0x9b: {  	s22 =	simm.s32 $0x1BFF;
	s21 =	sshll.u32 s6, $0x1;
	s3 =	sadd.s32 s4, s19  }
0x9c: {  	s7 =	simm.s32 $0x0;
	s20 =	sshll.u32 s5, $0x1;
	s5 =	sadd.s32 s21, s3  }
0x9d: {  	[timem:s7], [sflag:s22] =	dma.local [hbm:s5], s20  }
0x9e: {  	_ =	swait.ge [sflag:s22], s20  }
0x9f: {  	s4 =	ssub.s32 $0x0, s20;
	[sflag:s22] =	ssyncset.done $0x0  }
0xa0: {  	[sflag:s22] =	ssyncadd.s32 s4;
	_ =	sdelay $0x1  }
0xa1: {  	s23 =	simm.s32 $0x1B8B  }
0xa2: {  	_ =	swait.ge [sflag:s23], $0x1  }
0xa3: {  	[sflag:s23] =	ssyncset.done $0x0  }
0xa4: {  	s25 =	simm.s32 $0x1B8E;
	s24 =	sld [smem:$0x3FFE];
	[sflag:s23] =	ssyncadd.s32 $0xFFFFFFFF  }
0xa5: {  	s26 =	simm.s32 $execute0_lowered;
	[smem:$0x3FD2] =	sst s25  }
0xa6: {  	s5 =	sshll.u32 s26, $0x1;
	_ =	strace $0x80000049;
	[dreg:$0x1] =	wrdreg $0xFFFFFFFF  }
0xa7: {  	s28 =	simm.s32 $_size_execute0_lowered;
	s3 =	sadd.s32 s3, s5;
	[dreg:$0x0] =	wrdreg $0x0  }
0xa8: {  	s5 =	sshll.u32 s28, $0x1;
	[dreg:$0x2] =	wrdreg s3  }
0xa9: {  	[dreg:$0x3] =	wrdreg s5  }
0xaa: {  	[dreg:$0x4] =	wrdreg $0xC0  }
0xab: {  	_ =	task [dreg:s7], $0x5FFFF  }
0xac: {  	[dreg:$0x1] =	wrdreg $0xFFFFFFFF  }
0xad: {  	[dreg:$0x0] =	wrdreg $0x60  }
0xae: {  	[dreg:$0x2] =	wrdreg s2  }
0xaf: {  	[dreg:$0x3] =	wrdreg s24  }
0xb0: {  	[dreg:$0x4] =	wrdreg $0x90000  }
0xb1: {  	[dreg:$0x5] =	wrdreg $0x9  }
0xb2: {  	_ =	task.clear_ibuf [dreg:s7], $0x6FFFF;
	_ =	strace $0x90000049  }
0xb3: {  	s29 =	simm.s32 $0x9;
	_ =	strace $0x8000004B  }
0xb4: {  	_ =	swait.ge [sflag:s29], $0x1  }
0xb5: {  	[sflag:s29] =	ssyncadd.s32 $0xFFFFFFFF  }
0xb6: {  	_ =	strace $0x9000004B  }
0xb7: {  	_ =	sfence  }
0xb8: {  	s30 =	sld [smem:$0x0];
	_ =	sdelay $0x2  }
0xb9: {  	s31 =	sshll.u32 s1, $0xD;
	s1 =	sshrl.u32 s1, $0x2  }
0xba: {  	s3 =	sand.u32 $0x4000, s31;
	s1 =	sadd.s32 s1, s30  }
0xbb: {  	s0 =	sor.u32 s3, s0;
	s1 =	sshll.u32 s1, $0x11  }
0xbc: {  	s0 =	sor.u32 s1, s0  }
0xbd: {  	s0 =	sadd.s32 $0x8F2B, s0  }
0xbe: {  	[sflag:s0] =	ssyncadd.remote.s32 $0x1  }
0xbf: {  	_ =	sfence.sel $0xFFFF  }
0xc0: {  	[dreg:$0x0] =	wrdreg $0xFFFFFFFF;
	(pc) =	sbr.abs _section_cstart, $3  }
0xc1: {  	[dreg:$0x1] =	wrdreg $0xFFFFFFFF  }
0xc2: {  	_ =	task.clear_ibuf [dreg:s7], $0x2FFFF;
	_ =	strace $0x9FFFFFFF  }
0xc3: {  	(tm) =	ssettm $0x7FFFFFFF  }
tec
execute0_lowered:
.L_overlay_start_1:
0x0: {  	(tag) =	ssettag $0x1  }
0x1: {  	s1 =	rddreg [dreg:$0x0]  }
0x2: {  	s0 =	rddreg [dreg:$0x1]  }
0x3: {  	s2 =	rddreg [dreg:$0x2];
	s3 =	srdreg.scid;
	s4 =	simm.s32 $0x0  }
0x4: {  	s22 =	stileid.u32;
	s17 =	simm.s32 $0x800;
	s18 =	simm.s32 $0x3  }
0x5: {  	s20 =	simm.s32 $0xC00;
	s21 =	simm.s32 $0x80;
	s28 =	simm.s32 $0x0  }
0x6: {  	s6 =	sand.u32 $0x1, s3;
	[smem:$0x7FF] =	sst s4;
	s7 =	smul.u32 $0x13C00, s22  }
0x7: {  	s14 =	sadd.s32 $0x5E400, s0;
	s13 =	sadd.s32 $0x54400, s0;
	s10 =	smul.u32 $0x4F000, s22  }
0x8: {  	s8 =	sshll.u32 s22, $0x1;
	s25 =	smul.u32 $0x5000, s22;
	s26 =	sshll.u32 s22, $0x6  }
0x9: {  	s22 =	simm.s32 $0x880;
	s5 =	smul.u32 $0x13C000, s6;
	_ =	strace $0x8000004A  }
0xa: {  	s9 =	ssub.s32 $0x2, s6;
	s8 =	sor.u32 s6, s8;
	s15 =	smul.u32 $0x2800, s6  }
0xb: {  	s6 =	sor.u32 $0x1C04, s26;
	s26 =	simm.s32 $0x2;
	s23 =	sshrl.u32 s9, $0x1  }
0xc: {  	s8 =	smul.u32 $0x2800, s8;
	s24 =	sshrl.u32 s10, $0x2;
	s7 =	sadd.s32 s7, s5  }
0xd: {  	s5 =	sadd.s32 $0x2C00, s0;
	s12 =	ssub.s32 s9, s23;
	s16 =	sadd.s32 s24, s2  }
0xe: {  	s30 =	sadd.s32 s15, s25;
	s23 =	simm.s32 $0x5000;
	s24 =	simm.s32 $0x1  }
0xf: {  	s25 =	simm.s32 $0x1000;
	s7 =	sshrl.u32 s7, $0x3;
	s11 =	sshrl.u32 s8, $0x3  }
.Ltmp0:
0x10: {  	s15 =	sadd.s32 $0x800, s30;
	s12 =	smax.u32 s12, $0x1;
	(pc) =	sbr.rel .LBB2_1-.Ltmp0, $4  }
0x11: {  	s0 =	sadd.s32 s7, s0;
	s7 =	sadd.s32 s14, s11;
	s8 =	sadd.s32 s13, s11  }
0x12: {  	s29 =	sor.u32 $0x80, s11;
	s31 =	sshrl.u32 s15, $0x3;
	s15 =	sshrl.u32 s16, $0x3  }
0x13: {  	s16 =	simm.s32 $0x4;
	s9 =	sadd.s32 s14, s29;
	s10 =	sadd.s32 s13, s29  }
0x14: {  	s11 =	sadd.s32 $0x68400, s0;
	s13 =	sadd.s32 s31, s13;
	s14 =	sadd.s32 s31, s14  }
.LBB2_6:
0x15: {  	_ =	swait.ge [sflag:s26], $0x4000  }
0x16: {  	[sflag:s26] =	ssyncset.done $0x0  }
0x17: {  	s0 =	sadd.s32 $0x380, s0;
	[sflag:s26] =	ssyncadd.s32 $0xFFFFC000  }
0x18: {  	[spmem:s2] =	stream.indirect.scatter.add.f32 [tilespmem:s23], [sflag:$0x4], $0x80, s0, s21, $0xb8;
	[tilespmem:$0x1CC00] =	vst v63  }
0x19: {  	_ =	swait.ge [sflag:s16], $0x4000  }
0x1a: {  	[sflag:s16] =	ssyncset.done $0x0  }
0x1b: {  	[sflag:s16] =	ssyncadd.s32 $0xFFFFC000  }
.LBB2_4:
0x1c: {  	s28 =	sadd.s32 $0x1, s28  }
0x1d: {  	p0 =	sne.s32 s28, s12  }
.Ltmp1:
0x1e: {  	[bflag:$0x0] =	sbarrier.arrive $0xFFFF;
	(pc) =	sbr.rel @!p0 .LBB2_5-.Ltmp1, $4  }
0x1f: {  	[hbm:s11], [sflag:s6] =	dma.local [spmem:s15], $0x2780  }
0x20: {  	_ =	swait.ge [sflag:s16], $0x2780  }
0x21: {  	[sflag:s16] =	ssyncset.done $0x0  }
0x22: {  	[sflag:s16] =	ssyncadd.s32 $0xFFFFD880  }
.LBB2_1:
0x23: {  	[spmem:s15], [sflag:s6] =	dma.local [hbm:s5], $0x2780  }
0x24: {  	_ =	swait.ge [sflag:s16], $0x2780  }
0x25: {  	[sflag:s16] =	ssyncset.done $0x0  }
0x26: {  	[sflag:s16] =	ssyncadd.s32 $0xFFFFD880  }
0x27: {  	[tilespmem:s4], [sflag:$0x3] =	stream.linear.gather [hbm4b:s7+s4], $0x400, $0x38;
	[tilespmem:$0x1CC00] =	vst v63  }
0x28: {  	_ = 	snop  }
0x29: {  	[tilespmem:s17], [sflag:$0x3] =	stream.linear.gather [hbm4b:s8+s4], $0x400, $0x38;
	[tilespmem:$0x1CC00] =	vst v63  }
0x2a: {  	_ =	swait.ge [sflag:s18], $0x400  }
0x2b: {  	[sflag:s18] =	ssyncset.done $0x0  }
0x2c: {  	[sflag:s18] =	ssyncadd.s32 $0xFFFFFC00  }
0x2d: {  	_ =	swait.ge [sflag:s18], $0x400  }
0x2e: {  	[sflag:s18] =	ssyncset.done $0x0  }
0x2f: {  	[sflag:s18] =	ssyncadd.s32 $0xFFFFFC00  }
0x30: {  	s0 =	simm.s32 $0x400;
	[bflag:$0x0] =	sbarrier.arrive $0xFFFF  }
0x31: {  	[tilespmem:s0], [sflag:$0x3] =	stream.linear.gather [hbm4b:s9+s4], $0x400, $0x38;
	[tilespmem:$0x1CC00] =	vst v63  }
0x32: {  	_ = 	snop  }
0x33: {  	[tilespmem:s20], [sflag:$0x3] =	stream.linear.gather [hbm4b:s10+s4], $0x400, $0x38;
	[tilespmem:$0x1CC00] =	vst v63  }
0x34: {  	_ = 	snop  }
0x35: {  	[tilespmem:s25], [sflag:$0x1] =	stream.indirect.gather [hbm4b:s1+s21], $0x80, s17, s21, $0xb8;
	[tilespmem:$0x1CC00] =	vst v63  }
0x36: {  	s29 =	simm.s32 $0x1000;
	s30 =	simm.s32 $0x0;
	s31 =	simm.s32 $0x0  }
0x37: {  	[tilespmem:s23], [sflag:$0x2] =	stream.indirect.gather [hbm4b:s1+s21], $0x80, s22, s21, $0xb8;
	[tilespmem:$0x1CC00] =	vst v63  }
.LBB2_2:
0x38: {  	p0 =	seq.s32 s30, $0x480  }
0x39: {  	s0 =	simm.s32 @!p0 $0x3  }
0x3a: {  	_ =	swait.ge @!p0 [sflag:s0], $0x400  }
0x3b: {  	[sflag:s0] =	ssyncset.done @!p0 $0x0  }
0x3c: {  	[sflag:s0] =	ssyncadd.s32 @!p0 $0xFFFFFC00  }
0x3d: {  	_ =	swait.ge @!p0 [sflag:s0], $0x400  }
0x3e: {  	[sflag:s0] =	ssyncset.done @!p0 $0x0  }
0x3f: {  	[sflag:s0] =	ssyncadd.s32 @!p0 $0xFFFFFC00  }
0x40: {  	_ =	swait.ge [sflag:s24], $0x4000  }
0x41: {  	s3 =	sand.u32 $0x1, s31;
	[sflag:s24] =	ssyncset.done $0x0  }
0x42: {  	s0 =	sshll.u32 s3, $0xA;
	[sflag:s24] =	ssyncadd.s32 $0xFFFFC000  }
0x43: {  	[spmem:s2] =	stream.indirect.scatter.add.f32 [tilespmem:s25], [sflag:$0x4], $0x80, s0, s21, $0xb8;
	[tilespmem:$0x1CC00] =	vst v63  }
0x44: {  	_ =	swait.ge [sflag:s16], $0x4000  }
0x45: {  	[sflag:s16] =	ssyncset.done $0x0  }
0x46: {  	s3 =	sor.u32 $0x900, s0;
	[sflag:s16] =	ssyncadd.s32 $0xFFFFC000  }
0x47: {  	[tilespmem:s25], [sflag:$0x1] =	stream.indirect.gather [hbm4b:s1+s21], $0x80, s3, s21, $0xb8;
	[tilespmem:$0x1CC00] =	vst v63  }
0x48: {  	_ =	swait.ge [sflag:s26], $0x4000  }
0x49: {  	[sflag:s26] =	ssyncset.done $0x0  }
0x4a: {  	s19 =	sor.u32 $0x80, s0;
	[sflag:s26] =	ssyncadd.s32 $0xFFFFC000  }
0x4b: {  	[spmem:s2] =	stream.indirect.scatter.add.f32 [tilespmem:s23], [sflag:$0x4], $0x80, s19, s21, $0xb8;
	[tilespmem:$0x1CC00] =	vst v63  }
0x4c: {  	_ =	swait.ge [sflag:s16], $0x4000  }
0x4d: {  	[sflag:s16] =	ssyncset.done $0x0  }
0x4e: {  	s19 =	sor.u32 $0x980, s0;
	[sflag:s16] =	ssyncadd.s32 $0xFFFFC000  }
0x4f: {  	[tilespmem:s23], [sflag:$0x2] =	stream.indirect.gather [hbm4b:s1+s21], $0x80, s19, s21, $0xb8;
	[tilespmem:$0x1CC00] =	vst v63  }
0x50: {  	_ =	swait.ge [sflag:s24], $0x4000  }
0x51: {  	[sflag:s24] =	ssyncset.done $0x0  }
0x52: {  	s19 =	sor.u32 $0x100, s0;
	[sflag:s24] =	ssyncadd.s32 $0xFFFFC000  }
0x53: {  	[spmem:s2] =	stream.indirect.scatter.add.f32 [tilespmem:s25], [sflag:$0x4], $0x80, s19, s21, $0xb8;
	[tilespmem:$0x1CC00] =	vst v63  }
0x54: {  	_ =	swait.ge [sflag:s16], $0x4000  }
0x55: {  	[sflag:s16] =	ssyncset.done $0x0  }
0x56: {  	s19 =	sor.u32 $0xA00, s0;
	[sflag:s16] =	ssyncadd.s32 $0xFFFFC000  }
0x57: {  	[tilespmem:s25], [sflag:$0x1] =	stream.indirect.gather [hbm4b:s1+s21], $0x80, s19, s21, $0xb8;
	[tilespmem:$0x1CC00] =	vst v63  }
0x58: {  	_ =	swait.ge [sflag:s26], $0x4000  }
0x59: {  	[sflag:s26] =	ssyncset.done $0x0  }
0x5a: {  	s19 =	sor.u32 $0x180, s0;
	[sflag:s26] =	ssyncadd.s32 $0xFFFFC000  }
0x5b: {  	[spmem:s2] =	stream.indirect.scatter.add.f32 [tilespmem:s23], [sflag:$0x4], $0x80, s19, s21, $0xb8;
	[tilespmem:$0x1CC00] =	vst v63  }
0x5c: {  	_ =	swait.ge [sflag:s16], $0x4000  }
0x5d: {  	[sflag:s16] =	ssyncset.done $0x0  }
0x5e: {  	s19 =	sor.u32 $0xA80, s0;
	[sflag:s16] =	ssyncadd.s32 $0xFFFFC000  }
0x5f: {  	[tilespmem:s23], [sflag:$0x2] =	stream.indirect.gather [hbm4b:s1+s21], $0x80, s19, s21, $0xb8;
	[tilespmem:$0x1CC00] =	vst v63  }
0x60: {  	_ =	swait.ge [sflag:s24], $0x4000  }
0x61: {  	[sflag:s24] =	ssyncset.done $0x0  }
0x62: {  	s19 =	sor.u32 $0x200, s0;
	[sflag:s24] =	ssyncadd.s32 $0xFFFFC000  }
0x63: {  	[spmem:s2] =	stream.indirect.scatter.add.f32 [tilespmem:s25], [sflag:$0x4], $0x80, s19, s21, $0xb8;
	[tilespmem:$0x1CC00] =	vst v63  }
0x64: {  	_ =	swait.ge [sflag:s16], $0x4000  }
0x65: {  	[sflag:s16] =	ssyncset.done $0x0  }
0x66: {  	s19 =	sor.u32 $0xB00, s0;
	[sflag:s16] =	ssyncadd.s32 $0xFFFFC000  }
0x67: {  	[tilespmem:s25], [sflag:$0x1] =	stream.indirect.gather [hbm4b:s1+s21], $0x80, s19, s21, $0xb8;
	[tilespmem:$0x1CC00] =	vst v63  }
0x68: {  	_ =	swait.ge [sflag:s26], $0x4000  }
0x69: {  	[sflag:s26] =	ssyncset.done $0x0  }
0x6a: {  	s19 =	sor.u32 $0x280, s0;
	[sflag:s26] =	ssyncadd.s32 $0xFFFFC000  }
0x6b: {  	[spmem:s2] =	stream.indirect.scatter.add.f32 [tilespmem:s23], [sflag:$0x4], $0x80, s19, s21, $0xb8;
	[tilespmem:$0x1CC00] =	vst v63  }
0x6c: {  	_ =	swait.ge [sflag:s16], $0x4000  }
0x6d: {  	[sflag:s16] =	ssyncset.done $0x0  }
0x6e: {  	s19 =	sor.u32 $0xB80, s0;
	[sflag:s16] =	ssyncadd.s32 $0xFFFFC000  }
0x6f: {  	[tilespmem:s23], [sflag:$0x2] =	stream.indirect.gather [hbm4b:s1+s21], $0x80, s19, s21, $0xb8;
	[tilespmem:$0x1CC00] =	vst v63  }
0x70: {  	_ =	swait.ge [sflag:s24], $0x4000  }
0x71: {  	[sflag:s24] =	ssyncset.done $0x0  }
.Ltmp2:
0x72: {  	s19 =	sor.u32 $0x300, s0;
	[sflag:s24] =	ssyncadd.s32 $0xFFFFC000;
	(pc) =	sbr.rel @p0 .LBB2_6-.Ltmp2, $4  }
0x73: {  	[spmem:s2] =	stream.indirect.scatter.add.f32 [tilespmem:s25], [sflag:$0x4], $0x80, s19, s21, $0xb8;
	[tilespmem:$0x1CC00] =	vst v63  }
0x74: {  	_ =	swait.ge [sflag:s16], $0x4000  }
0x75: {  	[sflag:s16] =	ssyncset.done $0x0  }
0x76: {  	[sflag:s16] =	ssyncadd.s32 $0xFFFFC000  }
0x77: {  	s3 =	sshrl.u32 s29, $0x2  }
0x78: {  	s3 =	sand.u32 $0x400, s3  }
0x79: {  	s19 =	sor.u32 $0x800, s3  }
0x7a: {  	[tilespmem:s25], [sflag:$0x1] =	stream.indirect.gather [hbm4b:s1+s21], $0x80, s19, s21, $0xb8;
	[tilespmem:$0x1CC00] =	vst v63  }
0x7b: {  	_ =	swait.ge [sflag:s26], $0x4000  }
0x7c: {  	[sflag:s26] =	ssyncset.done $0x0  }
0x7d: {  	s19 =	sadd.s32 $0x380, s0;
	[sflag:s26] =	ssyncadd.s32 $0xFFFFC000  }
0x7e: {  	[spmem:s2] =	stream.indirect.scatter.add.f32 [tilespmem:s23], [sflag:$0x4], $0x80, s19, s21, $0xb8;
	[tilespmem:$0x1CC00] =	vst v63  }
0x7f: {  	_ =	swait.ge [sflag:s16], $0x4000  }
0x80: {  	[sflag:s16] =	ssyncset.done $0x0  }
0x81: {  	p0 =	sgt.u32 s31, $0x7;
	s3 =	sor.u32 $0x880, s3;
	[sflag:s16] =	ssyncadd.s32 $0xFFFFC000  }
0x82: {  	[tilespmem:s23], [sflag:$0x2] =	stream.indirect.gather [hbm4b:s1+s21], $0x80, s3, s21, $0xb8;
	[tilespmem:$0x1CC00] =	vst v63  }
0x83: {  	s19 =	simm.s32 @!p0 $0x0;
	s3 =	sadd.s32 @!p0 s30, s14  }
0x84: {  	[tilespmem:s0], [sflag:$0x3] =	stream.linear.gather @!p0 [hbm4b:s3+s19], $0x400, $0x38;
	[tilespmem:$0x1CC00] =	vst v63  }
0x85: {  	s0 =	sor.u32 @!p0 $0x800, s0;
	s3 =	sadd.s32 @!p0 s30, s13;
	s30 =	sadd.s32 $0x80, s30  }
0x86: {  	[tilespmem:s0], [sflag:$0x3] =	stream.linear.gather @!p0 [hbm4b:s3+s19], $0x400, $0x38;
	[tilespmem:$0x1CC00] =	vst v63  }
0x87: {  	p0 =	sne.s32 s30, $0x500  }
.Ltmp3:
0x88: {  	_ = 	snop;
	(pc) =	sbr.rel @p0 .LBB2_2-.Ltmp3, $4  }
.Ltmp4:
0x89: {  	_ = 	snop;
	(pc) =	sbr.rel @!p0 .LBB2_4-.Ltmp4, $4  }
0x8a: {  	_ = 	snop  }
0x8b: {  	_ = 	snop  }
0x8c: {  	s29 =	sadd.s32 $0x1000, s29;
	s31 =	sadd.s32 $0x1, s31  }
0x8d: {  	_ = 	snop  }
.LBB2_5:
0x8e: {  	_ =	sfence.sel $0x180000  }
0x8f: {  	[bflag:$0x0] =	sbarrier.arrive $0xFFFF  }
0x90: {  	_ =	strace $0x9000004A  }
0x91: {  	s0 =	stileid.u32;
	[bflag:$0x2] =	sbarrier.arrive $0xFFFF  }
0x92: {  	p0 =	sne.s32 s0, $0x0;
	s0 =	rddreg [dreg:$0x3]  }
0x93: {  	s0 =	sadd.s32 @!p0 $0x100000, s0  }
0x94: {  	[sflag:s0] =	ssyncadd.tile.s32 @!p0 $0x1;
	_ =	shalt  }
.Lfunc_end2:
_tile_overlayer_lowered:
.L_overlay_start_2:
0x95: {  	(tag) =	ssettag $0x2  }
0x96: {  	s0 =	rddreg [dreg:$0x0];
	s2 =	stileid.u32  }
0x97: {  	s1 =	rddreg [dreg:$0x1];
	p0 =	sne.s32 s2, $0x0  }
0x98: {  	s3 =	rddreg [dreg:$0x2];
	[bflag:$0x3] =	sbarrier.arrive $0xFFFF;
	s2 =	simm.s32 @!p0 $0x1C04  }
0x99: {  	[timem:s3], [sflag:s2] =	dma.local @!p0 [hbm:s0], s1  }
0x9a: {  	s0 =	simm.s32 @!p0 $0x4  }
0x9b: {  	_ =	swait.ge @!p0 [sflag:s0], s1  }
0x9c: {  	s1 =	ssub.s32 @!p0 $0x0, s1;
	[sflag:s0] =	ssyncset.done @!p0 $0x0  }
0x9d: {  	[sflag:s0] =	ssyncadd.s32 @!p0 s1  }
0x9e: {  	[bflag:$0x3] =	sbarrier.arrive $0xFFFF  }
0x9f: {  	_ =	shalt  }

// kernel: kernel.14.cloned.1.call-start
scs
__scs_entry_jumppad:
0x0: {  	(pc) =	sbr.rel $0x88, $3  }
0x1: {  	(tag) =	ssettag $0x0;
	lr =	simm.s32 $0x1  }
0x2: {  	[smem:$0x3F9F] =	sst lr;
	_ =	strace $0xD0000000  }
0x3: {  	_ = 	snop  }
0x4: {  	_ = 	snop  }
0x5: {  	_ = 	snop  }
0x6: {  	_ = 	snop  }
0x7: {  	_ = 	snop  }
__scs_overlays_trampoline_lowered:
0x8: {  	[smem:$0x3FAE] =	sst s0  }
0x9: {  	[smem:$0x3FAF] =	sst s1  }
0xa: {  	[smem:$0x3FB0] =	sst s2  }
0xb: {  	[smem:$0x3FB1] =	sst s3  }
0xc: {  	[smem:$0x3FB2] =	sst s4  }
0xd: {  	[smem:$0x3FB3] =	sst s5  }
0xe: {  	[smem:$0x3FB4] =	sst s6  }
0xf: {  	[smem:$0x3FB5] =	sst s7  }
0x10: {  	[smem:$0x3FB6] =	sst s8  }
0x11: {  	[smem:$0x3FB7] =	sst s9;
	s0 =	simm.s32 @!p0 $0x0  }
0x12: {  	s1 =	sld [smem:$0x3F9D];
	s0 =	simm.s32 @p0 $0x1  }
0x13: {  	[smem:$0x3FB8] =	sst s0;
	s0 =	simm.s32 @!p1 $0x0  }
0x14: {  	s2 =	sld [smem:$0x3F9C];
	s0 =	simm.s32 @p1 $0x1  }
0x15: {  	[smem:$0x3FB9] =	sst s0;
	s0 =	simm.s32 @!p2 $0x0  }
0x16: {  	s3 =	sld [smem:$0x3FDB];
	s0 =	simm.s32 @p2 $0x1  }
0x17: {  	s4 =	simm.s32 $0x1BF5;
	[smem:$0x3FBB] =	sst s0  }
0x18: {  	s0 =	sld [smem:$0x3F9E];
	_ =	swait.ge [sflag:s4], $0x0  }
0x19: {  	s7 =	sld [smem:$0x3F9F]  }
0x1a: {  	s8 =	sadd.s32 $0xFFFFE003, lr  }
0x1b: {  	s9 =	sadd.s32 $0xFFFFFEF7, lr;
	s5 =	simm.s32 $0xFFFFFFFF;
	p2 =	slt.u32 s8, $0xFFFFF086  }
0x1c: {  	p1 =	slt.u32 s9, $0xF7A;
	s5 =	simm.s32 @!p2 $0x0  }
0x1d: {  	s5 =	simm.s32 @p1 $0x1;
	p0 =	seq.s32 s7, s2  }
0x1e: {  	s7 =	smul.u32 @!p0 $0xF7A, s2;
	p2 =	seq.s32 @!p0 s5, $0x0  }
0x1f: {  	s9 =	smul.u32 $0xF7A, s1;
	s8 =	simm.s32 @!p0 $0x1BF5;
	p2 =	por !p2, p0  }
0x20: {  	[sflag:s8] =	ssyncset.s32 @!p0 $0xFFFFF086;
	s6 =	sadd.s32 @!p0 s3, s7;
	s7 =	simm.s32 @!p0 $0x108  }
0x21: {  	s3 =	sadd.s32 s3, s9;
	s6 =	sadd.s32 @!p0 $0x88, s6;
	s7 =	simm.s32 @p2 $0x1082  }
0x22: {  	[simem:s7], [sflag:s8] =	dma.local @!p0 [hbm:s6], $0xF7A  }
0x23: {  	s9 =	sor.u32 $0xD0000000, s2;
	s6 =	simm.s32 $0x108;
	_ =	swait.ge @!p0 [sflag:s8], $0x0  }
0x24: {  	s3 =	sadd.s32 $0x88, s3;
	s6 =	simm.s32 @!p1 $0x1082;
	[sflag:s4] =	ssyncset.s32 $0xFFFFF086  }
0x25: {  	[simem:s6], [sflag:s4] =	dma.local [hbm:s3], $0xF7A  }
0x26: {  	[smem:$0x3F9F] =	sst s1;
	(tag) =	ssettag s2;
	_ =	strace s9  }
0x27: {  	s1 =	sld [smem:$0x3FAF]  }
0x28: {  	s2 =	sld [smem:$0x3FB0]  }
0x29: {  	s4 =	sld [smem:$0x3FB2]  }
0x2a: {  	p0 =	seq.s32 s5, $0x0;
	s5 =	sld [smem:$0x3FB3]  }
0x2b: {  	s6 =	sld [smem:$0x3FB4]  }
0x2c: {  	s7 =	sld [smem:$0x3FB5]  }
0x2d: {  	s3 =	simm.s32 $0x108;
	s8 =	sld [smem:$0x3FB6]  }
0x2e: {  	s3 =	simm.s32 @!p0 $0x1082;
	s9 =	sld [smem:$0x3FB7]  }
0x2f: {  	lr =	sadd.s32 s0, s3;
	s0 =	sld [smem:$0x3FAE]  }
0x30: {  	s3 =	sld [smem:$0x3FB1]  }
0x31: {  	[smem:$0x3FBA] =	sst s10  }
0x32: {  	s10 =	sld [smem:$0x3FB8];
	_ =	sdelay $0x3  }
0x33: {  	p0 =	seq.s32 s10, $0x1;
	s10 =	sld [smem:$0x3FBA];
	_ =	sdelay $0x3  }
0x34: {  	[smem:$0x3FBA] =	sst s10  }
0x35: {  	s10 =	sld [smem:$0x3FB9];
	_ =	sdelay $0x3  }
0x36: {  	p1 =	seq.s32 s10, $0x1;
	s10 =	sld [smem:$0x3FBA];
	_ =	sdelay $0x3  }
0x37: {  	[smem:$0x3FBA] =	sst s10  }
0x38: {  	s10 =	sld [smem:$0x3FBB]  }
0x39: {  	_ = 	snop;
	(pc) =	sbr.ind lr, $3  }
0x3a: {  	_ = 	snop  }
0x3b: {  	_ = 	snop  }
0x3c: {  	p2 =	seq.s32 s10, $0x1;
	s10 =	sld [smem:$0x3FBA]  }
0x3d: {  	_ =	shalt  }
0x3e: {  	_ =	shalt  }
0x3f: {  	_ =	shalt  }
0x40: {  	_ =	shalt  }
0x41: {  	_ =	shalt  }
0x42: {  	_ =	shalt  }
0x43: {  	_ =	shalt  }
0x44: {  	_ =	shalt  }
0x45: {  	_ =	shalt  }
0x46: {  	_ =	shalt  }
0x47: {  	_ =	shalt  }
0x48: {  	_ =	shalt  }
0x49: {  	_ =	shalt  }
0x4a: {  	_ =	shalt  }
0x4b: {  	_ =	shalt  }
0x4c: {  	_ =	shalt  }
0x4d: {  	_ =	shalt  }
0x4e: {  	_ =	shalt  }
0x4f: {  	_ =	shalt  }
0x50: {  	_ =	shalt  }
0x51: {  	_ =	shalt  }
0x52: {  	_ =	shalt  }
0x53: {  	_ =	shalt  }
0x54: {  	_ =	shalt  }
0x55: {  	_ =	shalt  }
0x56: {  	_ =	shalt  }
0x57: {  	_ =	shalt  }
0x58: {  	_ =	shalt  }
0x59: {  	_ =	shalt  }
0x5a: {  	_ =	shalt  }
0x5b: {  	_ =	shalt  }
0x5c: {  	_ =	shalt  }
0x5d: {  	_ =	shalt  }
0x5e: {  	_ =	shalt  }
0x5f: {  	_ =	shalt  }
0x60: {  	_ =	shalt  }
0x61: {  	_ =	shalt  }
0x62: {  	_ =	shalt  }
0x63: {  	_ =	shalt  }
0x64: {  	_ =	shalt  }
0x65: {  	_ =	shalt  }
0x66: {  	_ =	shalt  }
0x67: {  	_ =	shalt  }
0x68: {  	_ =	shalt  }
0x69: {  	_ =	shalt  }
0x6a: {  	_ =	shalt  }
0x6b: {  	_ =	shalt  }
0x6c: {  	_ =	shalt  }
0x6d: {  	_ =	shalt  }
0x6e: {  	_ =	shalt  }
0x6f: {  	_ =	shalt  }
0x70: {  	_ =	shalt  }
0x71: {  	_ =	shalt  }
0x72: {  	_ =	shalt  }
0x73: {  	_ =	shalt  }
0x74: {  	_ =	shalt  }
0x75: {  	_ =	shalt  }
0x76: {  	_ =	shalt  }
0x77: {  	_ =	shalt  }
0x78: {  	_ =	shalt  }
0x79: {  	_ =	shalt  }
0x7a: {  	_ =	shalt  }
0x7b: {  	_ =	shalt  }
0x7c: {  	_ =	shalt  }
0x7d: {  	_ =	shalt  }
0x7e: {  	_ =	shalt  }
0x7f: {  	_ =	shalt  }
0x80: {  	_ =	shalt  }
0x81: {  	_ =	shalt  }
0x82: {  	_ =	shalt  }
0x83: {  	_ =	shalt  }
0x84: {  	_ =	shalt  }
0x85: {  	_ =	shalt  }
0x86: {  	_ =	shalt  }
0x87: {  	_ =	shalt  }
.Lfunc_end0:
.L_simem_size_0:
called_computation.2_lowered:
.L_overlay_start_0:
0x88: {  	s2 =	sld [smem:$0x3FD9]  }
0x89: {  	s3 =	sld [smem:$0x3FFE];
	_ =	sdelay $0x1  }
0x8a: {  	s1 =	srdreg.scid  }
0x8b: {  	s0 =	sand.u32 $0x1, s1  }
0x8c: {  	s17 =	sshll.u32 s0, $0xA;
	s2 =	sadd.s32 s3, s2  }
0x8d: {  	s2 =	sadd.s32 s2, s17  }
0x8e: {  	[smem:$0x3FC6] =	sst s2  }
0x8f: {  	_ = 	snop  }
0x90: {  	s2 =	sld [smem:$0x3FD0];
	(tm) =	ssettm $0x1  }
0x91: {  	s18 =	sld [smem:$0x3FFB];
	_ =	sdelay $0x3  }
0x92: {  	_ =	strace s18  }
0x93: {  	s3 =	sld [smem:$0x3FFC];
	_ =	sdelay $0x3  }
0x94: {  	_ =	strace s3  }
0x95: {  	s3 =	sld [smem:$0x3FFD];
	_ =	sdelay $0x3  }
0x96: {  	_ =	strace s3  }
0x97: {  	_ =	strace $0x8FFFFFFF  }
0x98: {  	s19 =	sld [smem:$0x3FDB];
	_ =	sdelay $0x1  }
0x99: {  	s4 =	simm.s32 $_scs_section_size  }
0x9a: {  	s5 =	simm.s32 $_size__tile_overlayer_lowered;
	s6 =	simm.s32 $_tile_overlayer_lowered  }
0x9b: {  	s22 =	simm.s32 $0x1BFF;
	s21 =	sshll.u32 s6, $0x1;
	s3 =	sadd.s32 s4, s19  }
0x9c: {  	s7 =	simm.s32 $0x0;
	s20 =	sshll.u32 s5, $0x1;
	s5 =	sadd.s32 s21, s3  }
0x9d: {  	[timem:s7], [sflag:s22] =	dma.local [hbm:s5], s20  }
0x9e: {  	_ =	swait.ge [sflag:s22], s20  }
0x9f: {  	s4 =	ssub.s32 $0x0, s20;
	[sflag:s22] =	ssyncset.done $0x0  }
0xa0: {  	[sflag:s22] =	ssyncadd.s32 s4;
	_ =	sdelay $0x1  }
0xa1: {  	s23 =	simm.s32 $0x1B8B  }
0xa2: {  	_ =	swait.ge [sflag:s23], $0x1  }
0xa3: {  	[sflag:s23] =	ssyncset.done $0x0  }
0xa4: {  	s25 =	simm.s32 $0x1B8E;
	s24 =	sld [smem:$0x3FFE];
	[sflag:s23] =	ssyncadd.s32 $0xFFFFFFFF  }
0xa5: {  	s26 =	simm.s32 $execute0_lowered;
	[smem:$0x3FD2] =	sst s25  }
0xa6: {  	s5 =	sshll.u32 s26, $0x1;
	_ =	strace $0x8000004C;
	[dreg:$0x1] =	wrdreg $0xFFFFFFFF  }
0xa7: {  	s28 =	simm.s32 $_size_execute0_lowered;
	s3 =	sadd.s32 s3, s5;
	[dreg:$0x0] =	wrdreg $0x0  }
0xa8: {  	s5 =	sshll.u32 s28, $0x1;
	[dreg:$0x2] =	wrdreg s3  }
0xa9: {  	[dreg:$0x3] =	wrdreg s5  }
0xaa: {  	[dreg:$0x4] =	wrdreg $0xC0  }
0xab: {  	_ =	task [dreg:s7], $0x5FFFF  }
0xac: {  	[dreg:$0x1] =	wrdreg $0xFFFFFFFF  }
0xad: {  	[dreg:$0x0] =	wrdreg $0x60  }
0xae: {  	[dreg:$0x2] =	wrdreg s2  }
0xaf: {  	[dreg:$0x3] =	wrdreg s24  }
0xb0: {  	[dreg:$0x4] =	wrdreg $0x90000  }
0xb1: {  	[dreg:$0x5] =	wrdreg $0x9  }
0xb2: {  	_ =	task.clear_ibuf [dreg:s7], $0x6FFFF;
	_ =	strace $0x9000004C  }
0xb3: {  	s29 =	simm.s32 $0x9;
	_ =	strace $0x8000004E  }
0xb4: {  	_ =	swait.ge [sflag:s29], $0x1  }
0xb5: {  	[sflag:s29] =	ssyncadd.s32 $0xFFFFFFFF  }
0xb6: {  	_ =	strace $0x9000004E  }
0xb7: {  	_ =	sfence  }
0xb8: {  	s30 =	sld [smem:$0x0];
	_ =	sdelay $0x2  }
0xb9: {  	s31 =	sshll.u32 s1, $0xD;
	s1 =	sshrl.u32 s1, $0x2  }
0xba: {  	s3 =	sand.u32 $0x4000, s31;
	s1 =	sadd.s32 s1, s30  }
0xbb: {  	s0 =	sor.u32 s3, s0;
	s1 =	sshll.u32 s1, $0x11  }
0xbc: {  	s0 =	sor.u32 s1, s0  }
0xbd: {  	s0 =	sadd.s32 $0x8F2B, s0  }
0xbe: {  	[sflag:s0] =	ssyncadd.remote.s32 $0x1  }
0xbf: {  	_ =	sfence.sel $0xFFFF  }
0xc0: {  	[dreg:$0x0] =	wrdreg $0xFFFFFFFF;
	(pc) =	sbr.abs _section_cstart, $3  }
0xc1: {  	[dreg:$0x1] =	wrdreg $0xFFFFFFFF  }
0xc2: {  	_ =	task.clear_ibuf [dreg:s7], $0x2FFFF;
	_ =	strace $0x9FFFFFFF  }
0xc3: {  	(tm) =	ssettm $0x7FFFFFFF  }
tec
execute0_lowered:
.L_overlay_start_1:
0x0: {  	(tag) =	ssettag $0x1  }
0x1: {  	s1 =	rddreg [dreg:$0x0]  }
0x2: {  	s0 =	rddreg [dreg:$0x1]  }
0x3: {  	s2 =	rddreg [dreg:$0x2];
	s3 =	srdreg.scid;
	s4 =	simm.s32 $0x0  }
0x4: {  	s22 =	stileid.u32;
	s17 =	simm.s32 $0x800;
	s18 =	simm.s32 $0x3  }
0x5: {  	s20 =	simm.s32 $0xC00;
	s21 =	simm.s32 $0x80;
	s28 =	simm.s32 $0x0  }
0x6: {  	s6 =	sand.u32 $0x1, s3;
	[smem:$0x7FF] =	sst s4;
	s7 =	smul.u32 $0x13C00, s22  }
0x7: {  	s14 =	sadd.s32 $0x5E400, s0;
	s13 =	sadd.s32 $0x54400, s0;
	s10 =	smul.u32 $0x4F000, s22  }
0x8: {  	s8 =	sshll.u32 s22, $0x1;
	s25 =	smul.u32 $0x5000, s22;
	s26 =	sshll.u32 s22, $0x6  }
0x9: {  	s22 =	simm.s32 $0x880;
	s5 =	smul.u32 $0x13C000, s6;
	_ =	strace $0x8000004D  }
0xa: {  	s9 =	ssub.s32 $0x2, s6;
	s8 =	sor.u32 s6, s8;
	s15 =	smul.u32 $0x2800, s6  }
0xb: {  	s6 =	sor.u32 $0x1C04, s26;
	s26 =	simm.s32 $0x2;
	s23 =	sshrl.u32 s9, $0x1  }
0xc: {  	s8 =	smul.u32 $0x2800, s8;
	s24 =	sshrl.u32 s10, $0x2;
	s7 =	sadd.s32 s7, s5  }
0xd: {  	s5 =	sadd.s32 $0x2C00, s0;
	s12 =	ssub.s32 s9, s23;
	s16 =	sadd.s32 s24, s2  }
0xe: {  	s30 =	sadd.s32 s15, s25;
	s23 =	simm.s32 $0x5000;
	s24 =	simm.s32 $0x1  }
0xf: {  	s25 =	simm.s32 $0x1000;
	s7 =	sshrl.u32 s7, $0x3;
	s11 =	sshrl.u32 s8, $0x3  }
.Ltmp0:
0x10: {  	s15 =	sadd.s32 $0x800, s30;
	s12 =	smax.u32 s12, $0x1;
	(pc) =	sbr.rel .LBB2_1-.Ltmp0, $4  }
0x11: {  	s0 =	sadd.s32 s7, s0;
	s7 =	sadd.s32 s14, s11;
	s8 =	sadd.s32 s13, s11  }
0x12: {  	s29 =	sor.u32 $0x80, s11;
	s31 =	sshrl.u32 s15, $0x3;
	s15 =	sshrl.u32 s16, $0x3  }
0x13: {  	s16 =	simm.s32 $0x4;
	s9 =	sadd.s32 s14, s29;
	s10 =	sadd.s32 s13, s29  }
0x14: {  	s11 =	sadd.s32 $0x68400, s0;
	s13 =	sadd.s32 s31, s13;
	s14 =	sadd.s32 s31, s14  }
.LBB2_6:
0x15: {  	_ =	swait.ge [sflag:s26], $0x4000  }
0x16: {  	[sflag:s26] =	ssyncset.done $0x0  }
0x17: {  	s0 =	sadd.s32 $0x380, s0;
	[sflag:s26] =	ssyncadd.s32 $0xFFFFC000  }
0x18: {  	[spmem:s2] =	stream.indirect.scatter.add.f32 [tilespmem:s23], [sflag:$0x4], $0x80, s0, s21, $0xb8;
	[tilespmem:$0x1CC00] =	vst v63  }
0x19: {  	_ =	swait.ge [sflag:s16], $0x4000  }
0x1a: {  	[sflag:s16] =	ssyncset.done $0x0  }
0x1b: {  	[sflag:s16] =	ssyncadd.s32 $0xFFFFC000  }
.LBB2_4:
0x1c: {  	s28 =	sadd.s32 $0x1, s28  }
0x1d: {  	p0 =	sne.s32 s28, s12  }
.Ltmp1:
0x1e: {  	[bflag:$0x0] =	sbarrier.arrive $0xFFFF;
	(pc) =	sbr.rel @!p0 .LBB2_5-.Ltmp1, $4  }
0x1f: {  	[hbm:s11], [sflag:s6] =	dma.local [spmem:s15], $0x2780  }
0x20: {  	_ =	swait.ge [sflag:s16], $0x2780  }
0x21: {  	[sflag:s16] =	ssyncset.done $0x0  }
0x22: {  	[sflag:s16] =	ssyncadd.s32 $0xFFFFD880  }
.LBB2_1:
0x23: {  	[spmem:s15], [sflag:s6] =	dma.local [hbm:s5], $0x2780  }
0x24: {  	_ =	swait.ge [sflag:s16], $0x2780  }
0x25: {  	[sflag:s16] =	ssyncset.done $0x0  }
0x26: {  	[sflag:s16] =	ssyncadd.s32 $0xFFFFD880  }
0x27: {  	[tilespmem:s4], [sflag:$0x3] =	stream.linear.gather [hbm4b:s7+s4], $0x400, $0x38;
	[tilespmem:$0x1CC00] =	vst v63  }
0x28: {  	_ = 	snop  }
0x29: {  	[tilespmem:s17], [sflag:$0x3] =	stream.linear.gather [hbm4b:s8+s4], $0x400, $0x38;
	[tilespmem:$0x1CC00] =	vst v63  }
0x2a: {  	_ =	swait.ge [sflag:s18], $0x400  }
0x2b: {  	[sflag:s18] =	ssyncset.done $0x0  }
0x2c: {  	[sflag:s18] =	ssyncadd.s32 $0xFFFFFC00  }
0x2d: {  	_ =	swait.ge [sflag:s18], $0x400  }
0x2e: {  	[sflag:s18] =	ssyncset.done $0x0  }
0x2f: {  	[sflag:s18] =	ssyncadd.s32 $0xFFFFFC00  }
0x30: {  	s0 =	simm.s32 $0x400;
	[bflag:$0x0] =	sbarrier.arrive $0xFFFF  }
0x31: {  	[tilespmem:s0], [sflag:$0x3] =	stream.linear.gather [hbm4b:s9+s4], $0x400, $0x38;
	[tilespmem:$0x1CC00] =	vst v63  }
0x32: {  	_ = 	snop  }
0x33: {  	[tilespmem:s20], [sflag:$0x3] =	stream.linear.gather [hbm4b:s10+s4], $0x400, $0x38;
	[tilespmem:$0x1CC00] =	vst v63  }
0x34: {  	_ = 	snop  }
0x35: {  	[tilespmem:s25], [sflag:$0x1] =	stream.indirect.gather [hbm4b:s1+s21], $0x80, s17, s21, $0xb8;
	[tilespmem:$0x1CC00] =	vst v63  }
0x36: {  	s29 =	simm.s32 $0x1000;
	s30 =	simm.s32 $0x0;
	s31 =	simm.s32 $0x0  }
0x37: {  	[tilespmem:s23], [sflag:$0x2] =	stream.indirect.gather [hbm4b:s1+s21], $0x80, s22, s21, $0xb8;
	[tilespmem:$0x1CC00] =	vst v63  }
.LBB2_2:
0x38: {  	p0 =	seq.s32 s30, $0x480  }
0x39: {  	s0 =	simm.s32 @!p0 $0x3  }
0x3a: {  	_ =	swait.ge @!p0 [sflag:s0], $0x400  }
0x3b: {  	[sflag:s0] =	ssyncset.done @!p0 $0x0  }
0x3c: {  	[sflag:s0] =	ssyncadd.s32 @!p0 $0xFFFFFC00  }
0x3d: {  	_ =	swait.ge @!p0 [sflag:s0], $0x400  }
0x3e: {  	[sflag:s0] =	ssyncset.done @!p0 $0x0  }
0x3f: {  	[sflag:s0] =	ssyncadd.s32 @!p0 $0xFFFFFC00  }
0x40: {  	_ =	swait.ge [sflag:s24], $0x4000  }
0x41: {  	s3 =	sand.u32 $0x1, s31;
	[sflag:s24] =	ssyncset.done $0x0  }
0x42: {  	s0 =	sshll.u32 s3, $0xA;
	[sflag:s24] =	ssyncadd.s32 $0xFFFFC000  }
0x43: {  	[spmem:s2] =	stream.indirect.scatter.add.f32 [tilespmem:s25], [sflag:$0x4], $0x80, s0, s21, $0xb8;
	[tilespmem:$0x1CC00] =	vst v63  }
0x44: {  	_ =	swait.ge [sflag:s16], $0x4000  }
0x45: {  	[sflag:s16] =	ssyncset.done $0x0  }
0x46: {  	s3 =	sor.u32 $0x900, s0;
	[sflag:s16] =	ssyncadd.s32 $0xFFFFC000  }
0x47: {  	[tilespmem:s25], [sflag:$0x1] =	stream.indirect.gather [hbm4b:s1+s21], $0x80, s3, s21, $0xb8;
	[tilespmem:$0x1CC00] =	vst v63  }
0x48: {  	_ =	swait.ge [sflag:s26], $0x4000  }
0x49: {  	[sflag:s26] =	ssyncset.done $0x0  }
0x4a: {  	s19 =	sor.u32 $0x80, s0;
	[sflag:s26] =	ssyncadd.s32 $0xFFFFC000  }
0x4b: {  	[spmem:s2] =	stream.indirect.scatter.add.f32 [tilespmem:s23], [sflag:$0x4], $0x80, s19, s21, $0xb8;
	[tilespmem:$0x1CC00] =	vst v63  }
0x4c: {  	_ =	swait.ge [sflag:s16], $0x4000  }
0x4d: {  	[sflag:s16] =	ssyncset.done $0x0  }
0x4e: {  	s19 =	sor.u32 $0x980, s0;
	[sflag:s16] =	ssyncadd.s32 $0xFFFFC000  }
0x4f: {  	[tilespmem:s23], [sflag:$0x2] =	stream.indirect.gather [hbm4b:s1+s21], $0x80, s19, s21, $0xb8;
	[tilespmem:$0x1CC00] =	vst v63  }
0x50: {  	_ =	swait.ge [sflag:s24], $0x4000  }
0x51: {  	[sflag:s24] =	ssyncset.done $0x0  }
0x52: {  	s19 =	sor.u32 $0x100, s0;
	[sflag:s24] =	ssyncadd.s32 $0xFFFFC000  }
0x53: {  	[spmem:s2] =	stream.indirect.scatter.add.f32 [tilespmem:s25], [sflag:$0x4], $0x80, s19, s21, $0xb8;
	[tilespmem:$0x1CC00] =	vst v63  }
0x54: {  	_ =	swait.ge [sflag:s16], $0x4000  }
0x55: {  	[sflag:s16] =	ssyncset.done $0x0  }
0x56: {  	s19 =	sor.u32 $0xA00, s0;
	[sflag:s16] =	ssyncadd.s32 $0xFFFFC000  }
0x57: {  	[tilespmem:s25], [sflag:$0x1] =	stream.indirect.gather [hbm4b:s1+s21], $0x80, s19, s21, $0xb8;
	[tilespmem:$0x1CC00] =	vst v63  }
0x58: {  	_ =	swait.ge [sflag:s26], $0x4000  }
0x59: {  	[sflag:s26] =	ssyncset.done $0x0  }
0x5a: {  	s19 =	sor.u32 $0x180, s0;
	[sflag:s26] =	ssyncadd.s32 $0xFFFFC000  }
0x5b: {  	[spmem:s2] =	stream.indirect.scatter.add.f32 [tilespmem:s23], [sflag:$0x4], $0x80, s19, s21, $0xb8;
	[tilespmem:$0x1CC00] =	vst v63  }
0x5c: {  	_ =	swait.ge [sflag:s16], $0x4000  }
0x5d: {  	[sflag:s16] =	ssyncset.done $0x0  }
0x5e: {  	s19 =	sor.u32 $0xA80, s0;
	[sflag:s16] =	ssyncadd.s32 $0xFFFFC000  }
0x5f: {  	[tilespmem:s23], [sflag:$0x2] =	stream.indirect.gather [hbm4b:s1+s21], $0x80, s19, s21, $0xb8;
	[tilespmem:$0x1CC00] =	vst v63  }
0x60: {  	_ =	swait.ge [sflag:s24], $0x4000  }
0x61: {  	[sflag:s24] =	ssyncset.done $0x0  }
0x62: {  	s19 =	sor.u32 $0x200, s0;
	[sflag:s24] =	ssyncadd.s32 $0xFFFFC000  }
0x63: {  	[spmem:s2] =	stream.indirect.scatter.add.f32 [tilespmem:s25], [sflag:$0x4], $0x80, s19, s21, $0xb8;
	[tilespmem:$0x1CC00] =	vst v63  }
0x64: {  	_ =	swait.ge [sflag:s16], $0x4000  }
0x65: {  	[sflag:s16] =	ssyncset.done $0x0  }
0x66: {  	s19 =	sor.u32 $0xB00, s0;
	[sflag:s16] =	ssyncadd.s32 $0xFFFFC000  }
0x67: {  	[tilespmem:s25], [sflag:$0x1] =	stream.indirect.gather [hbm4b:s1+s21], $0x80, s19, s21, $0xb8;
	[tilespmem:$0x1CC00] =	vst v63  }
0x68: {  	_ =	swait.ge [sflag:s26], $0x4000  }
0x69: {  	[sflag:s26] =	ssyncset.done $0x0  }
0x6a: {  	s19 =	sor.u32 $0x280, s0;
	[sflag:s26] =	ssyncadd.s32 $0xFFFFC000  }
0x6b: {  	[spmem:s2] =	stream.indirect.scatter.add.f32 [tilespmem:s23], [sflag:$0x4], $0x80, s19, s21, $0xb8;
	[tilespmem:$0x1CC00] =	vst v63  }
0x6c: {  	_ =	swait.ge [sflag:s16], $0x4000  }
0x6d: {  	[sflag:s16] =	ssyncset.done $0x0  }
0x6e: {  	s19 =	sor.u32 $0xB80, s0;
	[sflag:s16] =	ssyncadd.s32 $0xFFFFC000  }
0x6f: {  	[tilespmem:s23], [sflag:$0x2] =	stream.indirect.gather [hbm4b:s1+s21], $0x80, s19, s21, $0xb8;
	[tilespmem:$0x1CC00] =	vst v63  }
0x70: {  	_ =	swait.ge [sflag:s24], $0x4000  }
0x71: {  	[sflag:s24] =	ssyncset.done $0x0  }
.Ltmp2:
0x72: {  	s19 =	sor.u32 $0x300, s0;
	[sflag:s24] =	ssyncadd.s32 $0xFFFFC000;
	(pc) =	sbr.rel @p0 .LBB2_6-.Ltmp2, $4  }
0x73: {  	[spmem:s2] =	stream.indirect.scatter.add.f32 [tilespmem:s25], [sflag:$0x4], $0x80, s19, s21, $0xb8;
	[tilespmem:$0x1CC00] =	vst v63  }
0x74: {  	_ =	swait.ge [sflag:s16], $0x4000  }
0x75: {  	[sflag:s16] =	ssyncset.done $0x0  }
0x76: {  	[sflag:s16] =	ssyncadd.s32 $0xFFFFC000  }
0x77: {  	s3 =	sshrl.u32 s29, $0x2  }
0x78: {  	s3 =	sand.u32 $0x400, s3  }
0x79: {  	s19 =	sor.u32 $0x800, s3  }
0x7a: {  	[tilespmem:s25], [sflag:$0x1] =	stream.indirect.gather [hbm4b:s1+s21], $0x80, s19, s21, $0xb8;
	[tilespmem:$0x1CC00] =	vst v63  }
0x7b: {  	_ =	swait.ge [sflag:s26], $0x4000  }
0x7c: {  	[sflag:s26] =	ssyncset.done $0x0  }
0x7d: {  	s19 =	sadd.s32 $0x380, s0;
	[sflag:s26] =	ssyncadd.s32 $0xFFFFC000  }
0x7e: {  	[spmem:s2] =	stream.indirect.scatter.add.f32 [tilespmem:s23], [sflag:$0x4], $0x80, s19, s21, $0xb8;
	[tilespmem:$0x1CC00] =	vst v63  }
0x7f: {  	_ =	swait.ge [sflag:s16], $0x4000  }
0x80: {  	[sflag:s16] =	ssyncset.done $0x0  }
0x81: {  	p0 =	sgt.u32 s31, $0x7;
	s3 =	sor.u32 $0x880, s3;
	[sflag:s16] =	ssyncadd.s32 $0xFFFFC000  }
0x82: {  	[tilespmem:s23], [sflag:$0x2] =	stream.indirect.gather [hbm4b:s1+s21], $0x80, s3, s21, $0xb8;
	[tilespmem:$0x1CC00] =	vst v63  }
0x83: {  	s19 =	simm.s32 @!p0 $0x0;
	s3 =	sadd.s32 @!p0 s30, s14  }
0x84: {  	[tilespmem:s0], [sflag:$0x3] =	stream.linear.gather @!p0 [hbm4b:s3+s19], $0x400, $0x38;
	[tilespmem:$0x1CC00] =	vst v63  }
0x85: {  	s0 =	sor.u32 @!p0 $0x800, s0;
	s3 =	sadd.s32 @!p0 s30, s13;
	s30 =	sadd.s32 $0x80, s30  }
0x86: {  	[tilespmem:s0], [sflag:$0x3] =	stream.linear.gather @!p0 [hbm4b:s3+s19], $0x400, $0x38;
	[tilespmem:$0x1CC00] =	vst v63  }
0x87: {  	p0 =	sne.s32 s30, $0x500  }
.Ltmp3:
0x88: {  	_ = 	snop;
	(pc) =	sbr.rel @p0 .LBB2_2-.Ltmp3, $4  }
.Ltmp4:
0x89: {  	_ = 	snop;
	(pc) =	sbr.rel @!p0 .LBB2_4-.Ltmp4, $4  }
0x8a: {  	_ = 	snop  }
0x8b: {  	_ = 	snop  }
0x8c: {  	s29 =	sadd.s32 $0x1000, s29;
	s31 =	sadd.s32 $0x1, s31  }
0x8d: {  	_ = 	snop  }
.LBB2_5:
0x8e: {  	_ =	sfence.sel $0x180000  }
0x8f: {  	[bflag:$0x0] =	sbarrier.arrive $0xFFFF  }
0x90: {  	_ =	strace $0x9000004D  }
0x91: {  	s0 =	stileid.u32;
	[bflag:$0x2] =	sbarrier.arrive $0xFFFF  }
0x92: {  	p0 =	sne.s32 s0, $0x0;
	s0 =	rddreg [dreg:$0x3]  }
0x93: {  	s0 =	sadd.s32 @!p0 $0x100000, s0  }
0x94: {  	[sflag:s0] =	ssyncadd.tile.s32 @!p0 $0x1;
	_ =	shalt  }
.Lfunc_end2:
_tile_overlayer_lowered:
.L_overlay_start_2:
0x95: {  	(tag) =	ssettag $0x2  }
0x96: {  	s0 =	rddreg [dreg:$0x0];
	s2 =	stileid.u32  }
0x97: {  	s1 =	rddreg [dreg:$0x1];
	p0 =	sne.s32 s2, $0x0  }
0x98: {  	s3 =	rddreg [dreg:$0x2];
	[bflag:$0x3] =	sbarrier.arrive $0xFFFF;
	s2 =	simm.s32 @!p0 $0x1C04  }
0x99: {  	[timem:s3], [sflag:s2] =	dma.local @!p0 [hbm:s0], s1  }
0x9a: {  	s0 =	simm.s32 @!p0 $0x4  }
0x9b: {  	_ =	swait.ge @!p0 [sflag:s0], s1  }
0x9c: {  	s1 =	ssub.s32 @!p0 $0x0, s1;
	[sflag:s0] =	ssyncset.done @!p0 $0x0  }
0x9d: {  	[sflag:s0] =	ssyncadd.s32 @!p0 s1  }
0x9e: {  	[bflag:$0x3] =	sbarrier.arrive $0xFFFF  }
0x9f: {  	_ =	shalt  }

// kernel: kernel.8.cloned.1.call-start
scs
__scs_entry_jumppad:
0x0: {  	(pc) =	sbr.rel $0x88, $3  }
0x1: {  	(tag) =	ssettag $0x0;
	lr =	simm.s32 $0x1  }
0x2: {  	[smem:$0x3F9F] =	sst lr;
	_ =	strace $0xD0000000  }
0x3: {  	_ = 	snop  }
0x4: {  	_ = 	snop  }
0x5: {  	_ = 	snop  }
0x6: {  	_ = 	snop  }
0x7: {  	_ = 	snop  }
__scs_overlays_trampoline_lowered:
0x8: {  	[smem:$0x3FAE] =	sst s0  }
0x9: {  	[smem:$0x3FAF] =	sst s1  }
0xa: {  	[smem:$0x3FB0] =	sst s2  }
0xb: {  	[smem:$0x3FB1] =	sst s3  }
0xc: {  	[smem:$0x3FB2] =	sst s4  }
0xd: {  	[smem:$0x3FB3] =	sst s5  }
0xe: {  	[smem:$0x3FB4] =	sst s6  }
0xf: {  	[smem:$0x3FB5] =	sst s7  }
0x10: {  	[smem:$0x3FB6] =	sst s8  }
0x11: {  	[smem:$0x3FB7] =	sst s9;
	s0 =	simm.s32 @!p0 $0x0  }
0x12: {  	s1 =	sld [smem:$0x3F9D];
	s0 =	simm.s32 @p0 $0x1  }
0x13: {  	[smem:$0x3FB8] =	sst s0;
	s0 =	simm.s32 @!p1 $0x0  }
0x14: {  	s2 =	sld [smem:$0x3F9C];
	s0 =	simm.s32 @p1 $0x1  }
0x15: {  	[smem:$0x3FB9] =	sst s0;
	s0 =	simm.s32 @!p2 $0x0  }
0x16: {  	s3 =	sld [smem:$0x3FDB];
	s0 =	simm.s32 @p2 $0x1  }
0x17: {  	s4 =	simm.s32 $0x1BF5;
	[smem:$0x3FBB] =	sst s0  }
0x18: {  	s0 =	sld [smem:$0x3F9E];
	_ =	swait.ge [sflag:s4], $0x0  }
0x19: {  	s7 =	sld [smem:$0x3F9F]  }
0x1a: {  	s8 =	sadd.s32 $0xFFFFE003, lr  }
0x1b: {  	s9 =	sadd.s32 $0xFFFFFEF7, lr;
	s5 =	simm.s32 $0xFFFFFFFF;
	p2 =	slt.u32 s8, $0xFFFFF086  }
0x1c: {  	p1 =	slt.u32 s9, $0xF7A;
	s5 =	simm.s32 @!p2 $0x0  }
0x1d: {  	s5 =	simm.s32 @p1 $0x1;
	p0 =	seq.s32 s7, s2  }
0x1e: {  	s7 =	smul.u32 @!p0 $0xF7A, s2;
	p2 =	seq.s32 @!p0 s5, $0x0  }
0x1f: {  	s9 =	smul.u32 $0xF7A, s1;
	s8 =	simm.s32 @!p0 $0x1BF5;
	p2 =	por !p2, p0  }
0x20: {  	[sflag:s8] =	ssyncset.s32 @!p0 $0xFFFFF086;
	s6 =	sadd.s32 @!p0 s3, s7;
	s7 =	simm.s32 @!p0 $0x108  }
0x21: {  	s3 =	sadd.s32 s3, s9;
	s6 =	sadd.s32 @!p0 $0x88, s6;
	s7 =	simm.s32 @p2 $0x1082  }
0x22: {  	[simem:s7], [sflag:s8] =	dma.local @!p0 [hbm:s6], $0xF7A  }
0x23: {  	s9 =	sor.u32 $0xD0000000, s2;
	s6 =	simm.s32 $0x108;
	_ =	swait.ge @!p0 [sflag:s8], $0x0  }
0x24: {  	s3 =	sadd.s32 $0x88, s3;
	s6 =	simm.s32 @!p1 $0x1082;
	[sflag:s4] =	ssyncset.s32 $0xFFFFF086  }
0x25: {  	[simem:s6], [sflag:s4] =	dma.local [hbm:s3], $0xF7A  }
0x26: {  	[smem:$0x3F9F] =	sst s1;
	(tag) =	ssettag s2;
	_ =	strace s9  }
0x27: {  	s1 =	sld [smem:$0x3FAF]  }
0x28: {  	s2 =	sld [smem:$0x3FB0]  }
0x29: {  	s4 =	sld [smem:$0x3FB2]  }
0x2a: {  	p0 =	seq.s32 s5, $0x0;
	s5 =	sld [smem:$0x3FB3]  }
0x2b: {  	s6 =	sld [smem:$0x3FB4]  }
0x2c: {  	s7 =	sld [smem:$0x3FB5]  }
0x2d: {  	s3 =	simm.s32 $0x108;
	s8 =	sld [smem:$0x3FB6]  }
0x2e: {  	s3 =	simm.s32 @!p0 $0x1082;
	s9 =	sld [smem:$0x3FB7]  }
0x2f: {  	lr =	sadd.s32 s0, s3;
	s0 =	sld [smem:$0x3FAE]  }
0x30: {  	s3 =	sld [smem:$0x3FB1]  }
0x31: {  	[smem:$0x3FBA] =	sst s10  }
0x32: {  	s10 =	sld [smem:$0x3FB8];
	_ =	sdelay $0x3  }
0x33: {  	p0 =	seq.s32 s10, $0x1;
	s10 =	sld [smem:$0x3FBA];
	_ =	sdelay $0x3  }
0x34: {  	[smem:$0x3FBA] =	sst s10  }
0x35: {  	s10 =	sld [smem:$0x3FB9];
	_ =	sdelay $0x3  }
0x36: {  	p1 =	seq.s32 s10, $0x1;
	s10 =	sld [smem:$0x3FBA];
	_ =	sdelay $0x3  }
0x37: {  	[smem:$0x3FBA] =	sst s10  }
0x38: {  	s10 =	sld [smem:$0x3FBB]  }
0x39: {  	_ = 	snop;
	(pc) =	sbr.ind lr, $3  }
0x3a: {  	_ = 	snop  }
0x3b: {  	_ = 	snop  }
0x3c: {  	p2 =	seq.s32 s10, $0x1;
	s10 =	sld [smem:$0x3FBA]  }
0x3d: {  	_ =	shalt  }
0x3e: {  	_ =	shalt  }
0x3f: {  	_ =	shalt  }
0x40: {  	_ =	shalt  }
0x41: {  	_ =	shalt  }
0x42: {  	_ =	shalt  }
0x43: {  	_ =	shalt  }
0x44: {  	_ =	shalt  }
0x45: {  	_ =	shalt  }
0x46: {  	_ =	shalt  }
0x47: {  	_ =	shalt  }
0x48: {  	_ =	shalt  }
0x49: {  	_ =	shalt  }
0x4a: {  	_ =	shalt  }
0x4b: {  	_ =	shalt  }
0x4c: {  	_ =	shalt  }
0x4d: {  	_ =	shalt  }
0x4e: {  	_ =	shalt  }
0x4f: {  	_ =	shalt  }
0x50: {  	_ =	shalt  }
0x51: {  	_ =	shalt  }
0x52: {  	_ =	shalt  }
0x53: {  	_ =	shalt  }
0x54: {  	_ =	shalt  }
0x55: {  	_ =	shalt  }
0x56: {  	_ =	shalt  }
0x57: {  	_ =	shalt  }
0x58: {  	_ =	shalt  }
0x59: {  	_ =	shalt  }
0x5a: {  	_ =	shalt  }
0x5b: {  	_ =	shalt  }
0x5c: {  	_ =	shalt  }
0x5d: {  	_ =	shalt  }
0x5e: {  	_ =	shalt  }
0x5f: {  	_ =	shalt  }
0x60: {  	_ =	shalt  }
0x61: {  	_ =	shalt  }
0x62: {  	_ =	shalt  }
0x63: {  	_ =	shalt  }
0x64: {  	_ =	shalt  }
0x65: {  	_ =	shalt  }
0x66: {  	_ =	shalt  }
0x67: {  	_ =	shalt  }
0x68: {  	_ =	shalt  }
0x69: {  	_ =	shalt  }
0x6a: {  	_ =	shalt  }
0x6b: {  	_ =	shalt  }
0x6c: {  	_ =	shalt  }
0x6d: {  	_ =	shalt  }
0x6e: {  	_ =	shalt  }
0x6f: {  	_ =	shalt  }
0x70: {  	_ =	shalt  }
0x71: {  	_ =	shalt  }
0x72: {  	_ =	shalt  }
0x73: {  	_ =	shalt  }
0x74: {  	_ =	shalt  }
0x75: {  	_ =	shalt  }
0x76: {  	_ =	shalt  }
0x77: {  	_ =	shalt  }
0x78: {  	_ =	shalt  }
0x79: {  	_ =	shalt  }
0x7a: {  	_ =	shalt  }
0x7b: {  	_ =	shalt  }
0x7c: {  	_ =	shalt  }
0x7d: {  	_ =	shalt  }
0x7e: {  	_ =	shalt  }
0x7f: {  	_ =	shalt  }
0x80: {  	_ =	shalt  }
0x81: {  	_ =	shalt  }
0x82: {  	_ =	shalt  }
0x83: {  	_ =	shalt  }
0x84: {  	_ =	shalt  }
0x85: {  	_ =	shalt  }
0x86: {  	_ =	shalt  }
0x87: {  	_ =	shalt  }
.Lfunc_end0:
.L_simem_size_0:
called_computation_lowered:
.L_overlay_start_0:
0x88: {  	s2 =	sld [smem:$0x3FD9]  }
0x89: {  	s3 =	sld [smem:$0x3FFE];
	_ =	sdelay $0x1  }
0x8a: {  	s1 =	srdreg.scid  }
0x8b: {  	s0 =	sand.u32 $0x1, s1  }
0x8c: {  	s17 =	sshll.u32 s0, $0xA;
	s2 =	sadd.s32 s3, s2  }
0x8d: {  	s2 =	sadd.s32 s2, s17  }
0x8e: {  	[smem:$0x3FC6] =	sst s2  }
0x8f: {  	_ = 	snop  }
0x90: {  	s2 =	sld [smem:$0x3FD0];
	(tm) =	ssettm $0x1  }
0x91: {  	s18 =	sld [smem:$0x3FFB];
	_ =	sdelay $0x3  }
0x92: {  	_ =	strace s18  }
0x93: {  	s3 =	sld [smem:$0x3FFC];
	_ =	sdelay $0x3  }
0x94: {  	_ =	strace s3  }
0x95: {  	s3 =	sld [smem:$0x3FFD];
	_ =	sdelay $0x3  }
0x96: {  	_ =	strace s3  }
0x97: {  	_ =	strace $0x8FFFFFFF  }
0x98: {  	s19 =	sld [smem:$0x3FDB];
	_ =	sdelay $0x1  }
0x99: {  	s4 =	simm.s32 $_scs_section_size  }
0x9a: {  	s5 =	simm.s32 $_size__tile_overlayer_lowered;
	s6 =	simm.s32 $_tile_overlayer_lowered  }
0x9b: {  	s22 =	simm.s32 $0x1BFF;
	s21 =	sshll.u32 s6, $0x1;
	s3 =	sadd.s32 s4, s19  }
0x9c: {  	s7 =	simm.s32 $0x0;
	s20 =	sshll.u32 s5, $0x1;
	s5 =	sadd.s32 s21, s3  }
0x9d: {  	[timem:s7], [sflag:s22] =	dma.local [hbm:s5], s20  }
0x9e: {  	_ =	swait.ge [sflag:s22], s20  }
0x9f: {  	s4 =	ssub.s32 $0x0, s20;
	[sflag:s22] =	ssyncset.done $0x0  }
0xa0: {  	[sflag:s22] =	ssyncadd.s32 s4;
	_ =	sdelay $0x1  }
0xa1: {  	s23 =	simm.s32 $0x1B8B  }
0xa2: {  	_ =	swait.ge [sflag:s23], $0x1  }
0xa3: {  	[sflag:s23] =	ssyncset.done $0x0  }
0xa4: {  	s25 =	simm.s32 $0x1B8E;
	s24 =	sld [smem:$0x3FFE];
	[sflag:s23] =	ssyncadd.s32 $0xFFFFFFFF  }
0xa5: {  	s26 =	simm.s32 $execute0_lowered;
	[smem:$0x3FD2] =	sst s25  }
0xa6: {  	s5 =	sshll.u32 s26, $0x1;
	_ =	strace $0x80000046;
	[dreg:$0x1] =	wrdreg $0xFFFFFFFF  }
0xa7: {  	s28 =	simm.s32 $_size_execute0_lowered;
	s3 =	sadd.s32 s3, s5;
	[dreg:$0x0] =	wrdreg $0x0  }
0xa8: {  	s5 =	sshll.u32 s28, $0x1;
	[dreg:$0x2] =	wrdreg s3  }
0xa9: {  	[dreg:$0x3] =	wrdreg s5  }
0xaa: {  	[dreg:$0x4] =	wrdreg $0xC0  }
0xab: {  	_ =	task [dreg:s7], $0x5FFFF  }
0xac: {  	[dreg:$0x1] =	wrdreg $0xFFFFFFFF  }
0xad: {  	[dreg:$0x0] =	wrdreg $0x60  }
0xae: {  	[dreg:$0x2] =	wrdreg s2  }
0xaf: {  	[dreg:$0x3] =	wrdreg s24  }
0xb0: {  	[dreg:$0x4] =	wrdreg $0x68000  }
0xb1: {  	[dreg:$0x5] =	wrdreg $0x9  }
0xb2: {  	_ =	task.clear_ibuf [dreg:s7], $0x6FFFF;
	_ =	strace $0x90000046  }
0xb3: {  	s29 =	simm.s32 $0x9;
	_ =	strace $0x80000048  }
0xb4: {  	_ =	swait.ge [sflag:s29], $0x1  }
0xb5: {  	[sflag:s29] =	ssyncadd.s32 $0xFFFFFFFF  }
0xb6: {  	_ =	strace $0x90000048  }
0xb7: {  	_ =	sfence  }
0xb8: {  	s30 =	sld [smem:$0x0];
	_ =	sdelay $0x2  }
0xb9: {  	s31 =	sshll.u32 s1, $0xD;
	s1 =	sshrl.u32 s1, $0x2  }
0xba: {  	s3 =	sand.u32 $0x4000, s31;
	s1 =	sadd.s32 s1, s30  }
0xbb: {  	s0 =	sor.u32 s3, s0;
	s1 =	sshll.u32 s1, $0x11  }
0xbc: {  	s0 =	sor.u32 s1, s0  }
0xbd: {  	s0 =	sadd.s32 $0x8F2B, s0  }
0xbe: {  	[sflag:s0] =	ssyncadd.remote.s32 $0x1  }
0xbf: {  	_ =	sfence.sel $0xFFFF  }
0xc0: {  	[dreg:$0x0] =	wrdreg $0xFFFFFFFF;
	(pc) =	sbr.abs _section_cstart, $3  }
0xc1: {  	[dreg:$0x1] =	wrdreg $0xFFFFFFFF  }
0xc2: {  	_ =	task.clear_ibuf [dreg:s7], $0x2FFFF;
	_ =	strace $0x9FFFFFFF  }
0xc3: {  	(tm) =	ssettm $0x7FFFFFFF  }
tec
execute0_lowered:
.L_overlay_start_1:
0x0: {  	(tag) =	ssettag $0x1  }
0x1: {  	s7 =	rddreg [dreg:$0x0]  }
0x2: {  	s6 =	rddreg [dreg:$0x1]  }
0x3: {  	s1 =	rddreg [dreg:$0x2]  }
0x4: {  	s2 =	srdreg.scid;
	s0 =	rddreg [dreg:$0x3];
	s3 =	simm.s32 $0x0  }
0x5: {  	s12 =	simm.s32 $0x2800;
	s13 =	simm.s32 $0x80;
	s8 =	sand.u32 $0x1, s2  }
0x6: {  	s14 =	simm.s32 $0x0;
	s2 =	stileid.u32;
	s9 =	smul.u32 $0x13C000, s8  }
0x7: {  	[smem:$0x7FF] =	sst s3;
	s4 =	sadd.s32 $0x2400, s6;
	s10 =	smul.u32 $0x13C00, s2  }
0x8: {  	s5 =	sadd.s32 $0x2C00, s6;
	_ =	strace $0x80000047;
	s28 =	smul.u32 $0x4F000, s2  }
0x9: {  	s11 =	sshll.u32 s2, $0x1;
	s29 =	ssub.s32 $0x2, s8;
	s31 =	sshll.u32 s2, $0x6  }
0xa: {  	s8 =	sor.u32 s8, s11;
	s30 =	sshrl.u32 s29, $0x1;
	s9 =	sadd.s32 s10, s9  }
0xb: {  	s10 =	sshrl.u32 s28, $0x2;
	s8 =	smul.u32 $0x500, s8;
	s9 =	sshrl.u32 s9, $0x3  }
0xc: {  	s11 =	ssub.s32 s29, s30;
	s10 =	sadd.s32 s10, s1;
	s9 =	sadd.s32 s9, s6  }
0xd: {  	s6 =	sor.u32 $0x1C01, s31;
	s7 =	sadd.s32 s7, s8;
	s10 =	sshrl.u32 s10, $0x3  }
0xe: {  	s8 =	sadd.s32 $0x5400, s9;
	s9 =	smax.u32 s11, $0x1;
	s11 =	simm.s32 $0x1  }
.LBB2_1:
0xf: {  	[spmem:s10], [sflag:s6] =	dma.local [hbm:s5], $0x2780  }
0x10: {  	_ =	swait.ge [sflag:s11], $0x2780  }
0x11: {  	[sflag:s11] =	ssyncset.done $0x0  }
0x12: {  	[sflag:s11] =	ssyncadd.s32 $0xFFFFD880  }
0x13: {  	[tilespmem:s3], [sflag:$0x1] =	stream.linear.gather [hbm4b:s7+s3], $0x2780, $0x38;
	[tilespmem:$0x1A400] =	vst v63  }
0x14: {  	_ =	swait.ge [sflag:s11], $0x2780  }
0x15: {  	[sflag:s11] =	ssyncset.done $0x0  }
0x16: {  	[sflag:s11] =	ssyncadd.s32 $0xFFFFD880  }
0x17: {  	[tilespmem:s12], [sflag:$0x1] =	stream.linear.gather [hbm4b:s4+s3], $0x4000, $0x38;
	[tilespmem:$0x1A400] =	vst v63  }
0x18: {  	_ =	swait.ge [sflag:s11], $0x4000  }
0x19: {  	[sflag:s11] =	ssyncset.done $0x0  }
0x1a: {  	[sflag:s11] =	ssyncadd.s32 $0xFFFFC000  }
0x1b: {  	s15 =	simm.s32 $0x0;
	[bflag:$0x0] =	sbarrier.arrive $0xFFFF  }
0x1c: {  	[spmem:s1] =	stream.indirect.scatter.add.f32 [tilespmem:s12], [sflag:$0x1], $0x80, s15, s13, $0xb8;
	[tilespmem:$0x1A400] =	vst v63  }
0x1d: {  	_ =	swait.ge [sflag:s11], $0x4000  }
0x1e: {  	s15 =	simm.s32 $0x200;
	[sflag:s11] =	ssyncset.done $0x0  }
.LBB2_2:
0x1f: {  	s16 =	sshra.s32 s15, $0x2;
	[sflag:s11] =	ssyncadd.s32 $0xFFFFC000;
	p0 =	sne.s32 s15, $0x9C00  }
0x20: {  	[spmem:s1] =	stream.indirect.scatter.add.f32 [tilespmem:s12], [sflag:$0x1], $0x80, s16, s13, $0xb8;
	[tilespmem:$0x1A400] =	vst v63  }
.Ltmp0:
0x21: {  	_ = 	snop;
	(pc) =	sbr.rel @p0 .LBB2_2-.Ltmp0, $4  }
0x22: {  	_ = 	snop  }
0x23: {  	s15 =	sadd.s32 $0x200, s15  }
0x24: {  	_ =	swait.ge [sflag:s11], $0x4000  }
0x25: {  	[sflag:s11] =	ssyncset.done $0x0  }
0x26: {  	s14 =	sadd.s32 $0x1, s14  }
0x27: {  	[sflag:s11] =	ssyncadd.s32 $0xFFFFC000;
	p0 =	sne.s32 s14, s9  }
.Ltmp1:
0x28: {  	[bflag:$0x0] =	sbarrier.arrive $0xFFFF;
	(pc) =	sbr.rel @p0 .LBB2_1-.Ltmp1, $4  }
0x29: {  	[hbm:s8], [sflag:s6] =	dma.local [spmem:s10], $0x2780  }
0x2a: {  	_ =	swait.ge [sflag:s11], $0x2780  }
0x2b: {  	[sflag:s11] =	ssyncset.done $0x0  }
0x2c: {  	[sflag:s11] =	ssyncadd.s32 $0xFFFFD880  }
0x2d: {  	_ =	sfence.sel $0x180000  }
0x2e: {  	[bflag:$0x0] =	sbarrier.arrive $0xFFFF  }
0x2f: {  	p0 =	sne.s32 s2, $0x0;
	_ =	strace $0x90000047  }
0x30: {  	s0 =	sadd.s32 @!p0 $0x100000, s0;
	[bflag:$0x2] =	sbarrier.arrive $0xFFFF  }
0x31: {  	[sflag:s0] =	ssyncadd.tile.s32 @!p0 $0x1;
	_ =	shalt  }
.Lfunc_end2:
_tile_overlayer_lowered:
.L_overlay_start_2:
0x32: {  	(tag) =	ssettag $0x2  }
0x33: {  	s0 =	rddreg [dreg:$0x0];
	s2 =	stileid.u32  }
0x34: {  	s1 =	rddreg [dreg:$0x1];
	p0 =	sne.s32 s2, $0x0  }
0x35: {  	s3 =	rddreg [dreg:$0x2];
	[bflag:$0x3] =	sbarrier.arrive $0xFFFF;
	s2 =	simm.s32 @!p0 $0x1C01  }
0x36: {  	[timem:s3], [sflag:s2] =	dma.local @!p0 [hbm:s0], s1  }
0x37: {  	s0 =	simm.s32 @!p0 $0x1  }
0x38: {  	_ =	swait.ge @!p0 [sflag:s0], s1  }
0x39: {  	s1 =	ssub.s32 @!p0 $0x0, s1;
	[sflag:s0] =	ssyncset.done @!p0 $0x0  }
0x3a: {  	[sflag:s0] =	ssyncadd.s32 @!p0 s1  }
0x3b: {  	[bflag:$0x3] =	sbarrier.arrive $0xFFFF  }
0x3c: {  	_ =	shalt  }

</sc_bundles>
